<compile_context>
chip_gen: v7x
topology: tpu7x:2x2x1
jax: 0.10.2.dev20260603
libtpu: 0.0.44.dev20260713+nightly
codegen_flags: <defaults>
</compile_context>

<pallas_src>
import functools

import jax
import jax.numpy as jnp
from jax import lax
from jax.experimental import pallas as pl
from jax.experimental.pallas import tpu as pltpu
from jax.experimental.pallas import tpu_sc as plsc

N_NODES = 10000
N_INC = 160000
VOCAB = 128
HIDDEN = 256
N_CYCLES = 10000

NC = 2
NS = 16
L = 16
NW = NC * NS
INC_W = N_INC // NW
CHUNK = 128
NCHUNK = (INC_W + CHUNK - 1) // CHUNK
SLAB = NCHUNK * CHUNK
NGRP = SLAB // L
CNT_REAL = N_CYCLES * VOCAB
SCRAP = CNT_REAL
ZCH = 8192
ZPT = 10
CNT_PAD = NS * ZPT * ZCH
OUT_W = CNT_REAL // NS

K = 40
NCK = INC_W // K

_sc_mesh = plsc.VectorSubcoreMesh(core_axis_name="c", subcore_axis_name="s")
_sc_params = pltpu.CompilerParams(needs_layout_passes=False)


@functools.partial(
    pl.kernel,
    out_type=(
        jax.ShapeDtypeStruct((N_INC,), jnp.int32),
        jax.ShapeDtypeStruct((NC * CNT_REAL,), jnp.float32)
    ),
    mesh=_sc_mesh,
    scratch_types=[
        pltpu.VMEM((N_NODES,), jnp.int32),
        pltpu.VMEM((SLAB,), jnp.int32),
        pltpu.VMEM((SLAB,), jnp.int32),
        pltpu.VMEM((SLAB,), jnp.int32),
        pltpu.VMEM((NCHUNK, CHUNK), jnp.int32),
        pltpu.VMEM((CHUNK,), jnp.float32),
        pltpu.VMEM((ZCH,), jnp.float32),
        pltpu.VMEM_SHARED((CNT_PAD,), jnp.float32),
    ],
    compiler_params=_sc_params,
)
def _sc_index_counts(x_hbm, ni_hbm, cy_hbm, idx_hbm, cnt_hbm,
                     x_v, ni_v, cy_v, v_v, flat_v, ones_v, zero_v, cnt_sh):
    c = lax.axis_index("c")
    s = lax.axis_index("s")
    w = c * NS + s
    base = w * INC_W

    pltpu.sync_copy(x_hbm, x_v)
    pltpu.sync_copy(ni_hbm.at[pl.ds(base, INC_W)], ni_v.at[pl.ds(0, INC_W)])
    pltpu.sync_copy(cy_hbm.at[pl.ds(base, INC_W)], cy_v.at[pl.ds(0, INC_W)])

    def _fill_ones(i, _):
        ones_v[pl.ds(i * L, L)] = jnp.full((L,), 1.0, jnp.float32)
        return 0
    lax.fori_loop(0, CHUNK // L, _fill_ones, 0)

    def _fill_zero(i, _):
        zero_v[pl.ds(i * L, L)] = jnp.zeros((L,), jnp.float32)
        return 0
    lax.fori_loop(0, ZCH // L, _fill_zero, 0)

    def _zero_cnt(j, _):
        pltpu.sync_copy(zero_v, cnt_sh.at[pl.ds((s * ZPT + j) * ZCH, ZCH)])
        return 0
    lax.fori_loop(0, ZPT, _zero_cnt, 0)
    plsc.subcore_barrier()

    lane = lax.iota(jnp.int32, L)

    def _grp(g, _):
        off = g * L
        ni = ni_v[pl.ds(off, L)]
        ni = jnp.clip(ni, 0, N_NODES - 1)
        cy = cy_v[pl.ds(off, L)]
        v = plsc.load_gather(x_v, [ni])
        flat = cy * VOCAB + v
        flat = jnp.where(off + lane < INC_W, flat, SCRAP)
        v_v[pl.ds(off, L)] = v
        row = g // (CHUNK // L)
        col = (g % (CHUNK // L)) * L
        flat_v[row, pl.ds(col, L)] = flat
        return 0
    lax.fori_loop(0, NGRP, _grp, 0)

    def _scat(j, _):
        pltpu.sync_copy(ones_v, cnt_sh.at[flat_v.at[j]], add=True)
        return 0
    lax.fori_loop(0, NCHUNK, _scat, 0)
    plsc.subcore_barrier()

    pltpu.sync_copy(cnt_sh.at[pl.ds(s * OUT_W, OUT_W)],
                    cnt_hbm.at[pl.ds(c * CNT_REAL + s * OUT_W, OUT_W)])
    pltpu.sync_copy(v_v.at[pl.ds(0, INC_W)], idx_hbm.at[pl.ds(base, INC_W)])


_RB = 1000


def _tc_seg_body(cnt_ref, emb_ref, seg_ref):
    csum = cnt_ref[0] + cnt_ref[1]
    seg_ref[...] = jnp.dot(csum, emb_ref[...],
                           preferred_element_type=jnp.float32)


def _tc_seg(counts3, emb_table):
    return pl.pallas_call(
        _tc_seg_body,
        grid=(N_CYCLES // _RB,),
        in_specs=[
            pl.BlockSpec((NC, _RB, VOCAB), lambda i: (0, i, 0)),
            pl.BlockSpec((VOCAB, HIDDEN), lambda i: (0, 0)),
        ],
        out_specs=pl.BlockSpec((_RB, HIDDEN), lambda i: (i, 0)),
        out_shape=jax.ShapeDtypeStruct((N_CYCLES, HIDDEN), jnp.float32),
    )(counts3, emb_table)


@functools.partial(
    pl.kernel,
    out_type=jax.ShapeDtypeStruct((N_INC, HIDDEN), jnp.float32),
    mesh=_sc_mesh,
    scratch_types=[
        pltpu.VMEM((INC_W,), jnp.int32),
        pltpu.VMEM((INC_W,), jnp.int32),
        pltpu.VMEM((4, K, HIDDEN), jnp.float32),
        pltpu.VMEM((4, K, HIDDEN), jnp.float32),
        pltpu.SemaphoreType.DMA,
        pltpu.SemaphoreType.DMA,
        pltpu.SemaphoreType.DMA,
        pltpu.SemaphoreType.DMA,
        pltpu.SemaphoreType.DMA,
        pltpu.SemaphoreType.DMA,
        pltpu.SemaphoreType.DMA,
        pltpu.SemaphoreType.DMA,
        pltpu.SemaphoreType.DMA,
        pltpu.SemaphoreType.DMA,
        pltpu.SemaphoreType.DMA,
        pltpu.SemaphoreType.DMA,
    ],
    compiler_params=_sc_params,
)
def _sc_combine(idx_hbm, cy_hbm, emb2_hbm, seg_hbm, out_hbm,
                idx_v, cy_v, b_v, o_v,
                sa0, sa1, sa2, sa3, sb0, sb1, sb2, sb3,
                so0, so1, so2, so3):
    c = lax.axis_index("c")
    s = lax.axis_index("s")
    base = (c * NS + s) * INC_W
    sems_a = (sa0, sa1, sa2, sa3)
    sems_b = (sb0, sb1, sb2, sb3)
    sems_o = (so0, so1, so2, so3)

    pltpu.sync_copy(idx_hbm.at[pl.ds(base, INC_W)], idx_v)
    pltpu.sync_copy(cy_hbm.at[pl.ds(base, INC_W)], cy_v)

    def _fire_g(j, slot):
        pltpu.async_copy(emb2_hbm.at[idx_v.at[pl.ds(j * K, K)]],
                         o_v.at[slot], sems_a[slot])
        pltpu.async_copy(seg_hbm.at[cy_v.at[pl.ds(j * K, K)]],
                         b_v.at[slot], sems_b[slot])

    def _wait_g(j, slot):
        pltpu.make_async_copy(emb2_hbm.at[idx_v.at[pl.ds(j * K, K)]],
                              o_v.at[slot], sems_a[slot]).wait()
        pltpu.make_async_copy(seg_hbm.at[cy_v.at[pl.ds(j * K, K)]],
                              b_v.at[slot], sems_b[slot]).wait()

    def _fire_s(j, slot):
        pltpu.async_copy(o_v.at[slot], out_hbm.at[pl.ds(base + j * K, K)],
                         sems_o[slot])

    def _wait_s(j, slot):
        pltpu.make_async_copy(o_v.at[slot],
                              out_hbm.at[pl.ds(base + j * K, K)],
                              sems_o[slot]).wait()

    def _add(slot):
        def _row(r, _):
            for g in range(HIDDEN // L):
                plsc.addupdate(o_v.at[slot, r, pl.ds(g * L, L)],
                               b_v[slot, r, pl.ds(g * L, L)])
            return 0
        lax.fori_loop(0, K, _row, 0)

    _fire_g(0, 0)
    _fire_g(1, 1)

    def _step(q, slot):
        @pl.when(q < NCK)
        def _():
            @pl.when(q >= 2)
            def _():
                _wait_s(q - 2, (slot + 2) % 4)

            @pl.when(q + 2 < NCK)
            def _():
                _fire_g(q + 2, (slot + 2) % 4)

            _wait_g(q, slot)
            _add(slot)
            _fire_s(q, slot)

    def _quad(t, _):
        for u in range(4):
            _step(4 * t + u, u)
        return 0
    lax.fori_loop(0, (NCK + 3) // 4, _quad, 0)

    _wait_s(NCK - 2, (NCK - 2) % 4)
    _wait_s(NCK - 1, (NCK - 1) % 4)


@jax.jit
def kernel(x, node_index, cycle_id, emb_table, epsilon):
    x = x.astype(jnp.int32)
    node_index = node_index.astype(jnp.int32)
    cycle_id = cycle_id.astype(jnp.int32)
    idx, counts = _sc_index_counts(x, node_index, cycle_id)
    seg = _tc_seg(counts.reshape(NC, N_CYCLES, VOCAB), emb_table)
    emb2 = (1.0 + epsilon) * emb_table
    return _sc_combine(idx, cycle_id, emb2, seg)

# --- scband reference (transcript-rebuilt; emitter-appended) ---
"""Pipeline reference for scband-cycle-embedding-31705448579488 (READ-ONLY COPY).

The authoritative reference and input builder live on the scoring server;
editing this copy changes nothing except your own understanding.
"""

import jax, jax.numpy as jnp
import numpy as np

N_NODES = 10000
N_INC = 160000
VOCAB = 128
HIDDEN = 256
N_CYCLES = 10000


def setup_inputs(seed: int = 0) -> dict:
    key = jax.random.key(seed)
    k1, k2, k3, k4 = jax.random.split(key, 4)
    x = jax.random.randint(k1, (N_NODES,), 0, VOCAB)
    node_index = jax.random.randint(k2, (N_INC,), 0, N_NODES)
    cycle_id = jnp.sort(jax.random.randint(k3, (N_INC,), 0, N_CYCLES))
    emb_table = jax.random.normal(k4, (VOCAB, HIDDEN), dtype=jnp.float32) * 0.02
    epsilon = jnp.array(0.0, dtype=jnp.float32)
    return {
        "x": x,
        "node_index": node_index,
        "cycle_id": cycle_id,
        "emb_table": emb_table,
        "epsilon": epsilon,
    }


def transfer0_1(h, node_index, cycle_id):
    # 0th-order (per-node) -> 1st-order (per node-in-cycle incidence) ptensor
    # transfer. Output has 2*c channels: [local gathered feature,
    # broadcast of the sum over the cycle's reference domain].
    local = h[node_index]                                   # [INC, c] gather
    seg = jax.ops.segment_sum(local, cycle_id, num_segments=N_CYCLES)  # [C, c]
    agg = seg[cycle_id]                                     # [INC, c] broadcast back
    return jnp.concatenate([local, agg], axis=-1)           # [INC, 2c]


def reference(x, node_index, cycle_id, emb_table, epsilon):
    h = jnp.take(emb_table, x, axis=0)       # self.emb(x): [N, c]
    c = h.shape[-1]
    t = transfer0_1(h, node_index, cycle_id)  # [INC, 2c]
    out = (1.0 + epsilon) * t[:, :c] + t[:, c:]
    return out

if __name__ == "__main__":
    import jax
    _d = setup_inputs()
    print(jax.jit(kernel)(*tuple(_d.values())))

</pallas_src>

<mosaic_0001>
#map = affine_map<(d0, d1) -> (0)>
module attributes {stable_mosaic.version = 14 : i64} {
  func.func @_sc_index_counts(%arg0: i32, %arg1: i32, %arg2: memref<10000xi32, #tpu.memory_space<hbm>>, %arg3: memref<160000xi32, #tpu.memory_space<hbm>>, %arg4: memref<160000xi32, #tpu.memory_space<hbm>>, %arg5: memref<160000xi32, #tpu.memory_space<hbm>>, %arg6: memref<2560000xf32, #tpu.memory_space<hbm>>, %arg7: memref<10000xi32, #tpu.memory_space<vmem>>, %arg8: memref<5120xi32, #tpu.memory_space<vmem>>, %arg9: memref<5120xi32, #tpu.memory_space<vmem>>, %arg10: memref<5120xi32, #tpu.memory_space<vmem>>, %arg11: memref<40x128xi32, #tpu.memory_space<vmem>>, %arg12: memref<128xf32, #tpu.memory_space<vmem>>, %arg13: memref<8192xf32, #tpu.memory_space<vmem>>, %arg14: memref<1310720xf32, #tpu.memory_space<vmem_shared>>) attributes {dimension_semantics = [#tpu.dimension_semantics<core_parallel>, #tpu.dimension_semantics<subcore_parallel>], iteration_bounds = array<i64: 2, 16>, scalar_prefetch = 0 : i64, scratch_operands = 8 : i64, tpu.core_type = #tpu.core_type<sc_vector_subcore>, window_params = [{transform_indices = #map}, {transform_indices = #map}, {transform_indices = #map}, {transform_indices = #map}, {transform_indices = #map}]} {
    %mul3A = arith.constant 16 : i32
    %mul3A_0 = arith.muli %arg0, %mul3A : i32
    %add3A = arith.addi %mul3A_0, %arg1 : i32
    %mul3A_1 = arith.constant 5000 : i32
    %mul3A_2 = arith.muli %add3A, %mul3A_1 : i32
    "tpu.region"() ({
      %run_scoped3A = tpu.sem_alloc : memref<!tpu.dma_semaphore, #tpu.memory_space<semaphore_mem>>
      tpu.enqueue_dma source(%arg2 : memref<10000xi32, #tpu.memory_space<hbm>>) target(%arg7 : memref<10000xi32, #tpu.memory_space<vmem>>) target_semaphore(%run_scoped3A : memref<!tpu.dma_semaphore, #tpu.memory_space<semaphore_mem>>)
      tpu.wait_dma2 semaphore(%run_scoped3A : memref<!tpu.dma_semaphore, #tpu.memory_space<semaphore_mem>>) src(%arg2 : memref<10000xi32, #tpu.memory_space<hbm>>) dst(%arg7 : memref<10000xi32, #tpu.memory_space<vmem>>)
      tpu.yield
    }) : () -> ()
    "tpu.region"() ({
      %run_scoped3A = tpu.sem_alloc : memref<!tpu.dma_semaphore, #tpu.memory_space<semaphore_mem>>
      %dma_start3A = arith.constant 0 : i32
      %dma_start3A_45 = tpu.memref_slice %arg8[%dma_start3A] : memref<5120xi32, #tpu.memory_space<vmem>> -> memref<5000xi32, #tpu.memory_space<vmem>>
      %dma_start3A_46 = tpu.memref_slice %arg3[%mul3A_2] : memref<160000xi32, #tpu.memory_space<hbm>> -> memref<5000xi32, #tpu.memory_space<hbm>>
      %dma_start3A_47 = arith.constant 0 : i32
      %dma_start3A_48 = tpu.memref_slice %arg8[%dma_start3A_47] : memref<5120xi32, #tpu.memory_space<vmem>> -> memref<5000xi32, #tpu.memory_space<vmem>>
      %dma_start3A_49 = tpu.memref_slice %arg3[%mul3A_2] : memref<160000xi32, #tpu.memory_space<hbm>> -> memref<5000xi32, #tpu.memory_space<hbm>>
      tpu.enqueue_dma source(%dma_start3A_49 : memref<5000xi32, #tpu.memory_space<hbm>>) target(%dma_start3A_48 : memref<5000xi32, #tpu.memory_space<vmem>>) target_semaphore(%run_scoped3A : memref<!tpu.dma_semaphore, #tpu.memory_space<semaphore_mem>>)
      %dma_wait3A = arith.constant 0 : i32
      %dma_wait3A_50 = tpu.memref_slice %arg8[%dma_wait3A] : memref<5120xi32, #tpu.memory_space<vmem>> -> memref<5000xi32, #tpu.memory_space<vmem>>
      %dma_wait3A_51 = tpu.memref_slice %arg3[%mul3A_2] : memref<160000xi32, #tpu.memory_space<hbm>> -> memref<5000xi32, #tpu.memory_space<hbm>>
      %dma_wait3A_52 = arith.constant 0 : i32
      %dma_wait3A_53 = tpu.memref_slice %arg8[%dma_wait3A_52] : memref<5120xi32, #tpu.memory_space<vmem>> -> memref<5000xi32, #tpu.memory_space<vmem>>
      %dma_wait3A_54 = tpu.memref_slice %arg3[%mul3A_2] : memref<160000xi32, #tpu.memory_space<hbm>> -> memref<5000xi32, #tpu.memory_space<hbm>>
      tpu.wait_dma2 semaphore(%run_scoped3A : memref<!tpu.dma_semaphore, #tpu.memory_space<semaphore_mem>>) src(%dma_wait3A_54 : memref<5000xi32, #tpu.memory_space<hbm>>) dst(%dma_wait3A_53 : memref<5000xi32, #tpu.memory_space<vmem>>)
      tpu.yield
    }) : () -> ()
    "tpu.region"() ({
      %run_scoped3A = tpu.sem_alloc : memref<!tpu.dma_semaphore, #tpu.memory_space<semaphore_mem>>
      %dma_start3A = arith.constant 0 : i32
      %dma_start3A_45 = tpu.memref_slice %arg9[%dma_start3A] : memref<5120xi32, #tpu.memory_space<vmem>> -> memref<5000xi32, #tpu.memory_space<vmem>>
      %dma_start3A_46 = tpu.memref_slice %arg4[%mul3A_2] : memref<160000xi32, #tpu.memory_space<hbm>> -> memref<5000xi32, #tpu.memory_space<hbm>>
      %dma_start3A_47 = arith.constant 0 : i32
      %dma_start3A_48 = tpu.memref_slice %arg9[%dma_start3A_47] : memref<5120xi32, #tpu.memory_space<vmem>> -> memref<5000xi32, #tpu.memory_space<vmem>>
      %dma_start3A_49 = tpu.memref_slice %arg4[%mul3A_2] : memref<160000xi32, #tpu.memory_space<hbm>> -> memref<5000xi32, #tpu.memory_space<hbm>>
      tpu.enqueue_dma source(%dma_start3A_49 : memref<5000xi32, #tpu.memory_space<hbm>>) target(%dma_start3A_48 : memref<5000xi32, #tpu.memory_space<vmem>>) target_semaphore(%run_scoped3A : memref<!tpu.dma_semaphore, #tpu.memory_space<semaphore_mem>>)
      %dma_wait3A = arith.constant 0 : i32
      %dma_wait3A_50 = tpu.memref_slice %arg9[%dma_wait3A] : memref<5120xi32, #tpu.memory_space<vmem>> -> memref<5000xi32, #tpu.memory_space<vmem>>
      %dma_wait3A_51 = tpu.memref_slice %arg4[%mul3A_2] : memref<160000xi32, #tpu.memory_space<hbm>> -> memref<5000xi32, #tpu.memory_space<hbm>>
      %dma_wait3A_52 = arith.constant 0 : i32
      %dma_wait3A_53 = tpu.memref_slice %arg9[%dma_wait3A_52] : memref<5120xi32, #tpu.memory_space<vmem>> -> memref<5000xi32, #tpu.memory_space<vmem>>
      %dma_wait3A_54 = tpu.memref_slice %arg4[%mul3A_2] : memref<160000xi32, #tpu.memory_space<hbm>> -> memref<5000xi32, #tpu.memory_space<hbm>>
      tpu.wait_dma2 semaphore(%run_scoped3A : memref<!tpu.dma_semaphore, #tpu.memory_space<semaphore_mem>>) src(%dma_wait3A_54 : memref<5000xi32, #tpu.memory_space<hbm>>) dst(%dma_wait3A_53 : memref<5000xi32, #tpu.memory_space<vmem>>)
      tpu.yield
    }) : () -> ()
    %scan3A = arith.constant 0 : i32
    %scan3A_3 = arith.constant 0 : i32
    %scan3A_4 = arith.constant 8 : i32
    %scan3A_5 = arith.addi %scan3A_3, %scan3A_4 : i32
    %scan3A_6 = arith.constant 1 : i32
    %scan3A_7 = scf.for %scan3A_45 = %scan3A_3 to %scan3A_5 step %scan3A_6 iter_args(%scan3A_46 = %scan3A) -> (i32)  : i32 {
      %broadcast_in_dim3A = arith.constant 1.000000e+00 : f32
      %broadcast_in_dim3A_47 = vector.broadcast %broadcast_in_dim3A : f32 to vector<16xf32>
      %mul3A_48 = arith.constant 16 : i32
      %mul3A_49 = arith.muli %scan3A_45, %mul3A_48 : i32
      %swap3A = arith.index_cast %mul3A_49 : i32 to index
      %swap3A_50 = tpu.vector_load %arg12[%swap3A] {strides = array<i32>} : memref<128xf32, #tpu.memory_space<vmem>>, vector<16xf32>,
      tpu.vector_store %arg12[%swap3A], %broadcast_in_dim3A_47 {strides = array<i32>} : memref<128xf32, #tpu.memory_space<vmem>>, vector<16xf32>,
      %scan3A_51 = arith.constant 0 : i32
      scf.yield %scan3A_51 : i32
    }
    %scan3A_8 = arith.constant 8 : i32
    %scan3A_9 = arith.constant 0 : i32
    %scan3A_10 = arith.constant 0 : i32
    %scan3A_11 = arith.constant 512 : i32
    %scan3A_12 = arith.addi %scan3A_10, %scan3A_11 : i32
    %scan3A_13 = arith.constant 1 : i32
    %scan3A_14 = scf.for %scan3A_45 = %scan3A_10 to %scan3A_12 step %scan3A_13 iter_args(%scan3A_46 = %scan3A_9) -> (i32)  : i32 {
      %broadcast_in_dim3A = arith.constant 0.000000e+00 : f32
      %broadcast_in_dim3A_47 = vector.broadcast %broadcast_in_dim3A : f32 to vector<16xf32>
      %mul3A_48 = arith.constant 16 : i32
      %mul3A_49 = arith.muli %scan3A_45, %mul3A_48 : i32
      %swap3A = arith.index_cast %mul3A_49 : i32 to index
      %swap3A_50 = tpu.vector_load %arg13[%swap3A] {strides = array<i32>} : memref<8192xf32, #tpu.memory_space<vmem>>, vector<16xf32>,
      tpu.vector_store %arg13[%swap3A], %broadcast_in_dim3A_47 {strides = array<i32>} : memref<8192xf32, #tpu.memory_space<vmem>>, vector<16xf32>,
      %scan3A_51 = arith.constant 0 : i32
      scf.yield %scan3A_51 : i32
    }
    %scan3A_15 = arith.constant 512 : i32
    %scan3A_16 = arith.constant 0 : i32
    %scan3A_17 = arith.constant 0 : i32
    %scan3A_18 = arith.constant 10 : i32
    %scan3A_19 = arith.addi %scan3A_17, %scan3A_18 : i32
    %scan3A_20 = arith.constant 1 : i32
    %scan3A_21 = scf.for %scan3A_45 = %scan3A_17 to %scan3A_19 step %scan3A_20 iter_args(%scan3A_46 = %scan3A_16) -> (i32)  : i32 {
      %mul3A_47 = arith.constant 10 : i32
      %mul3A_48 = arith.muli %arg1, %mul3A_47 : i32
      %add3A_49 = arith.addi %mul3A_48, %scan3A_45 : i32
      %mul3A_50 = arith.constant 8192 : i32
      %mul3A_51 = arith.muli %add3A_49, %mul3A_50 : i32
      "tpu.region"() ({
        %run_scoped3A = tpu.sem_alloc : memref<!tpu.dma_semaphore, #tpu.memory_space<semaphore_mem>>
        %dma_start3A = tpu.memref_slice %arg14[%mul3A_51] : memref<1310720xf32, #tpu.memory_space<vmem_shared>> -> memref<8192xf32, #tpu.memory_space<vmem_shared>>
        %dma_start3A_53 = tpu.memref_slice %arg14[%mul3A_51] : memref<1310720xf32, #tpu.memory_space<vmem_shared>> -> memref<8192xf32, #tpu.memory_space<vmem_shared>>
        tpu.enqueue_dma source(%arg13 : memref<8192xf32, #tpu.memory_space<vmem>>) target(%dma_start3A_53 : memref<8192xf32, #tpu.memory_space<vmem_shared>>) target_semaphore(%run_scoped3A : memref<!tpu.dma_semaphore, #tpu.memory_space<semaphore_mem>>)
        %dma_wait3A = tpu.memref_slice %arg14[%mul3A_51] : memref<1310720xf32, #tpu.memory_space<vmem_shared>> -> memref<8192xf32, #tpu.memory_space<vmem_shared>>
        %dma_wait3A_54 = tpu.memref_slice %arg14[%mul3A_51] : memref<1310720xf32, #tpu.memory_space<vmem_shared>> -> memref<8192xf32, #tpu.memory_space<vmem_shared>>
        tpu.wait_dma2 semaphore(%run_scoped3A : memref<!tpu.dma_semaphore, #tpu.memory_space<semaphore_mem>>) src(%arg13 : memref<8192xf32, #tpu.memory_space<vmem>>) dst(%dma_wait3A_54 : memref<8192xf32, #tpu.memory_space<vmem_shared>>)
        tpu.yield
      }) : () -> ()
      %scan3A_52 = arith.constant 0 : i32
      scf.yield %scan3A_52 : i32
    }
    %scan3A_22 = arith.constant 10 : i32
    %barrier3A = arith.constant 0 : index
    tpu.barrier barrier_id(%barrier3A)
    %iota3A = tpu.iota {dimensions = array<i32: 0>} : vector<16xi32>
    %scan3A_23 = arith.constant 0 : i32
    %scan3A_24 = arith.constant 0 : i32
    %scan3A_25 = arith.constant 320 : i32
    %scan3A_26 = arith.addi %scan3A_24, %scan3A_25 : i32
    %scan3A_27 = arith.constant 1 : i32
    %scan3A_28 = scf.for %scan3A_45 = %scan3A_24 to %scan3A_26 step %scan3A_27 iter_args(%scan3A_46 = %scan3A_23) -> (i32)  : i32 {
      %mul3A_47 = arith.constant 16 : i32
      %mul3A_48 = arith.muli %scan3A_45, %mul3A_47 : i32
      %get3A = arith.index_cast %mul3A_48 : i32 to index
      %get3A_49 = tpu.vector_load %arg8[%get3A] {strides = array<i32>} : memref<5120xi32, #tpu.memory_space<vmem>>, vector<16xi32>,
      %jit3A = arith.constant 0 : i32
      %jit3A_50 = arith.constant 9999 : i32
      %max3A = vector.broadcast %jit3A : i32 to vector<16xi32>
      %max3A_51 = arith.maxsi %max3A, %get3A_49 : vector<16xi32>
      %min3A = vector.broadcast %jit3A_50 : i32 to vector<16xi32>
      %min3A_52 = arith.minsi %min3A, %max3A_51 : vector<16xi32>
      %get3A_53 = arith.index_cast %mul3A_48 : i32 to index
      %get3A_54 = tpu.vector_load %arg9[%get3A_53] {strides = array<i32>} : memref<5120xi32, #tpu.memory_space<vmem>>, vector<16xi32>,
      %gather3A = tpu.vector_load_idx %arg7[%min3A_52] : memref<10000xi32, #tpu.memory_space<vmem>>[vector<16xi32>], vector<16xi32>,
      %mul3A_55 = arith.constant 128 : i32
      %mul3A_56 = vector.broadcast %mul3A_55 : i32 to vector<16xi32>
      %mul3A_57 = arith.muli %get3A_54, %mul3A_56 : vector<16xi32>
      %add3A_58 = arith.addi %mul3A_57, %gather3A : vector<16xi32>
      %add3A_59 = vector.broadcast %mul3A_48 : i32 to vector<16xi32>
      %add3A_60 = arith.addi %add3A_59, %iota3A : vector<16xi32>
      %lt3A = arith.constant 5000 : i32
      %lt3A_61 = vector.broadcast %lt3A : i32 to vector<16xi32>
      %lt3A_62 = arith.cmpi slt, %add3A_60, %lt3A_61 : vector<16xi32>
      %jit3A_63 = arith.constant 1280000 : i32
      %broadcast_in_dim3A = vector.broadcast %jit3A_63 : i32 to vector<16xi32>
      %select_n3A = arith.select %lt3A_62, %add3A_58, %broadcast_in_dim3A : vector<16xi1>, vector<16xi32>
      %swap3A = arith.index_cast %mul3A_48 : i32 to index
      %swap3A_64 = tpu.vector_load %arg10[%swap3A] {strides = array<i32>} : memref<5120xi32, #tpu.memory_space<vmem>>, vector<16xi32>,
      tpu.vector_store %arg10[%swap3A], %gather3A {strides = array<i32>} : memref<5120xi32, #tpu.memory_space<vmem>>, vector<16xi32>,
      %jit3A_65 = arith.constant 8 : i32
      %div3A = arith.divsi %scan3A_45, %jit3A_65 : i32
      %sign3A = arith.constant 0 : i32
      %sign3A_66 = arith.cmpi sgt, %scan3A_45, %sign3A : i32
      %sign3A_67 = arith.extui %sign3A_66 : i1 to i32
      %sign3A_68 = arith.constant 0 : i32
      %sign3A_69 = arith.cmpi slt, %scan3A_45, %sign3A_68 : i32
      %sign3A_70 = arith.extui %sign3A_69 : i1 to i32
      %sign3A_71 = arith.subi %sign3A_67, %sign3A_70 : i32
      %sign3A_72 = arith.constant 0 : i32
      %sign3A_73 = arith.cmpi sgt, %jit3A_65, %sign3A_72 : i32
      %sign3A_74 = arith.extui %sign3A_73 : i1 to i32
      %sign3A_75 = arith.constant 0 : i32
      %sign3A_76 = arith.cmpi slt, %jit3A_65, %sign3A_75 : i32
      %sign3A_77 = arith.extui %sign3A_76 : i1 to i32
      %sign3A_78 = arith.subi %sign3A_74, %sign3A_77 : i32
      %ne3A = arith.cmpi ne, %sign3A_71, %sign3A_78 : i32
      %rem3A = arith.remsi %scan3A_45, %jit3A_65 : i32
      %ne3A_79 = arith.constant 0 : i32
      %ne3A_80 = arith.cmpi ne, %rem3A, %ne3A_79 : i32
      %and3A = arith.andi %ne3A, %ne3A_80 : i1
      %sub3A = arith.constant 1 : i32
      %sub3A_81 = arith.subi %div3A, %sub3A : i32
      %select_n3A_82 = arith.select %and3A, %sub3A_81, %div3A : i32
      %jit3A_83 = arith.constant 8 : i32
      %eq3A = arith.constant 0 : i32
      %eq3A_84 = arith.cmpi eq, %jit3A_83, %eq3A : i32
      %jit3A_85 = arith.constant 1 : i32
      %select_n3A_86 = arith.select %eq3A_84, %jit3A_85, %jit3A_83 : i32
      %rem3A_87 = arith.remsi %scan3A_45, %select_n3A_86 : i32
      %ne3A_88 = arith.constant 0 : i32
      %ne3A_89 = arith.cmpi ne, %rem3A_87, %ne3A_88 : i32
      %lt3A_90 = arith.constant 0 : i32
      %lt3A_91 = arith.cmpi slt, %rem3A_87, %lt3A_90 : i32
      %lt3A_92 = arith.constant 0 : i32
      %lt3A_93 = arith.cmpi slt, %select_n3A_86, %lt3A_92 : i32
      %ne3A_94 = arith.xori %lt3A_91, %lt3A_93 : i1
      %and3A_95 = arith.andi %ne3A_94, %ne3A_89 : i1
      %add3A_96 = arith.addi %rem3A_87, %select_n3A_86 : i32
      %select_n3A_97 = arith.select %and3A_95, %add3A_96, %rem3A_87 : i32
      %mul3A_98 = arith.constant 16 : i32
      %mul3A_99 = arith.muli %select_n3A_97, %mul3A_98 : i32
      %swap3A_100 = arith.index_cast %select_n3A_82 : i32 to index
      %swap3A_101 = arith.index_cast %mul3A_99 : i32 to index
      %swap3A_102 = tpu.vector_load %arg11[%swap3A_100, %swap3A_101] {strides = array<i32>} : memref<40x128xi32, #tpu.memory_space<vmem>>, vector<16xi32>,
      tpu.vector_store %arg11[%swap3A_100, %swap3A_101], %select_n3A {strides = array<i32>} : memref<40x128xi32, #tpu.memory_space<vmem>>, vector<16xi32>,
      %scan3A_103 = arith.constant 0 : i32
      scf.yield %scan3A_103 : i32
    }
    %scan3A_29 = arith.constant 320 : i32
    %scan3A_30 = arith.constant 0 : i32
    %scan3A_31 = arith.constant 0 : i32
    %scan3A_32 = arith.constant 40 : i32
    %scan3A_33 = arith.addi %scan3A_31, %scan3A_32 : i32
    %scan3A_34 = arith.constant 1 : i32
    %scan3A_35 = scf.for %scan3A_45 = %scan3A_31 to %scan3A_33 step %scan3A_34 iter_args(%scan3A_46 = %scan3A_30) -> (i32)  : i32 {
      "tpu.region"() ({
        %run_scoped3A = tpu.sem_alloc : memref<!tpu.dma_semaphore, #tpu.memory_space<semaphore_mem>>
        %dma_start3A = arith.constant 0 : i32
        %dma_start3A_48 = tpu.memref_slice %arg11[%scan3A_45, %dma_start3A] : memref<40x128xi32, #tpu.memory_space<vmem>> -> memref<1x128xi32, #tpu.memory_space<vmem>>
        %dma_start3A_49 = tpu.memref_squeeze %dma_start3A_48 : memref<1x128xi32, #tpu.memory_space<vmem>> -> memref<128xi32, #tpu.memory_space<vmem>>
        %dma_start3A_50 = arith.constant 0 : i32
        %dma_start3A_51 = tpu.memref_slice %arg14[%dma_start3A_50] : memref<1310720xf32, #tpu.memory_space<vmem_shared>> -> memref<1310720xf32, #tpu.memory_space<vmem_shared>>
        tpu.enqueue_indirect_dma source(%arg12 : memref<128xf32, #tpu.memory_space<vmem>>) target(%dma_start3A_51 : memref<1310720xf32, #tpu.memory_space<vmem_shared>>) offsets(%dma_start3A_49 : memref<128xi32, #tpu.memory_space<vmem>>) semaphore(%run_scoped3A : memref<!tpu.dma_semaphore, #tpu.memory_space<semaphore_mem>>) {add = true}
        %dma_wait3A = arith.constant 0 : i32
        %dma_wait3A_52 = tpu.memref_slice %arg11[%scan3A_45, %dma_wait3A] : memref<40x128xi32, #tpu.memory_space<vmem>> -> memref<1x128xi32, #tpu.memory_space<vmem>>
        %dma_wait3A_53 = tpu.memref_squeeze %dma_wait3A_52 : memref<1x128xi32, #tpu.memory_space<vmem>> -> memref<128xi32, #tpu.memory_space<vmem>>
        %dma_wait3A_54 = arith.constant 0 : i32
        %dma_wait3A_55 = tpu.memref_slice %arg14[%dma_wait3A_54] : memref<1310720xf32, #tpu.memory_space<vmem_shared>> -> memref<1310720xf32, #tpu.memory_space<vmem_shared>>
        tpu.wait_indirect_dma semaphore(%run_scoped3A : memref<!tpu.dma_semaphore, #tpu.memory_space<semaphore_mem>>) src(%arg12 : memref<128xf32, #tpu.memory_space<vmem>>) dst(%dma_wait3A_55 : memref<1310720xf32, #tpu.memory_space<vmem_shared>>)
        tpu.yield
      }) : () -> ()
      %scan3A_47 = arith.constant 0 : i32
      scf.yield %scan3A_47 : i32
    }
    %scan3A_36 = arith.constant 40 : i32
    %barrier3A_37 = arith.constant 0 : index
    tpu.barrier barrier_id(%barrier3A_37)
    %mul3A_38 = arith.constant 80000 : i32
    %mul3A_39 = arith.muli %arg1, %mul3A_38 : i32
    %mul3A_40 = arith.constant 1280000 : i32
    %mul3A_41 = arith.muli %arg0, %mul3A_40 : i32
    %mul3A_42 = arith.constant 80000 : i32
    %mul3A_43 = arith.muli %arg1, %mul3A_42 : i32
    %add3A_44 = arith.addi %mul3A_41, %mul3A_43 : i32
    "tpu.region"() ({
      %run_scoped3A = tpu.sem_alloc : memref<!tpu.dma_semaphore, #tpu.memory_space<semaphore_mem>>
      %dma_start3A = tpu.memref_slice %arg6[%add3A_44] : memref<2560000xf32, #tpu.memory_space<hbm>> -> memref<80000xf32, #tpu.memory_space<hbm>>
      %dma_start3A_45 = tpu.memref_slice %arg14[%mul3A_39] : memref<1310720xf32, #tpu.memory_space<vmem_shared>> -> memref<80000xf32, #tpu.memory_space<vmem_shared>>
      tpu.enqueue_dma source(%dma_start3A_45 : memref<80000xf32, #tpu.memory_space<vmem_shared>>) target(%dma_start3A : memref<80000xf32, #tpu.memory_space<hbm>>) target_semaphore(%run_scoped3A : memref<!tpu.dma_semaphore, #tpu.memory_space<semaphore_mem>>)
      %dma_wait3A = tpu.memref_slice %arg6[%add3A_44] : memref<2560000xf32, #tpu.memory_space<hbm>> -> memref<80000xf32, #tpu.memory_space<hbm>>
      %dma_wait3A_46 = tpu.memref_slice %arg14[%mul3A_39] : memref<1310720xf32, #tpu.memory_space<vmem_shared>> -> memref<80000xf32, #tpu.memory_space<vmem_shared>>
      tpu.wait_dma2 semaphore(%run_scoped3A : memref<!tpu.dma_semaphore, #tpu.memory_space<semaphore_mem>>) src(%dma_wait3A_46 : memref<80000xf32, #tpu.memory_space<vmem_shared>>) dst(%dma_wait3A : memref<80000xf32, #tpu.memory_space<hbm>>)
      tpu.yield
    }) : () -> ()
    "tpu.region"() ({
      %run_scoped3A = tpu.sem_alloc : memref<!tpu.dma_semaphore, #tpu.memory_space<semaphore_mem>>
      %dma_start3A = arith.constant 0 : i32
      %dma_start3A_45 = tpu.memref_slice %arg10[%dma_start3A] : memref<5120xi32, #tpu.memory_space<vmem>> -> memref<5000xi32, #tpu.memory_space<vmem>>
      %dma_start3A_46 = tpu.memref_slice %arg5[%mul3A_2] : memref<160000xi32, #tpu.memory_space<hbm>> -> memref<5000xi32, #tpu.memory_space<hbm>>
      %dma_start3A_47 = tpu.memref_slice %arg5[%mul3A_2] : memref<160000xi32, #tpu.memory_space<hbm>> -> memref<5000xi32, #tpu.memory_space<hbm>>
      %dma_start3A_48 = arith.constant 0 : i32
      %dma_start3A_49 = tpu.memref_slice %arg10[%dma_start3A_48] : memref<5120xi32, #tpu.memory_space<vmem>> -> memref<5000xi32, #tpu.memory_space<vmem>>
      tpu.enqueue_dma source(%dma_start3A_49 : memref<5000xi32, #tpu.memory_space<vmem>>) target(%dma_start3A_47 : memref<5000xi32, #tpu.memory_space<hbm>>) target_semaphore(%run_scoped3A : memref<!tpu.dma_semaphore, #tpu.memory_space<semaphore_mem>>)
      %dma_wait3A = arith.constant 0 : i32
      %dma_wait3A_50 = tpu.memref_slice %arg10[%dma_wait3A] : memref<5120xi32, #tpu.memory_space<vmem>> -> memref<5000xi32, #tpu.memory_space<vmem>>
      %dma_wait3A_51 = tpu.memref_slice %arg5[%mul3A_2] : memref<160000xi32, #tpu.memory_space<hbm>> -> memref<5000xi32, #tpu.memory_space<hbm>>
      %dma_wait3A_52 = tpu.memref_slice %arg5[%mul3A_2] : memref<160000xi32, #tpu.memory_space<hbm>> -> memref<5000xi32, #tpu.memory_space<hbm>>
      %dma_wait3A_53 = arith.constant 0 : i32
      %dma_wait3A_54 = tpu.memref_slice %arg10[%dma_wait3A_53] : memref<5120xi32, #tpu.memory_space<vmem>> -> memref<5000xi32, #tpu.memory_space<vmem>>
      tpu.wait_dma2 semaphore(%run_scoped3A : memref<!tpu.dma_semaphore, #tpu.memory_space<semaphore_mem>>) src(%dma_wait3A_54 : memref<5000xi32, #tpu.memory_space<vmem>>) dst(%dma_wait3A_52 : memref<5000xi32, #tpu.memory_space<hbm>>)
      tpu.yield
    }) : () -> ()
    return
  }
}

#map = affine_map<(d0, d1) -> (0)>
#map1 = affine_map<(d0, d1) -> (0, 0)>
module attributes {stable_mosaic.version = 14 : i64} {
  func.func @_sc_combine(%arg0: i32, %arg1: i32, %arg2: memref<160000xi32, #tpu.memory_space<hbm>>, %arg3: memref<160000xi32, #tpu.memory_space<hbm>>, %arg4: memref<128x256xf32, #tpu.memory_space<hbm>>, %arg5: memref<10000x256xf32, #tpu.memory_space<hbm>>, %arg6: memref<160000x256xf32, #tpu.memory_space<hbm>>, %arg7: memref<5000xi32, #tpu.memory_space<vmem>>, %arg8: memref<5000xi32, #tpu.memory_space<vmem>>, %arg9: memref<4x40x256xf32, #tpu.memory_space<vmem>>, %arg10: memref<4x40x256xf32, #tpu.memory_space<vmem>>, %arg11: memref<!tpu.dma_semaphore, #tpu.memory_space<semaphore_mem>>, %arg12: memref<!tpu.dma_semaphore, #tpu.memory_space<semaphore_mem>>, %arg13: memref<!tpu.dma_semaphore, #tpu.memory_space<semaphore_mem>>, %arg14: memref<!tpu.dma_semaphore, #tpu.memory_space<semaphore_mem>>, %arg15: memref<!tpu.dma_semaphore, #tpu.memory_space<semaphore_mem>>, %arg16: memref<!tpu.dma_semaphore, #tpu.memory_space<semaphore_mem>>, %arg17: memref<!tpu.dma_semaphore, #tpu.memory_space<semaphore_mem>>, %arg18: memref<!tpu.dma_semaphore, #tpu.memory_space<semaphore_mem>>, %arg19: memref<!tpu.dma_semaphore, #tpu.memory_space<semaphore_mem>>, %arg20: memref<!tpu.dma_semaphore, #tpu.memory_space<semaphore_mem>>, %arg21: memref<!tpu.dma_semaphore, #tpu.memory_space<semaphore_mem>>, %arg22: memref<!tpu.dma_semaphore, #tpu.memory_space<semaphore_mem>>) attributes {dimension_semantics = [#tpu.dimension_semantics<core_parallel>, #tpu.dimension_semantics<subcore_parallel>], iteration_bounds = array<i64: 2, 16>, scalar_prefetch = 0 : i64, scratch_operands = 16 : i64, tpu.core_type = #tpu.core_type<sc_vector_subcore>, window_params = [{transform_indices = #map}, {transform_indices = #map}, {transform_indices = #map1}, {transform_indices = #map1}, {transform_indices = #map1}]} {
    %mul3A = arith.constant 16 : i32
    %mul3A_0 = arith.muli %arg0, %mul3A : i32
    %add3A = arith.addi %mul3A_0, %arg1 : i32
    %mul3A_1 = arith.constant 5000 : i32
    %mul3A_2 = arith.muli %add3A, %mul3A_1 : i32
    "tpu.region"() ({
      %run_scoped3A = tpu.sem_alloc : memref<!tpu.dma_semaphore, #tpu.memory_space<semaphore_mem>>
      %dma_start3A_77 = tpu.memref_slice %arg2[%mul3A_2] : memref<160000xi32, #tpu.memory_space<hbm>> -> memref<5000xi32, #tpu.memory_space<hbm>>
      %dma_start3A_78 = tpu.memref_slice %arg2[%mul3A_2] : memref<160000xi32, #tpu.memory_space<hbm>> -> memref<5000xi32, #tpu.memory_space<hbm>>
      tpu.enqueue_dma source(%dma_start3A_78 : memref<5000xi32, #tpu.memory_space<hbm>>) target(%arg7 : memref<5000xi32, #tpu.memory_space<vmem>>) target_semaphore(%run_scoped3A : memref<!tpu.dma_semaphore, #tpu.memory_space<semaphore_mem>>)
      %dma_wait3A_79 = tpu.memref_slice %arg2[%mul3A_2] : memref<160000xi32, #tpu.memory_space<hbm>> -> memref<5000xi32, #tpu.memory_space<hbm>>
      %dma_wait3A_80 = tpu.memref_slice %arg2[%mul3A_2] : memref<160000xi32, #tpu.memory_space<hbm>> -> memref<5000xi32, #tpu.memory_space<hbm>>
      tpu.wait_dma2 semaphore(%run_scoped3A : memref<!tpu.dma_semaphore, #tpu.memory_space<semaphore_mem>>) src(%dma_wait3A_80 : memref<5000xi32, #tpu.memory_space<hbm>>) dst(%arg7 : memref<5000xi32, #tpu.memory_space<vmem>>)
      tpu.yield
    }) : () -> ()
    "tpu.region"() ({
      %run_scoped3A = tpu.sem_alloc : memref<!tpu.dma_semaphore, #tpu.memory_space<semaphore_mem>>
      %dma_start3A_77 = tpu.memref_slice %arg3[%mul3A_2] : memref<160000xi32, #tpu.memory_space<hbm>> -> memref<5000xi32, #tpu.memory_space<hbm>>
      %dma_start3A_78 = tpu.memref_slice %arg3[%mul3A_2] : memref<160000xi32, #tpu.memory_space<hbm>> -> memref<5000xi32, #tpu.memory_space<hbm>>
      tpu.enqueue_dma source(%dma_start3A_78 : memref<5000xi32, #tpu.memory_space<hbm>>) target(%arg8 : memref<5000xi32, #tpu.memory_space<vmem>>) target_semaphore(%run_scoped3A : memref<!tpu.dma_semaphore, #tpu.memory_space<semaphore_mem>>)
      %dma_wait3A_79 = tpu.memref_slice %arg3[%mul3A_2] : memref<160000xi32, #tpu.memory_space<hbm>> -> memref<5000xi32, #tpu.memory_space<hbm>>
      %dma_wait3A_80 = tpu.memref_slice %arg3[%mul3A_2] : memref<160000xi32, #tpu.memory_space<hbm>> -> memref<5000xi32, #tpu.memory_space<hbm>>
      tpu.wait_dma2 semaphore(%run_scoped3A : memref<!tpu.dma_semaphore, #tpu.memory_space<semaphore_mem>>) src(%dma_wait3A_80 : memref<5000xi32, #tpu.memory_space<hbm>>) dst(%arg8 : memref<5000xi32, #tpu.memory_space<vmem>>)
      tpu.yield
    }) : () -> ()
    %dma_start3A = arith.constant 0 : i32
    %dma_start3A_3 = arith.constant 0 : i32
    %dma_start3A_4 = arith.constant 0 : i32
    %dma_start3A_5 = tpu.memref_slice %arg10[%dma_start3A, %dma_start3A_3, %dma_start3A_4] : memref<4x40x256xf32, #tpu.memory_space<vmem>> -> memref<1x40x256xf32, #tpu.memory_space<vmem>>
    %dma_start3A_6 = tpu.memref_squeeze %dma_start3A_5 : memref<1x40x256xf32, #tpu.memory_space<vmem>> -> memref<40x256xf32, #tpu.memory_space<vmem>>
    %dma_start3A_7 = arith.constant 0 : i32
    %dma_start3A_8 = tpu.memref_slice %arg7[%dma_start3A_7] : memref<5000xi32, #tpu.memory_space<vmem>> -> memref<40xi32, #tpu.memory_space<vmem>>
    %dma_start3A_9 = arith.constant 0 : i32
    %dma_start3A_10 = arith.constant 0 : i32
    %dma_start3A_11 = tpu.memref_slice %arg4[%dma_start3A_9, %dma_start3A_10] : memref<128x256xf32, #tpu.memory_space<hbm>> -> memref<128x256xf32, #tpu.memory_space<hbm>>
    tpu.enqueue_indirect_dma source(%dma_start3A_11 : memref<128x256xf32, #tpu.memory_space<hbm>>) target(%dma_start3A_6 : memref<40x256xf32, #tpu.memory_space<vmem>>) offsets(%dma_start3A_8 : memref<40xi32, #tpu.memory_space<vmem>>) semaphore(%arg11 : memref<!tpu.dma_semaphore, #tpu.memory_space<semaphore_mem>>)
    %dma_start3A_12 = arith.constant 0 : i32
    %dma_start3A_13 = arith.constant 0 : i32
    %dma_start3A_14 = arith.constant 0 : i32
    %dma_start3A_15 = tpu.memref_slice %arg9[%dma_start3A_12, %dma_start3A_13, %dma_start3A_14] : memref<4x40x256xf32, #tpu.memory_space<vmem>> -> memref<1x40x256xf32, #tpu.memory_space<vmem>>
    %dma_start3A_16 = tpu.memref_squeeze %dma_start3A_15 : memref<1x40x256xf32, #tpu.memory_space<vmem>> -> memref<40x256xf32, #tpu.memory_space<vmem>>
    %dma_start3A_17 = arith.constant 0 : i32
    %dma_start3A_18 = tpu.memref_slice %arg8[%dma_start3A_17] : memref<5000xi32, #tpu.memory_space<vmem>> -> memref<40xi32, #tpu.memory_space<vmem>>
    %dma_start3A_19 = arith.constant 0 : i32
    %dma_start3A_20 = arith.constant 0 : i32
    %dma_start3A_21 = tpu.memref_slice %arg5[%dma_start3A_19, %dma_start3A_20] : memref<10000x256xf32, #tpu.memory_space<hbm>> -> memref<10000x256xf32, #tpu.memory_space<hbm>>
    tpu.enqueue_indirect_dma source(%dma_start3A_21 : memref<10000x256xf32, #tpu.memory_space<hbm>>) target(%dma_start3A_16 : memref<40x256xf32, #tpu.memory_space<vmem>>) offsets(%dma_start3A_18 : memref<40xi32, #tpu.memory_space<vmem>>) semaphore(%arg15 : memref<!tpu.dma_semaphore, #tpu.memory_space<semaphore_mem>>)
    %dma_start3A_22 = arith.constant 1 : i32
    %dma_start3A_23 = arith.constant 0 : i32
    %dma_start3A_24 = arith.constant 0 : i32
    %dma_start3A_25 = tpu.memref_slice %arg10[%dma_start3A_22, %dma_start3A_23, %dma_start3A_24] : memref<4x40x256xf32, #tpu.memory_space<vmem>> -> memref<1x40x256xf32, #tpu.memory_space<vmem>>
    %dma_start3A_26 = tpu.memref_squeeze %dma_start3A_25 : memref<1x40x256xf32, #tpu.memory_space<vmem>> -> memref<40x256xf32, #tpu.memory_space<vmem>>
    %dma_start3A_27 = arith.constant 40 : i32
    %dma_start3A_28 = tpu.memref_slice %arg7[%dma_start3A_27] : memref<5000xi32, #tpu.memory_space<vmem>> -> memref<40xi32, #tpu.memory_space<vmem>>
    %dma_start3A_29 = arith.constant 0 : i32
    %dma_start3A_30 = arith.constant 0 : i32
    %dma_start3A_31 = tpu.memref_slice %arg4[%dma_start3A_29, %dma_start3A_30] : memref<128x256xf32, #tpu.memory_space<hbm>> -> memref<128x256xf32, #tpu.memory_space<hbm>>
    tpu.enqueue_indirect_dma source(%dma_start3A_31 : memref<128x256xf32, #tpu.memory_space<hbm>>) target(%dma_start3A_26 : memref<40x256xf32, #tpu.memory_space<vmem>>) offsets(%dma_start3A_28 : memref<40xi32, #tpu.memory_space<vmem>>) semaphore(%arg12 : memref<!tpu.dma_semaphore, #tpu.memory_space<semaphore_mem>>)
    %dma_start3A_32 = arith.constant 1 : i32
    %dma_start3A_33 = arith.constant 0 : i32
    %dma_start3A_34 = arith.constant 0 : i32
    %dma_start3A_35 = tpu.memref_slice %arg9[%dma_start3A_32, %dma_start3A_33, %dma_start3A_34] : memref<4x40x256xf32, #tpu.memory_space<vmem>> -> memref<1x40x256xf32, #tpu.memory_space<vmem>>
    %dma_start3A_36 = tpu.memref_squeeze %dma_start3A_35 : memref<1x40x256xf32, #tpu.memory_space<vmem>> -> memref<40x256xf32, #tpu.memory_space<vmem>>
    %dma_start3A_37 = arith.constant 40 : i32
    %dma_start3A_38 = tpu.memref_slice %arg8[%dma_start3A_37] : memref<5000xi32, #tpu.memory_space<vmem>> -> memref<40xi32, #tpu.memory_space<vmem>>
    %dma_start3A_39 = arith.constant 0 : i32
    %dma_start3A_40 = arith.constant 0 : i32
    %dma_start3A_41 = tpu.memref_slice %arg5[%dma_start3A_39, %dma_start3A_40] : memref<10000x256xf32, #tpu.memory_space<hbm>> -> memref<10000x256xf32, #tpu.memory_space<hbm>>
    tpu.enqueue_indirect_dma source(%dma_start3A_41 : memref<10000x256xf32, #tpu.memory_space<hbm>>) target(%dma_start3A_36 : memref<40x256xf32, #tpu.memory_space<vmem>>) offsets(%dma_start3A_38 : memref<40xi32, #tpu.memory_space<vmem>>) semaphore(%arg16 : memref<!tpu.dma_semaphore, #tpu.memory_space<semaphore_mem>>)
    %scan3A = arith.constant 0 : i32
    %scan3A_42 = arith.constant 0 : i32
    %scan3A_43 = arith.constant 32 : i32
    %scan3A_44 = arith.addi %scan3A_42, %scan3A_43 : i32
    %scan3A_45 = arith.constant 1 : i32
    %scan3A_46 = scf.for %scan3A_77 = %scan3A_42 to %scan3A_44 step %scan3A_45 iter_args(%scan3A_78 = %scan3A) -> (i32)  : i32 {
      %mul3A_79 = arith.constant 4 : i32
      %mul3A_80 = arith.muli %mul3A_79, %scan3A_77 : i32
      %add3A_81 = arith.constant 0 : i32
      %add3A_82 = arith.addi %mul3A_80, %add3A_81 : i32
      %lt3A = arith.constant 125 : i32
      %lt3A_83 = arith.cmpi slt, %add3A_82, %lt3A : i32
      %convert_element_type3A = arith.extui %lt3A_83 : i1 to i32
      %cond3A = arith.constant 0 : i32
      %cond3A_84 = arith.cmpi ne, %convert_element_type3A, %cond3A : i32
      scf.if %cond3A_84 {
        %ge3A = arith.constant 2 : i32
        %ge3A_113 = arith.cmpi sge, %add3A_82, %ge3A : i32
        %convert_element_type3A_114 = arith.extui %ge3A_113 : i1 to i32
        %cond3A_115 = arith.constant 0 : i32
        %cond3A_116 = arith.cmpi ne, %convert_element_type3A_114, %cond3A_115 : i32
        scf.if %cond3A_116 {
          %sub3A = arith.constant 2 : i32
          %sub3A_169 = arith.subi %add3A_82, %sub3A : i32
          %mul3A_170 = arith.constant 40 : i32
          %mul3A_171 = arith.muli %sub3A_169, %mul3A_170 : i32
          %add3A_172 = arith.addi %mul3A_2, %mul3A_171 : i32
          %dma_wait3A_173 = arith.constant 2 : i32
          %dma_wait3A_174 = arith.constant 0 : i32
          %dma_wait3A_175 = arith.constant 0 : i32
          %dma_wait3A_176 = tpu.memref_slice %arg10[%dma_wait3A_173, %dma_wait3A_174, %dma_wait3A_175] : memref<4x40x256xf32, #tpu.memory_space<vmem>> -> memref<1x40x256xf32, #tpu.memory_space<vmem>>
          %dma_wait3A_177 = tpu.memref_squeeze %dma_wait3A_176 : memref<1x40x256xf32, #tpu.memory_space<vmem>> -> memref<40x256xf32, #tpu.memory_space<vmem>>
          %dma_wait3A_178 = arith.constant 0 : i32
          %dma_wait3A_179 = tpu.memref_slice %arg6[%add3A_172, %dma_wait3A_178] : memref<160000x256xf32, #tpu.memory_space<hbm>> -> memref<40x256xf32, #tpu.memory_space<hbm>>
          %dma_wait3A_180 = arith.constant 0 : i32
          %dma_wait3A_181 = tpu.memref_slice %arg6[%add3A_172, %dma_wait3A_180] : memref<160000x256xf32, #tpu.memory_space<hbm>> -> memref<40x256xf32, #tpu.memory_space<hbm>>
          %dma_wait3A_182 = arith.constant 0 : i32
          %dma_wait3A_183 = arith.constant 0 : i32
          %dma_wait3A_184 = tpu.memref_slice %arg10[%dma_wait3A_173, %dma_wait3A_182, %dma_wait3A_183] : memref<4x40x256xf32, #tpu.memory_space<vmem>> -> memref<1x40x256xf32, #tpu.memory_space<vmem>>
          %dma_wait3A_185 = tpu.memref_squeeze %dma_wait3A_184 : memref<1x40x256xf32, #tpu.memory_space<vmem>> -> memref<40x256xf32, #tpu.memory_space<vmem>>
          tpu.wait_dma2 semaphore(%arg21 : memref<!tpu.dma_semaphore, #tpu.memory_space<semaphore_mem>>) src(%dma_wait3A_185 : memref<40x256xf32, #tpu.memory_space<vmem>>) dst(%dma_wait3A_181 : memref<40x256xf32, #tpu.memory_space<hbm>>)
        } else {
        }
        %add3A_117 = arith.constant 2 : i32
        %add3A_118 = arith.addi %add3A_82, %add3A_117 : i32
        %lt3A_119 = arith.constant 125 : i32
        %lt3A_120 = arith.cmpi slt, %add3A_118, %lt3A_119 : i32
        %convert_element_type3A_121 = arith.extui %lt3A_120 : i1 to i32
        %cond3A_122 = arith.constant 0 : i32
        %cond3A_123 = arith.cmpi ne, %convert_element_type3A_121, %cond3A_122 : i32
        scf.if %cond3A_123 {
          %add3A_169 = arith.constant 2 : i32
          %add3A_170 = arith.addi %add3A_82, %add3A_169 : i32
          %mul3A_171 = arith.constant 40 : i32
          %mul3A_172 = arith.muli %add3A_170, %mul3A_171 : i32
          %dma_start3A_173 = arith.constant 2 : i32
          %dma_start3A_174 = arith.constant 0 : i32
          %dma_start3A_175 = arith.constant 0 : i32
          %dma_start3A_176 = tpu.memref_slice %arg10[%dma_start3A_173, %dma_start3A_174, %dma_start3A_175] : memref<4x40x256xf32, #tpu.memory_space<vmem>> -> memref<1x40x256xf32, #tpu.memory_space<vmem>>
          %dma_start3A_177 = tpu.memref_squeeze %dma_start3A_176 : memref<1x40x256xf32, #tpu.memory_space<vmem>> -> memref<40x256xf32, #tpu.memory_space<vmem>>
          %dma_start3A_178 = tpu.memref_slice %arg7[%mul3A_172] : memref<5000xi32, #tpu.memory_space<vmem>> -> memref<40xi32, #tpu.memory_space<vmem>>
          %dma_start3A_179 = arith.constant 0 : i32
          %dma_start3A_180 = arith.constant 0 : i32
          %dma_start3A_181 = tpu.memref_slice %arg4[%dma_start3A_179, %dma_start3A_180] : memref<128x256xf32, #tpu.memory_space<hbm>> -> memref<128x256xf32, #tpu.memory_space<hbm>>
          tpu.enqueue_indirect_dma source(%dma_start3A_181 : memref<128x256xf32, #tpu.memory_space<hbm>>) target(%dma_start3A_177 : memref<40x256xf32, #tpu.memory_space<vmem>>) offsets(%dma_start3A_178 : memref<40xi32, #tpu.memory_space<vmem>>) semaphore(%arg13 : memref<!tpu.dma_semaphore, #tpu.memory_space<semaphore_mem>>)
          %mul3A_182 = arith.constant 40 : i32
          %mul3A_183 = arith.muli %add3A_170, %mul3A_182 : i32
          %dma_start3A_184 = arith.constant 2 : i32
          %dma_start3A_185 = arith.constant 0 : i32
          %dma_start3A_186 = arith.constant 0 : i32
          %dma_start3A_187 = tpu.memref_slice %arg9[%dma_start3A_184, %dma_start3A_185, %dma_start3A_186] : memref<4x40x256xf32, #tpu.memory_space<vmem>> -> memref<1x40x256xf32, #tpu.memory_space<vmem>>
          %dma_start3A_188 = tpu.memref_squeeze %dma_start3A_187 : memref<1x40x256xf32, #tpu.memory_space<vmem>> -> memref<40x256xf32, #tpu.memory_space<vmem>>
          %dma_start3A_189 = tpu.memref_slice %arg8[%mul3A_183] : memref<5000xi32, #tpu.memory_space<vmem>> -> memref<40xi32, #tpu.memory_space<vmem>>
          %dma_start3A_190 = arith.constant 0 : i32
          %dma_start3A_191 = arith.constant 0 : i32
          %dma_start3A_192 = tpu.memref_slice %arg5[%dma_start3A_190, %dma_start3A_191] : memref<10000x256xf32, #tpu.memory_space<hbm>> -> memref<10000x256xf32, #tpu.memory_space<hbm>>
          tpu.enqueue_indirect_dma source(%dma_start3A_192 : memref<10000x256xf32, #tpu.memory_space<hbm>>) target(%dma_start3A_188 : memref<40x256xf32, #tpu.memory_space<vmem>>) offsets(%dma_start3A_189 : memref<40xi32, #tpu.memory_space<vmem>>) semaphore(%arg17 : memref<!tpu.dma_semaphore, #tpu.memory_space<semaphore_mem>>)
        } else {
        }
        %mul3A_124 = arith.constant 40 : i32
        %mul3A_125 = arith.muli %add3A_82, %mul3A_124 : i32
        %dma_wait3A_126 = arith.constant 0 : i32
        %dma_wait3A_127 = arith.constant 0 : i32
        %dma_wait3A_128 = arith.constant 0 : i32
        %dma_wait3A_129 = tpu.memref_slice %arg10[%dma_wait3A_126, %dma_wait3A_127, %dma_wait3A_128] : memref<4x40x256xf32, #tpu.memory_space<vmem>> -> memref<1x40x256xf32, #tpu.memory_space<vmem>>
        %dma_wait3A_130 = tpu.memref_squeeze %dma_wait3A_129 : memref<1x40x256xf32, #tpu.memory_space<vmem>> -> memref<40x256xf32, #tpu.memory_space<vmem>>
        %dma_wait3A_131 = tpu.memref_slice %arg7[%mul3A_125] : memref<5000xi32, #tpu.memory_space<vmem>> -> memref<40xi32, #tpu.memory_space<vmem>>
        %dma_wait3A_132 = arith.constant 0 : i32
        %dma_wait3A_133 = arith.constant 0 : i32
        %dma_wait3A_134 = tpu.memref_slice %arg4[%dma_wait3A_132, %dma_wait3A_133] : memref<128x256xf32, #tpu.memory_space<hbm>> -> memref<128x256xf32, #tpu.memory_space<hbm>>
        tpu.wait_indirect_dma semaphore(%arg11 : memref<!tpu.dma_semaphore, #tpu.memory_space<semaphore_mem>>) src(%dma_wait3A_134 : memref<128x256xf32, #tpu.memory_space<hbm>>) dst(%dma_wait3A_130 : memref<40x256xf32, #tpu.memory_space<vmem>>)
        %mul3A_135 = arith.constant 40 : i32
        %mul3A_136 = arith.muli %add3A_82, %mul3A_135 : i32
        %dma_wait3A_137 = arith.constant 0 : i32
        %dma_wait3A_138 = arith.constant 0 : i32
        %dma_wait3A_139 = arith.constant 0 : i32
        %dma_wait3A_140 = tpu.memref_slice %arg9[%dma_wait3A_137, %dma_wait3A_138, %dma_wait3A_139] : memref<4x40x256xf32, #tpu.memory_space<vmem>> -> memref<1x40x256xf32, #tpu.memory_space<vmem>>
        %dma_wait3A_141 = tpu.memref_squeeze %dma_wait3A_140 : memref<1x40x256xf32, #tpu.memory_space<vmem>> -> memref<40x256xf32, #tpu.memory_space<vmem>>
        %dma_wait3A_142 = tpu.memref_slice %arg8[%mul3A_136] : memref<5000xi32, #tpu.memory_space<vmem>> -> memref<40xi32, #tpu.memory_space<vmem>>
        %dma_wait3A_143 = arith.constant 0 : i32
        %dma_wait3A_144 = arith.constant 0 : i32
        %dma_wait3A_145 = tpu.memref_slice %arg5[%dma_wait3A_143, %dma_wait3A_144] : memref<10000x256xf32, #tpu.memory_space<hbm>> -> memref<10000x256xf32, #tpu.memory_space<hbm>>
        tpu.wait_indirect_dma semaphore(%arg15 : memref<!tpu.dma_semaphore, #tpu.memory_space<semaphore_mem>>) src(%dma_wait3A_145 : memref<10000x256xf32, #tpu.memory_space<hbm>>) dst(%dma_wait3A_141 : memref<40x256xf32, #tpu.memory_space<vmem>>)
        %scan3A_146 = arith.constant 0 : i32
        %scan3A_147 = arith.constant 0 : i32
        %scan3A_148 = arith.constant 40 : i32
        %scan3A_149 = arith.addi %scan3A_147, %scan3A_148 : i32
        %scan3A_150 = arith.constant 1 : i32
        %scan3A_151 = scf.for %scan3A_169 = %scan3A_147 to %scan3A_149 step %scan3A_150 iter_args(%scan3A_170 = %scan3A_146) -> (i32)  : i32 {
          %get3A = arith.constant 0 : i32
          %get3A_171 = arith.index_cast %get3A : i32 to index
          %get3A_172 = arith.index_cast %scan3A_169 : i32 to index
          %get3A_173 = arith.constant 0 : index
          %get3A_174 = tpu.vector_load %arg9[%get3A_171, %get3A_172, %get3A_173] {strides = array<i32>} : memref<4x40x256xf32, #tpu.memory_space<vmem>>, vector<16xf32>,
          %swap3A = arith.constant 0 : i32
          %swap3A_175 = arith.index_cast %swap3A : i32 to index
          %swap3A_176 = arith.index_cast %scan3A_169 : i32 to index
          %swap3A_177 = arith.constant 0 : index
          %swap3A_178 = tpu.vector_load %arg10[%swap3A_175, %swap3A_176, %swap3A_177] {strides = array<i32>} : memref<4x40x256xf32, #tpu.memory_space<vmem>>, vector<16xf32>,
          tpu.vector_store %arg10[%swap3A_175, %swap3A_176, %swap3A_177], %get3A_174 {add = true, strides = array<i32>} : memref<4x40x256xf32, #tpu.memory_space<vmem>>, vector<16xf32>,
          %get3A_179 = arith.constant 0 : i32
          %get3A_180 = arith.index_cast %get3A_179 : i32 to index
          %get3A_181 = arith.index_cast %scan3A_169 : i32 to index
          %get3A_182 = arith.constant 16 : index
          %get3A_183 = tpu.vector_load %arg9[%get3A_180, %get3A_181, %get3A_182] {strides = array<i32>} : memref<4x40x256xf32, #tpu.memory_space<vmem>>, vector<16xf32>,
          %swap3A_184 = arith.constant 0 : i32
          %swap3A_185 = arith.index_cast %swap3A_184 : i32 to index
          %swap3A_186 = arith.index_cast %scan3A_169 : i32 to index
          %swap3A_187 = arith.constant 16 : index
          %swap3A_188 = tpu.vector_load %arg10[%swap3A_185, %swap3A_186, %swap3A_187] {strides = array<i32>} : memref<4x40x256xf32, #tpu.memory_space<vmem>>, vector<16xf32>,
          tpu.vector_store %arg10[%swap3A_185, %swap3A_186, %swap3A_187], %get3A_183 {add = true, strides = array<i32>} : memref<4x40x256xf32, #tpu.memory_space<vmem>>, vector<16xf32>,
          %get3A_189 = arith.constant 0 : i32
          %get3A_190 = arith.index_cast %get3A_189 : i32 to index
          %get3A_191 = arith.index_cast %scan3A_169 : i32 to index
          %get3A_192 = arith.constant 32 : index
          %get3A_193 = tpu.vector_load %arg9[%get3A_190, %get3A_191, %get3A_192] {strides = array<i32>} : memref<4x40x256xf32, #tpu.memory_space<vmem>>, vector<16xf32>,
          %swap3A_194 = arith.constant 0 : i32
          %swap3A_195 = arith.index_cast %swap3A_194 : i32 to index
          %swap3A_196 = arith.index_cast %scan3A_169 : i32 to index
          %swap3A_197 = arith.constant 32 : index
          %swap3A_198 = tpu.vector_load %arg10[%swap3A_195, %swap3A_196, %swap3A_197] {strides = array<i32>} : memref<4x40x256xf32, #tpu.memory_space<vmem>>, vector<16xf32>,
          tpu.vector_store %arg10[%swap3A_195, %swap3A_196, %swap3A_197], %get3A_193 {add = true, strides = array<i32>} : memref<4x40x256xf32, #tpu.memory_space<vmem>>, vector<16xf32>,
          %get3A_199 = arith.constant 0 : i32
          %get3A_200 = arith.index_cast %get3A_199 : i32 to index
          %get3A_201 = arith.index_cast %scan3A_169 : i32 to index
          %get3A_202 = arith.constant 48 : index
          %get3A_203 = tpu.vector_load %arg9[%get3A_200, %get3A_201, %get3A_202] {strides = array<i32>} : memref<4x40x256xf32, #tpu.memory_space<vmem>>, vector<16xf32>,
          %swap3A_204 = arith.constant 0 : i32
          %swap3A_205 = arith.index_cast %swap3A_204 : i32 to index
          %swap3A_206 = arith.index_cast %scan3A_169 : i32 to index
          %swap3A_207 = arith.constant 48 : index
          %swap3A_208 = tpu.vector_load %arg10[%swap3A_205, %swap3A_206, %swap3A_207] {strides = array<i32>} : memref<4x40x256xf32, #tpu.memory_space<vmem>>, vector<16xf32>,
          tpu.vector_store %arg10[%swap3A_205, %swap3A_206, %swap3A_207], %get3A_203 {add = true, strides = array<i32>} : memref<4x40x256xf32, #tpu.memory_space<vmem>>, vector<16xf32>,
          %get3A_209 = arith.constant 0 : i32
          %get3A_210 = arith.index_cast %get3A_209 : i32 to index
          %get3A_211 = arith.index_cast %scan3A_169 : i32 to index
          %get3A_212 = arith.constant 64 : index
          %get3A_213 = tpu.vector_load %arg9[%get3A_210, %get3A_211, %get3A_212] {strides = array<i32>} : memref<4x40x256xf32, #tpu.memory_space<vmem>>, vector<16xf32>,
          %swap3A_214 = arith.constant 0 : i32
          %swap3A_215 = arith.index_cast %swap3A_214 : i32 to index
          %swap3A_216 = arith.index_cast %scan3A_169 : i32 to index
          %swap3A_217 = arith.constant 64 : index
          %swap3A_218 = tpu.vector_load %arg10[%swap3A_215, %swap3A_216, %swap3A_217] {strides = array<i32>} : memref<4x40x256xf32, #tpu.memory_space<vmem>>, vector<16xf32>,
          tpu.vector_store %arg10[%swap3A_215, %swap3A_216, %swap3A_217], %get3A_213 {add = true, strides = array<i32>} : memref<4x40x256xf32, #tpu.memory_space<vmem>>, vector<16xf32>,
          %get3A_219 = arith.constant 0 : i32
          %get3A_220 = arith.index_cast %get3A_219 : i32 to index
          %get3A_221 = arith.index_cast %scan3A_169 : i32 to index
          %get3A_222 = arith.constant 80 : index
          %get3A_223 = tpu.vector_load %arg9[%get3A_220, %get3A_221, %get3A_222] {strides = array<i32>} : memref<4x40x256xf32, #tpu.memory_space<vmem>>, vector<16xf32>,
          %swap3A_224 = arith.constant 0 : i32
          %swap3A_225 = arith.index_cast %swap3A_224 : i32 to index
          %swap3A_226 = arith.index_cast %scan3A_169 : i32 to index
          %swap3A_227 = arith.constant 80 : index
          %swap3A_228 = tpu.vector_load %arg10[%swap3A_225, %swap3A_226, %swap3A_227] {strides = array<i32>} : memref<4x40x256xf32, #tpu.memory_space<vmem>>, vector<16xf32>,
          tpu.vector_store %arg10[%swap3A_225, %swap3A_226, %swap3A_227], %get3A_223 {add = true, strides = array<i32>} : memref<4x40x256xf32, #tpu.memory_space<vmem>>, vector<16xf32>,
          %get3A_229 = arith.constant 0 : i32
          %get3A_230 = arith.index_cast %get3A_229 : i32 to index
          %get3A_231 = arith.index_cast %scan3A_169 : i32 to index
          %get3A_232 = arith.constant 96 : index
          %get3A_233 = tpu.vector_load %arg9[%get3A_230, %get3A_231, %get3A_232] {strides = array<i32>} : memref<4x40x256xf32, #tpu.memory_space<vmem>>, vector<16xf32>,
          %swap3A_234 = arith.constant 0 : i32
          %swap3A_235 = arith.index_cast %swap3A_234 : i32 to index
          %swap3A_236 = arith.index_cast %scan3A_169 : i32 to index
          %swap3A_237 = arith.constant 96 : index
          %swap3A_238 = tpu.vector_load %arg10[%swap3A_235, %swap3A_236, %swap3A_237] {strides = array<i32>} : memref<4x40x256xf32, #tpu.memory_space<vmem>>, vector<16xf32>,
          tpu.vector_store %arg10[%swap3A_235, %swap3A_236, %swap3A_237], %get3A_233 {add = true, strides = array<i32>} : memref<4x40x256xf32, #tpu.memory_space<vmem>>, vector<16xf32>,
          %get3A_239 = arith.constant 0 : i32
          %get3A_240 = arith.index_cast %get3A_239 : i32 to index
          %get3A_241 = arith.index_cast %scan3A_169 : i32 to index
          %get3A_242 = arith.constant 112 : index
          %get3A_243 = tpu.vector_load %arg9[%get3A_240, %get3A_241, %get3A_242] {strides = array<i32>} : memref<4x40x256xf32, #tpu.memory_space<vmem>>, vector<16xf32>,
          %swap3A_244 = arith.constant 0 : i32
          %swap3A_245 = arith.index_cast %swap3A_244 : i32 to index
          %swap3A_246 = arith.index_cast %scan3A_169 : i32 to index
          %swap3A_247 = arith.constant 112 : index
          %swap3A_248 = tpu.vector_load %arg10[%swap3A_245, %swap3A_246, %swap3A_247] {strides = array<i32>} : memref<4x40x256xf32, #tpu.memory_space<vmem>>, vector<16xf32>,
          tpu.vector_store %arg10[%swap3A_245, %swap3A_246, %swap3A_247], %get3A_243 {add = true, strides = array<i32>} : memref<4x40x256xf32, #tpu.memory_space<vmem>>, vector<16xf32>,
          %get3A_249 = arith.constant 0 : i32
          %get3A_250 = arith.index_cast %get3A_249 : i32 to index
          %get3A_251 = arith.index_cast %scan3A_169 : i32 to index
          %get3A_252 = arith.constant 128 : index
          %get3A_253 = tpu.vector_load %arg9[%get3A_250, %get3A_251, %get3A_252] {strides = array<i32>} : memref<4x40x256xf32, #tpu.memory_space<vmem>>, vector<16xf32>,
          %swap3A_254 = arith.constant 0 : i32
          %swap3A_255 = arith.index_cast %swap3A_254 : i32 to index
          %swap3A_256 = arith.index_cast %scan3A_169 : i32 to index
          %swap3A_257 = arith.constant 128 : index
          %swap3A_258 = tpu.vector_load %arg10[%swap3A_255, %swap3A_256, %swap3A_257] {strides = array<i32>} : memref<4x40x256xf32, #tpu.memory_space<vmem>>, vector<16xf32>,
          tpu.vector_store %arg10[%swap3A_255, %swap3A_256, %swap3A_257], %get3A_253 {add = true, strides = array<i32>} : memref<4x40x256xf32, #tpu.memory_space<vmem>>, vector<16xf32>,
          %get3A_259 = arith.constant 0 : i32
          %get3A_260 = arith.index_cast %get3A_259 : i32 to index
          %get3A_261 = arith.index_cast %scan3A_169 : i32 to index
          %get3A_262 = arith.constant 144 : index
          %get3A_263 = tpu.vector_load %arg9[%get3A_260, %get3A_261, %get3A_262] {strides = array<i32>} : memref<4x40x256xf32, #tpu.memory_space<vmem>>, vector<16xf32>,
          %swap3A_264 = arith.constant 0 : i32
          %swap3A_265 = arith.index_cast %swap3A_264 : i32 to index
          %swap3A_266 = arith.index_cast %scan3A_169 : i32 to index
          %swap3A_267 = arith.constant 144 : index
          %swap3A_268 = tpu.vector_load %arg10[%swap3A_265, %swap3A_266, %swap3A_267] {strides = array<i32>} : memref<4x40x256xf32, #tpu.memory_space<vmem>>, vector<16xf32>,
          tpu.vector_store %arg10[%swap3A_265, %swap3A_266, %swap3A_267], %get3A_263 {add = true, strides = array<i32>} : memref<4x40x256xf32, #tpu.memory_space<vmem>>, vector<16xf32>,
          %get3A_269 = arith.constant 0 : i32
          %get3A_270 = arith.index_cast %get3A_269 : i32 to index
          %get3A_271 = arith.index_cast %scan3A_169 : i32 to index
          %get3A_272 = arith.constant 160 : index
          %get3A_273 = tpu.vector_load %arg9[%get3A_270, %get3A_271, %get3A_272] {strides = array<i32>} : memref<4x40x256xf32, #tpu.memory_space<vmem>>, vector<16xf32>,
          %swap3A_274 = arith.constant 0 : i32
          %swap3A_275 = arith.index_cast %swap3A_274 : i32 to index
          %swap3A_276 = arith.index_cast %scan3A_169 : i32 to index
          %swap3A_277 = arith.constant 160 : index
          %swap3A_278 = tpu.vector_load %arg10[%swap3A_275, %swap3A_276, %swap3A_277] {strides = array<i32>} : memref<4x40x256xf32, #tpu.memory_space<vmem>>, vector<16xf32>,
          tpu.vector_store %arg10[%swap3A_275, %swap3A_276, %swap3A_277], %get3A_273 {add = true, strides = array<i32>} : memref<4x40x256xf32, #tpu.memory_space<vmem>>, vector<16xf32>,
          %get3A_279 = arith.constant 0 : i32
          %get3A_280 = arith.index_cast %get3A_279 : i32 to index
          %get3A_281 = arith.index_cast %scan3A_169 : i32 to index
          %get3A_282 = arith.constant 176 : index
          %get3A_283 = tpu.vector_load %arg9[%get3A_280, %get3A_281, %get3A_282] {strides = array<i32>} : memref<4x40x256xf32, #tpu.memory_space<vmem>>, vector<16xf32>,
          %swap3A_284 = arith.constant 0 : i32
          %swap3A_285 = arith.index_cast %swap3A_284 : i32 to index
          %swap3A_286 = arith.index_cast %scan3A_169 : i32 to index
          %swap3A_287 = arith.constant 176 : index
          %swap3A_288 = tpu.vector_load %arg10[%swap3A_285, %swap3A_286, %swap3A_287] {strides = array<i32>} : memref<4x40x256xf32, #tpu.memory_space<vmem>>, vector<16xf32>,
          tpu.vector_store %arg10[%swap3A_285, %swap3A_286, %swap3A_287], %get3A_283 {add = true, strides = array<i32>} : memref<4x40x256xf32, #tpu.memory_space<vmem>>, vector<16xf32>,
          %get3A_289 = arith.constant 0 : i32
          %get3A_290 = arith.index_cast %get3A_289 : i32 to index
          %get3A_291 = arith.index_cast %scan3A_169 : i32 to index
          %get3A_292 = arith.constant 192 : index
          %get3A_293 = tpu.vector_load %arg9[%get3A_290, %get3A_291, %get3A_292] {strides = array<i32>} : memref<4x40x256xf32, #tpu.memory_space<vmem>>, vector<16xf32>,
          %swap3A_294 = arith.constant 0 : i32
          %swap3A_295 = arith.index_cast %swap3A_294 : i32 to index
          %swap3A_296 = arith.index_cast %scan3A_169 : i32 to index
          %swap3A_297 = arith.constant 192 : index
          %swap3A_298 = tpu.vector_load %arg10[%swap3A_295, %swap3A_296, %swap3A_297] {strides = array<i32>} : memref<4x40x256xf32, #tpu.memory_space<vmem>>, vector<16xf32>,
          tpu.vector_store %arg10[%swap3A_295, %swap3A_296, %swap3A_297], %get3A_293 {add = true, strides = array<i32>} : memref<4x40x256xf32, #tpu.memory_space<vmem>>, vector<16xf32>,
          %get3A_299 = arith.constant 0 : i32
          %get3A_300 = arith.index_cast %get3A_299 : i32 to index
          %get3A_301 = arith.index_cast %scan3A_169 : i32 to index
          %get3A_302 = arith.constant 208 : index
          %get3A_303 = tpu.vector_load %arg9[%get3A_300, %get3A_301, %get3A_302] {strides = array<i32>} : memref<4x40x256xf32, #tpu.memory_space<vmem>>, vector<16xf32>,
          %swap3A_304 = arith.constant 0 : i32
          %swap3A_305 = arith.index_cast %swap3A_304 : i32 to index
          %swap3A_306 = arith.index_cast %scan3A_169 : i32 to index
          %swap3A_307 = arith.constant 208 : index
          %swap3A_308 = tpu.vector_load %arg10[%swap3A_305, %swap3A_306, %swap3A_307] {strides = array<i32>} : memref<4x40x256xf32, #tpu.memory_space<vmem>>, vector<16xf32>,
          tpu.vector_store %arg10[%swap3A_305, %swap3A_306, %swap3A_307], %get3A_303 {add = true, strides = array<i32>} : memref<4x40x256xf32, #tpu.memory_space<vmem>>, vector<16xf32>,
          %get3A_309 = arith.constant 0 : i32
          %get3A_310 = arith.index_cast %get3A_309 : i32 to index
          %get3A_311 = arith.index_cast %scan3A_169 : i32 to index
          %get3A_312 = arith.constant 224 : index
          %get3A_313 = tpu.vector_load %arg9[%get3A_310, %get3A_311, %get3A_312] {strides = array<i32>} : memref<4x40x256xf32, #tpu.memory_space<vmem>>, vector<16xf32>,
          %swap3A_314 = arith.constant 0 : i32
          %swap3A_315 = arith.index_cast %swap3A_314 : i32 to index
          %swap3A_316 = arith.index_cast %scan3A_169 : i32 to index
          %swap3A_317 = arith.constant 224 : index
          %swap3A_318 = tpu.vector_load %arg10[%swap3A_315, %swap3A_316, %swap3A_317] {strides = array<i32>} : memref<4x40x256xf32, #tpu.memory_space<vmem>>, vector<16xf32>,
          tpu.vector_store %arg10[%swap3A_315, %swap3A_316, %swap3A_317], %get3A_313 {add = true, strides = array<i32>} : memref<4x40x256xf32, #tpu.memory_space<vmem>>, vector<16xf32>,
          %get3A_319 = arith.constant 0 : i32
          %get3A_320 = arith.index_cast %get3A_319 : i32 to index
          %get3A_321 = arith.index_cast %scan3A_169 : i32 to index
          %get3A_322 = arith.constant 240 : index
          %get3A_323 = tpu.vector_load %arg9[%get3A_320, %get3A_321, %get3A_322] {strides = array<i32>} : memref<4x40x256xf32, #tpu.memory_space<vmem>>, vector<16xf32>,
          %swap3A_324 = arith.constant 0 : i32
          %swap3A_325 = arith.index_cast %swap3A_324 : i32 to index
          %swap3A_326 = arith.index_cast %scan3A_169 : i32 to index
          %swap3A_327 = arith.constant 240 : index
          %swap3A_328 = tpu.vector_load %arg10[%swap3A_325, %swap3A_326, %swap3A_327] {strides = array<i32>} : memref<4x40x256xf32, #tpu.memory_space<vmem>>, vector<16xf32>,
          tpu.vector_store %arg10[%swap3A_325, %swap3A_326, %swap3A_327], %get3A_323 {add = true, strides = array<i32>} : memref<4x40x256xf32, #tpu.memory_space<vmem>>, vector<16xf32>,
          %scan3A_329 = arith.constant 0 : i32
          scf.yield %scan3A_329 : i32
        }
        %scan3A_152 = arith.constant 40 : i32
        %mul3A_153 = arith.constant 40 : i32
        %mul3A_154 = arith.muli %add3A_82, %mul3A_153 : i32
        %add3A_155 = arith.addi %mul3A_2, %mul3A_154 : i32
        %dma_start3A_156 = arith.constant 0 : i32
        %dma_start3A_157 = arith.constant 0 : i32
        %dma_start3A_158 = arith.constant 0 : i32
        %dma_start3A_159 = tpu.memref_slice %arg10[%dma_start3A_156, %dma_start3A_157, %dma_start3A_158] : memref<4x40x256xf32, #tpu.memory_space<vmem>> -> memref<1x40x256xf32, #tpu.memory_space<vmem>>
        %dma_start3A_160 = tpu.memref_squeeze %dma_start3A_159 : memref<1x40x256xf32, #tpu.memory_space<vmem>> -> memref<40x256xf32, #tpu.memory_space<vmem>>
        %dma_start3A_161 = arith.constant 0 : i32
        %dma_start3A_162 = tpu.memref_slice %arg6[%add3A_155, %dma_start3A_161] : memref<160000x256xf32, #tpu.memory_space<hbm>> -> memref<40x256xf32, #tpu.memory_space<hbm>>
        %dma_start3A_163 = arith.constant 0 : i32
        %dma_start3A_164 = tpu.memref_slice %arg6[%add3A_155, %dma_start3A_163] : memref<160000x256xf32, #tpu.memory_space<hbm>> -> memref<40x256xf32, #tpu.memory_space<hbm>>
        %dma_start3A_165 = arith.constant 0 : i32
        %dma_start3A_166 = arith.constant 0 : i32
        %dma_start3A_167 = tpu.memref_slice %arg10[%dma_start3A_156, %dma_start3A_165, %dma_start3A_166] : memref<4x40x256xf32, #tpu.memory_space<vmem>> -> memref<1x40x256xf32, #tpu.memory_space<vmem>>
        %dma_start3A_168 = tpu.memref_squeeze %dma_start3A_167 : memref<1x40x256xf32, #tpu.memory_space<vmem>> -> memref<40x256xf32, #tpu.memory_space<vmem>>
        tpu.enqueue_dma source(%dma_start3A_168 : memref<40x256xf32, #tpu.memory_space<vmem>>) target(%dma_start3A_164 : memref<40x256xf32, #tpu.memory_space<hbm>>) target_semaphore(%arg19 : memref<!tpu.dma_semaphore, #tpu.memory_space<semaphore_mem>>)
      } else {
      }
      %mul3A_85 = arith.constant 4 : i32
      %mul3A_86 = arith.muli %mul3A_85, %scan3A_77 : i32
      %add3A_87 = arith.constant 1 : i32
      %add3A_88 = arith.addi %mul3A_86, %add3A_87 : i32
      %lt3A_89 = arith.constant 125 : i32
      %lt3A_90 = arith.cmpi slt, %add3A_88, %lt3A_89 : i32
      %convert_element_type3A_91 = arith.extui %lt3A_90 : i1 to i32
      %cond3A_92 = arith.constant 0 : i32
      %cond3A_93 = arith.cmpi ne, %convert_element_type3A_91, %cond3A_92 : i32
      scf.if %cond3A_93 {
        %ge3A = arith.constant 2 : i32
        %ge3A_113 = arith.cmpi sge, %add3A_88, %ge3A : i32
        %convert_element_type3A_114 = arith.extui %ge3A_113 : i1 to i32
        %cond3A_115 = arith.constant 0 : i32
        %cond3A_116 = arith.cmpi ne, %convert_element_type3A_114, %cond3A_115 : i32
        scf.if %cond3A_116 {
          %sub3A = arith.constant 2 : i32
          %sub3A_169 = arith.subi %add3A_88, %sub3A : i32
          %mul3A_170 = arith.constant 40 : i32
          %mul3A_171 = arith.muli %sub3A_169, %mul3A_170 : i32
          %add3A_172 = arith.addi %mul3A_2, %mul3A_171 : i32
          %dma_wait3A_173 = arith.constant 3 : i32
          %dma_wait3A_174 = arith.constant 0 : i32
          %dma_wait3A_175 = arith.constant 0 : i32
          %dma_wait3A_176 = tpu.memref_slice %arg10[%dma_wait3A_173, %dma_wait3A_174, %dma_wait3A_175] : memref<4x40x256xf32, #tpu.memory_space<vmem>> -> memref<1x40x256xf32, #tpu.memory_space<vmem>>
          %dma_wait3A_177 = tpu.memref_squeeze %dma_wait3A_176 : memref<1x40x256xf32, #tpu.memory_space<vmem>> -> memref<40x256xf32, #tpu.memory_space<vmem>>
          %dma_wait3A_178 = arith.constant 0 : i32
          %dma_wait3A_179 = tpu.memref_slice %arg6[%add3A_172, %dma_wait3A_178] : memref<160000x256xf32, #tpu.memory_space<hbm>> -> memref<40x256xf32, #tpu.memory_space<hbm>>
          %dma_wait3A_180 = arith.constant 0 : i32
          %dma_wait3A_181 = tpu.memref_slice %arg6[%add3A_172, %dma_wait3A_180] : memref<160000x256xf32, #tpu.memory_space<hbm>> -> memref<40x256xf32, #tpu.memory_space<hbm>>
          %dma_wait3A_182 = arith.constant 0 : i32
          %dma_wait3A_183 = arith.constant 0 : i32
          %dma_wait3A_184 = tpu.memref_slice %arg10[%dma_wait3A_173, %dma_wait3A_182, %dma_wait3A_183] : memref<4x40x256xf32, #tpu.memory_space<vmem>> -> memref<1x40x256xf32, #tpu.memory_space<vmem>>
          %dma_wait3A_185 = tpu.memref_squeeze %dma_wait3A_184 : memref<1x40x256xf32, #tpu.memory_space<vmem>> -> memref<40x256xf32, #tpu.memory_space<vmem>>
          tpu.wait_dma2 semaphore(%arg22 : memref<!tpu.dma_semaphore, #tpu.memory_space<semaphore_mem>>) src(%dma_wait3A_185 : memref<40x256xf32, #tpu.memory_space<vmem>>) dst(%dma_wait3A_181 : memref<40x256xf32, #tpu.memory_space<hbm>>)
        } else {
        }
        %add3A_117 = arith.constant 2 : i32
        %add3A_118 = arith.addi %add3A_88, %add3A_117 : i32
        %lt3A_119 = arith.constant 125 : i32
        %lt3A_120 = arith.cmpi slt, %add3A_118, %lt3A_119 : i32
        %convert_element_type3A_121 = arith.extui %lt3A_120 : i1 to i32
        %cond3A_122 = arith.constant 0 : i32
        %cond3A_123 = arith.cmpi ne, %convert_element_type3A_121, %cond3A_122 : i32
        scf.if %cond3A_123 {
          %add3A_169 = arith.constant 2 : i32
          %add3A_170 = arith.addi %add3A_88, %add3A_169 : i32
          %mul3A_171 = arith.constant 40 : i32
          %mul3A_172 = arith.muli %add3A_170, %mul3A_171 : i32
          %dma_start3A_173 = arith.constant 3 : i32
          %dma_start3A_174 = arith.constant 0 : i32
          %dma_start3A_175 = arith.constant 0 : i32
          %dma_start3A_176 = tpu.memref_slice %arg10[%dma_start3A_173, %dma_start3A_174, %dma_start3A_175] : memref<4x40x256xf32, #tpu.memory_space<vmem>> -> memref<1x40x256xf32, #tpu.memory_space<vmem>>
          %dma_start3A_177 = tpu.memref_squeeze %dma_start3A_176 : memref<1x40x256xf32, #tpu.memory_space<vmem>> -> memref<40x256xf32, #tpu.memory_space<vmem>>
          %dma_start3A_178 = tpu.memref_slice %arg7[%mul3A_172] : memref<5000xi32, #tpu.memory_space<vmem>> -> memref<40xi32, #tpu.memory_space<vmem>>
          %dma_start3A_179 = arith.constant 0 : i32
          %dma_start3A_180 = arith.constant 0 : i32
          %dma_start3A_181 = tpu.memref_slice %arg4[%dma_start3A_179, %dma_start3A_180] : memref<128x256xf32, #tpu.memory_space<hbm>> -> memref<128x256xf32, #tpu.memory_space<hbm>>
          tpu.enqueue_indirect_dma source(%dma_start3A_181 : memref<128x256xf32, #tpu.memory_space<hbm>>) target(%dma_start3A_177 : memref<40x256xf32, #tpu.memory_space<vmem>>) offsets(%dma_start3A_178 : memref<40xi32, #tpu.memory_space<vmem>>) semaphore(%arg14 : memref<!tpu.dma_semaphore, #tpu.memory_space<semaphore_mem>>)
          %mul3A_182 = arith.constant 40 : i32
          %mul3A_183 = arith.muli %add3A_170, %mul3A_182 : i32
          %dma_start3A_184 = arith.constant 3 : i32
          %dma_start3A_185 = arith.constant 0 : i32
          %dma_start3A_186 = arith.constant 0 : i32
          %dma_start3A_187 = tpu.memref_slice %arg9[%dma_start3A_184, %dma_start3A_185, %dma_start3A_186] : memref<4x40x256xf32, #tpu.memory_space<vmem>> -> memref<1x40x256xf32, #tpu.memory_space<vmem>>
          %dma_start3A_188 = tpu.memref_squeeze %dma_start3A_187 : memref<1x40x256xf32, #tpu.memory_space<vmem>> -> memref<40x256xf32, #tpu.memory_space<vmem>>
          %dma_start3A_189 = tpu.memref_slice %arg8[%mul3A_183] : memref<5000xi32, #tpu.memory_space<vmem>> -> memref<40xi32, #tpu.memory_space<vmem>>
          %dma_start3A_190 = arith.constant 0 : i32
          %dma_start3A_191 = arith.constant 0 : i32
          %dma_start3A_192 = tpu.memref_slice %arg5[%dma_start3A_190, %dma_start3A_191] : memref<10000x256xf32, #tpu.memory_space<hbm>> -> memref<10000x256xf32, #tpu.memory_space<hbm>>
          tpu.enqueue_indirect_dma source(%dma_start3A_192 : memref<10000x256xf32, #tpu.memory_space<hbm>>) target(%dma_start3A_188 : memref<40x256xf32, #tpu.memory_space<vmem>>) offsets(%dma_start3A_189 : memref<40xi32, #tpu.memory_space<vmem>>) semaphore(%arg18 : memref<!tpu.dma_semaphore, #tpu.memory_space<semaphore_mem>>)
        } else {
        }
        %mul3A_124 = arith.constant 40 : i32
        %mul3A_125 = arith.muli %add3A_88, %mul3A_124 : i32
        %dma_wait3A_126 = arith.constant 1 : i32
        %dma_wait3A_127 = arith.constant 0 : i32
        %dma_wait3A_128 = arith.constant 0 : i32
        %dma_wait3A_129 = tpu.memref_slice %arg10[%dma_wait3A_126, %dma_wait3A_127, %dma_wait3A_128] : memref<4x40x256xf32, #tpu.memory_space<vmem>> -> memref<1x40x256xf32, #tpu.memory_space<vmem>>
        %dma_wait3A_130 = tpu.memref_squeeze %dma_wait3A_129 : memref<1x40x256xf32, #tpu.memory_space<vmem>> -> memref<40x256xf32, #tpu.memory_space<vmem>>
        %dma_wait3A_131 = tpu.memref_slice %arg7[%mul3A_125] : memref<5000xi32, #tpu.memory_space<vmem>> -> memref<40xi32, #tpu.memory_space<vmem>>
        %dma_wait3A_132 = arith.constant 0 : i32
        %dma_wait3A_133 = arith.constant 0 : i32
        %dma_wait3A_134 = tpu.memref_slice %arg4[%dma_wait3A_132, %dma_wait3A_133] : memref<128x256xf32, #tpu.memory_space<hbm>> -> memref<128x256xf32, #tpu.memory_space<hbm>>
        tpu.wait_indirect_dma semaphore(%arg12 : memref<!tpu.dma_semaphore, #tpu.memory_space<semaphore_mem>>) src(%dma_wait3A_134 : memref<128x256xf32, #tpu.memory_space<hbm>>) dst(%dma_wait3A_130 : memref<40x256xf32, #tpu.memory_space<vmem>>)
        %mul3A_135 = arith.constant 40 : i32
        %mul3A_136 = arith.muli %add3A_88, %mul3A_135 : i32
        %dma_wait3A_137 = arith.constant 1 : i32
        %dma_wait3A_138 = arith.constant 0 : i32
        %dma_wait3A_139 = arith.constant 0 : i32
        %dma_wait3A_140 = tpu.memref_slice %arg9[%dma_wait3A_137, %dma_wait3A_138, %dma_wait3A_139] : memref<4x40x256xf32, #tpu.memory_space<vmem>> -> memref<1x40x256xf32, #tpu.memory_space<vmem>>
        %dma_wait3A_141 = tpu.memref_squeeze %dma_wait3A_140 : memref<1x40x256xf32, #tpu.memory_space<vmem>> -> memref<40x256xf32, #tpu.memory_space<vmem>>
        %dma_wait3A_142 = tpu.memref_slice %arg8[%mul3A_136] : memref<5000xi32, #tpu.memory_space<vmem>> -> memref<40xi32, #tpu.memory_space<vmem>>
        %dma_wait3A_143 = arith.constant 0 : i32
        %dma_wait3A_144 = arith.constant 0 : i32
        %dma_wait3A_145 = tpu.memref_slice %arg5[%dma_wait3A_143, %dma_wait3A_144] : memref<10000x256xf32, #tpu.memory_space<hbm>> -> memref<10000x256xf32, #tpu.memory_space<hbm>>
        tpu.wait_indirect_dma semaphore(%arg16 : memref<!tpu.dma_semaphore, #tpu.memory_space<semaphore_mem>>) src(%dma_wait3A_145 : memref<10000x256xf32, #tpu.memory_space<hbm>>) dst(%dma_wait3A_141 : memref<40x256xf32, #tpu.memory_space<vmem>>)
        %scan3A_146 = arith.constant 0 : i32
        %scan3A_147 = arith.constant 0 : i32
        %scan3A_148 = arith.constant 40 : i32
        %scan3A_149 = arith.addi %scan3A_147, %scan3A_148 : i32
        %scan3A_150 = arith.constant 1 : i32
        %scan3A_151 = scf.for %scan3A_169 = %scan3A_147 to %scan3A_149 step %scan3A_150 iter_args(%scan3A_170 = %scan3A_146) -> (i32)  : i32 {
          %get3A = arith.constant 1 : i32
          %get3A_171 = arith.index_cast %get3A : i32 to index
          %get3A_172 = arith.index_cast %scan3A_169 : i32 to index
          %get3A_173 = arith.constant 0 : index
          %get3A_174 = tpu.vector_load %arg9[%get3A_171, %get3A_172, %get3A_173] {strides = array<i32>} : memref<4x40x256xf32, #tpu.memory_space<vmem>>, vector<16xf32>,
          %swap3A = arith.constant 1 : i32
          %swap3A_175 = arith.index_cast %swap3A : i32 to index
          %swap3A_176 = arith.index_cast %scan3A_169 : i32 to index
          %swap3A_177 = arith.constant 0 : index
          %swap3A_178 = tpu.vector_load %arg10[%swap3A_175, %swap3A_176, %swap3A_177] {strides = array<i32>} : memref<4x40x256xf32, #tpu.memory_space<vmem>>, vector<16xf32>,
          tpu.vector_store %arg10[%swap3A_175, %swap3A_176, %swap3A_177], %get3A_174 {add = true, strides = array<i32>} : memref<4x40x256xf32, #tpu.memory_space<vmem>>, vector<16xf32>,
          %get3A_179 = arith.constant 1 : i32
          %get3A_180 = arith.index_cast %get3A_179 : i32 to index
          %get3A_181 = arith.index_cast %scan3A_169 : i32 to index
          %get3A_182 = arith.constant 16 : index
          %get3A_183 = tpu.vector_load %arg9[%get3A_180, %get3A_181, %get3A_182] {strides = array<i32>} : memref<4x40x256xf32, #tpu.memory_space<vmem>>, vector<16xf32>,
          %swap3A_184 = arith.constant 1 : i32
          %swap3A_185 = arith.index_cast %swap3A_184 : i32 to index
          %swap3A_186 = arith.index_cast %scan3A_169 : i32 to index
          %swap3A_187 = arith.constant 16 : index
          %swap3A_188 = tpu.vector_load %arg10[%swap3A_185, %swap3A_186, %swap3A_187] {strides = array<i32>} : memref<4x40x256xf32, #tpu.memory_space<vmem>>, vector<16xf32>,
          tpu.vector_store %arg10[%swap3A_185, %swap3A_186, %swap3A_187], %get3A_183 {add = true, strides = array<i32>} : memref<4x40x256xf32, #tpu.memory_space<vmem>>, vector<16xf32>,
          %get3A_189 = arith.constant 1 : i32
          %get3A_190 = arith.index_cast %get3A_189 : i32 to index
          %get3A_191 = arith.index_cast %scan3A_169 : i32 to index
          %get3A_192 = arith.constant 32 : index
          %get3A_193 = tpu.vector_load %arg9[%get3A_190, %get3A_191, %get3A_192] {strides = array<i32>} : memref<4x40x256xf32, #tpu.memory_space<vmem>>, vector<16xf32>,
          %swap3A_194 = arith.constant 1 : i32
          %swap3A_195 = arith.index_cast %swap3A_194 : i32 to index
          %swap3A_196 = arith.index_cast %scan3A_169 : i32 to index
          %swap3A_197 = arith.constant 32 : index
          %swap3A_198 = tpu.vector_load %arg10[%swap3A_195, %swap3A_196, %swap3A_197] {strides = array<i32>} : memref<4x40x256xf32, #tpu.memory_space<vmem>>, vector<16xf32>,
          tpu.vector_store %arg10[%swap3A_195, %swap3A_196, %swap3A_197], %get3A_193 {add = true, strides = array<i32>} : memref<4x40x256xf32, #tpu.memory_space<vmem>>, vector<16xf32>,
          %get3A_199 = arith.constant 1 : i32
          %get3A_200 = arith.index_cast %get3A_199 : i32 to index
          %get3A_201 = arith.index_cast %scan3A_169 : i32 to index
          %get3A_202 = arith.constant 48 : index
          %get3A_203 = tpu.vector_load %arg9[%get3A_200, %get3A_201, %get3A_202] {strides = array<i32>} : memref<4x40x256xf32, #tpu.memory_space<vmem>>, vector<16xf32>,
          %swap3A_204 = arith.constant 1 : i32
          %swap3A_205 = arith.index_cast %swap3A_204 : i32 to index
          %swap3A_206 = arith.index_cast %scan3A_169 : i32 to index
          %swap3A_207 = arith.constant 48 : index
          %swap3A_208 = tpu.vector_load %arg10[%swap3A_205, %swap3A_206, %swap3A_207] {strides = array<i32>} : memref<4x40x256xf32, #tpu.memory_space<vmem>>, vector<16xf32>,
          tpu.vector_store %arg10[%swap3A_205, %swap3A_206, %swap3A_207], %get3A_203 {add = true, strides = array<i32>} : memref<4x40x256xf32, #tpu.memory_space<vmem>>, vector<16xf32>,
          %get3A_209 = arith.constant 1 : i32
          %get3A_210 = arith.index_cast %get3A_209 : i32 to index
          %get3A_211 = arith.index_cast %scan3A_169 : i32 to index
          %get3A_212 = arith.constant 64 : index
          %get3A_213 = tpu.vector_load %arg9[%get3A_210, %get3A_211, %get3A_212] {strides = array<i32>} : memref<4x40x256xf32, #tpu.memory_space<vmem>>, vector<16xf32>,
          %swap3A_214 = arith.constant 1 : i32
          %swap3A_215 = arith.index_cast %swap3A_214 : i32 to index
          %swap3A_216 = arith.index_cast %scan3A_169 : i32 to index
          %swap3A_217 = arith.constant 64 : index
          %swap3A_218 = tpu.vector_load %arg10[%swap3A_215, %swap3A_216, %swap3A_217] {strides = array<i32>} : memref<4x40x256xf32, #tpu.memory_space<vmem>>, vector<16xf32>,
          tpu.vector_store %arg10[%swap3A_215, %swap3A_216, %swap3A_217], %get3A_213 {add = true, strides = array<i32>} : memref<4x40x256xf32, #tpu.memory_space<vmem>>, vector<16xf32>,
          %get3A_219 = arith.constant 1 : i32
          %get3A_220 = arith.index_cast %get3A_219 : i32 to index
          %get3A_221 = arith.index_cast %scan3A_169 : i32 to index
          %get3A_222 = arith.constant 80 : index
          %get3A_223 = tpu.vector_load %arg9[%get3A_220, %get3A_221, %get3A_222] {strides = array<i32>} : memref<4x40x256xf32, #tpu.memory_space<vmem>>, vector<16xf32>,
          %swap3A_224 = arith.constant 1 : i32
          %swap3A_225 = arith.index_cast %swap3A_224 : i32 to index
          %swap3A_226 = arith.index_cast %scan3A_169 : i32 to index
          %swap3A_227 = arith.constant 80 : index
          %swap3A_228 = tpu.vector_load %arg10[%swap3A_225, %swap3A_226, %swap3A_227] {strides = array<i32>} : memref<4x40x256xf32, #tpu.memory_space<vmem>>, vector<16xf32>,
          tpu.vector_store %arg10[%swap3A_225, %swap3A_226, %swap3A_227], %get3A_223 {add = true, strides = array<i32>} : memref<4x40x256xf32, #tpu.memory_space<vmem>>, vector<16xf32>,
          %get3A_229 = arith.constant 1 : i32
          %get3A_230 = arith.index_cast %get3A_229 : i32 to index
          %get3A_231 = arith.index_cast %scan3A_169 : i32 to index
          %get3A_232 = arith.constant 96 : index
          %get3A_233 = tpu.vector_load %arg9[%get3A_230, %get3A_231, %get3A_232] {strides = array<i32>} : memref<4x40x256xf32, #tpu.memory_space<vmem>>, vector<16xf32>,
          %swap3A_234 = arith.constant 1 : i32
          %swap3A_235 = arith.index_cast %swap3A_234 : i32 to index
          %swap3A_236 = arith.index_cast %scan3A_169 : i32 to index
          %swap3A_237 = arith.constant 96 : index
          %swap3A_238 = tpu.vector_load %arg10[%swap3A_235, %swap3A_236, %swap3A_237] {strides = array<i32>} : memref<4x40x256xf32, #tpu.memory_space<vmem>>, vector<16xf32>,
          tpu.vector_store %arg10[%swap3A_235, %swap3A_236, %swap3A_237], %get3A_233 {add = true, strides = array<i32>} : memref<4x40x256xf32, #tpu.memory_space<vmem>>, vector<16xf32>,
          %get3A_239 = arith.constant 1 : i32
          %get3A_240 = arith.index_cast %get3A_239 : i32 to index
          %get3A_241 = arith.index_cast %scan3A_169 : i32 to index
          %get3A_242 = arith.constant 112 : index
          %get3A_243 = tpu.vector_load %arg9[%get3A_240, %get3A_241, %get3A_242] {strides = array<i32>} : memref<4x40x256xf32, #tpu.memory_space<vmem>>, vector<16xf32>,
          %swap3A_244 = arith.constant 1 : i32
          %swap3A_245 = arith.index_cast %swap3A_244 : i32 to index
          %swap3A_246 = arith.index_cast %scan3A_169 : i32 to index
          %swap3A_247 = arith.constant 112 : index
          %swap3A_248 = tpu.vector_load %arg10[%swap3A_245, %swap3A_246, %swap3A_247] {strides = array<i32>} : memref<4x40x256xf32, #tpu.memory_space<vmem>>, vector<16xf32>,
          tpu.vector_store %arg10[%swap3A_245, %swap3A_246, %swap3A_247], %get3A_243 {add = true, strides = array<i32>} : memref<4x40x256xf32, #tpu.memory_space<vmem>>, vector<16xf32>,
          %get3A_249 = arith.constant 1 : i32
          %get3A_250 = arith.index_cast %get3A_249 : i32 to index
          %get3A_251 = arith.index_cast %scan3A_169 : i32 to index
          %get3A_252 = arith.constant 128 : index
          %get3A_253 = tpu.vector_load %arg9[%get3A_250, %get3A_251, %get3A_252] {strides = array<i32>} : memref<4x40x256xf32, #tpu.memory_space<vmem>>, vector<16xf32>,
          %swap3A_254 = arith.constant 1 : i32
          %swap3A_255 = arith.index_cast %swap3A_254 : i32 to index
          %swap3A_256 = arith.index_cast %scan3A_169 : i32 to index
          %swap3A_257 = arith.constant 128 : index
          %swap3A_258 = tpu.vector_load %arg10[%swap3A_255, %swap3A_256, %swap3A_257] {strides = array<i32>} : memref<4x40x256xf32, #tpu.memory_space<vmem>>, vector<16xf32>,
          tpu.vector_store %arg10[%swap3A_255, %swap3A_256, %swap3A_257], %get3A_253 {add = true, strides = array<i32>} : memref<4x40x256xf32, #tpu.memory_space<vmem>>, vector<16xf32>,
          %get3A_259 = arith.constant 1 : i32
          %get3A_260 = arith.index_cast %get3A_259 : i32 to index
          %get3A_261 = arith.index_cast %scan3A_169 : i32 to index
          %get3A_262 = arith.constant 144 : index
          %get3A_263 = tpu.vector_load %arg9[%get3A_260, %get3A_261, %get3A_262] {strides = array<i32>} : memref<4x40x256xf32, #tpu.memory_space<vmem>>, vector<16xf32>,
          %swap3A_264 = arith.constant 1 : i32
          %swap3A_265 = arith.index_cast %swap3A_264 : i32 to index
          %swap3A_266 = arith.index_cast %scan3A_169 : i32 to index
          %swap3A_267 = arith.constant 144 : index
          %swap3A_268 = tpu.vector_load %arg10[%swap3A_265, %swap3A_266, %swap3A_267] {strides = array<i32>} : memref<4x40x256xf32, #tpu.memory_space<vmem>>, vector<16xf32>,
          tpu.vector_store %arg10[%swap3A_265, %swap3A_266, %swap3A_267], %get3A_263 {add = true, strides = array<i32>} : memref<4x40x256xf32, #tpu.memory_space<vmem>>, vector<16xf32>,
          %get3A_269 = arith.constant 1 : i32
          %get3A_270 = arith.index_cast %get3A_269 : i32 to index
          %get3A_271 = arith.index_cast %scan3A_169 : i32 to index
          %get3A_272 = arith.constant 160 : index
          %get3A_273 = tpu.vector_load %arg9[%get3A_270, %get3A_271, %get3A_272] {strides = array<i32>} : memref<4x40x256xf32, #tpu.memory_space<vmem>>, vector<16xf32>,
          %swap3A_274 = arith.constant 1 : i32
          %swap3A_275 = arith.index_cast %swap3A_274 : i32 to index
          %swap3A_276 = arith.index_cast %scan3A_169 : i32 to index
          %swap3A_277 = arith.constant 160 : index
          %swap3A_278 = tpu.vector_load %arg10[%swap3A_275, %swap3A_276, %swap3A_277] {strides = array<i32>} : memref<4x40x256xf32, #tpu.memory_space<vmem>>, vector<16xf32>,
          tpu.vector_store %arg10[%swap3A_275, %swap3A_276, %swap3A_277], %get3A_273 {add = true, strides = array<i32>} : memref<4x40x256xf32, #tpu.memory_space<vmem>>, vector<16xf32>,
          %get3A_279 = arith.constant 1 : i32
          %get3A_280 = arith.index_cast %get3A_279 : i32 to index
          %get3A_281 = arith.index_cast %scan3A_169 : i32 to index
          %get3A_282 = arith.constant 176 : index
          %get3A_283 = tpu.vector_load %arg9[%get3A_280, %get3A_281, %get3A_282] {strides = array<i32>} : memref<4x40x256xf32, #tpu.memory_space<vmem>>, vector<16xf32>,
          %swap3A_284 = arith.constant 1 : i32
          %swap3A_285 = arith.index_cast %swap3A_284 : i32 to index
          %swap3A_286 = arith.index_cast %scan3A_169 : i32 to index
          %swap3A_287 = arith.constant 176 : index
          %swap3A_288 = tpu.vector_load %arg10[%swap3A_285, %swap3A_286, %swap3A_287] {strides = array<i32>} : memref<4x40x256xf32, #tpu.memory_space<vmem>>, vector<16xf32>,
          tpu.vector_store %arg10[%swap3A_285, %swap3A_286, %swap3A_287], %get3A_283 {add = true, strides = array<i32>} : memref<4x40x256xf32, #tpu.memory_space<vmem>>, vector<16xf32>,
          %get3A_289 = arith.constant 1 : i32
          %get3A_290 = arith.index_cast %get3A_289 : i32 to index
          %get3A_291 = arith.index_cast %scan3A_169 : i32 to index
          %get3A_292 = arith.constant 192 : index
          %get3A_293 = tpu.vector_load %arg9[%get3A_290, %get3A_291, %get3A_292] {strides = array<i32>} : memref<4x40x256xf32, #tpu.memory_space<vmem>>, vector<16xf32>,
          %swap3A_294 = arith.constant 1 : i32
          %swap3A_295 = arith.index_cast %swap3A_294 : i32 to index
          %swap3A_296 = arith.index_cast %scan3A_169 : i32 to index
          %swap3A_297 = arith.constant 192 : index
          %swap3A_298 = tpu.vector_load %arg10[%swap3A_295, %swap3A_296, %swap3A_297] {strides = array<i32>} : memref<4x40x256xf32, #tpu.memory_space<vmem>>, vector<16xf32>,
          tpu.vector_store %arg10[%swap3A_295, %swap3A_296, %swap3A_297], %get3A_293 {add = true, strides = array<i32>} : memref<4x40x256xf32, #tpu.memory_space<vmem>>, vector<16xf32>,
          %get3A_299 = arith.constant 1 : i32
          %get3A_300 = arith.index_cast %get3A_299 : i32 to index
          %get3A_301 = arith.index_cast %scan3A_169 : i32 to index
          %get3A_302 = arith.constant 208 : index
          %get3A_303 = tpu.vector_load %arg9[%get3A_300, %get3A_301, %get3A_302] {strides = array<i32>} : memref<4x40x256xf32, #tpu.memory_space<vmem>>, vector<16xf32>,
          %swap3A_304 = arith.constant 1 : i32
          %swap3A_305 = arith.index_cast %swap3A_304 : i32 to index
          %swap3A_306 = arith.index_cast %scan3A_169 : i32 to index
          %swap3A_307 = arith.constant 208 : index
          %swap3A_308 = tpu.vector_load %arg10[%swap3A_305, %swap3A_306, %swap3A_307] {strides = array<i32>} : memref<4x40x256xf32, #tpu.memory_space<vmem>>, vector<16xf32>,
          tpu.vector_store %arg10[%swap3A_305, %swap3A_306, %swap3A_307], %get3A_303 {add = true, strides = array<i32>} : memref<4x40x256xf32, #tpu.memory_space<vmem>>, vector<16xf32>,
          %get3A_309 = arith.constant 1 : i32
          %get3A_310 = arith.index_cast %get3A_309 : i32 to index
          %get3A_311 = arith.index_cast %scan3A_169 : i32 to index
          %get3A_312 = arith.constant 224 : index
          %get3A_313 = tpu.vector_load %arg9[%get3A_310, %get3A_311, %get3A_312] {strides = array<i32>} : memref<4x40x256xf32, #tpu.memory_space<vmem>>, vector<16xf32>,
          %swap3A_314 = arith.constant 1 : i32
          %swap3A_315 = arith.index_cast %swap3A_314 : i32 to index
          %swap3A_316 = arith.index_cast %scan3A_169 : i32 to index
          %swap3A_317 = arith.constant 224 : index
          %swap3A_318 = tpu.vector_load %arg10[%swap3A_315, %swap3A_316, %swap3A_317] {strides = array<i32>} : memref<4x40x256xf32, #tpu.memory_space<vmem>>, vector<16xf32>,
          tpu.vector_store %arg10[%swap3A_315, %swap3A_316, %swap3A_317], %get3A_313 {add = true, strides = array<i32>} : memref<4x40x256xf32, #tpu.memory_space<vmem>>, vector<16xf32>,
          %get3A_319 = arith.constant 1 : i32
          %get3A_320 = arith.index_cast %get3A_319 : i32 to index
          %get3A_321 = arith.index_cast %scan3A_169 : i32 to index
          %get3A_322 = arith.constant 240 : index
          %get3A_323 = tpu.vector_load %arg9[%get3A_320, %get3A_321, %get3A_322] {strides = array<i32>} : memref<4x40x256xf32, #tpu.memory_space<vmem>>, vector<16xf32>,
          %swap3A_324 = arith.constant 1 : i32
          %swap3A_325 = arith.index_cast %swap3A_324 : i32 to index
          %swap3A_326 = arith.index_cast %scan3A_169 : i32 to index
          %swap3A_327 = arith.constant 240 : index
          %swap3A_328 = tpu.vector_load %arg10[%swap3A_325, %swap3A_326, %swap3A_327] {strides = array<i32>} : memref<4x40x256xf32, #tpu.memory_space<vmem>>, vector<16xf32>,
          tpu.vector_store %arg10[%swap3A_325, %swap3A_326, %swap3A_327], %get3A_323 {add = true, strides = array<i32>} : memref<4x40x256xf32, #tpu.memory_space<vmem>>, vector<16xf32>,
          %scan3A_329 = arith.constant 0 : i32
          scf.yield %scan3A_329 : i32
        }
        %scan3A_152 = arith.constant 40 : i32
        %mul3A_153 = arith.constant 40 : i32
        %mul3A_154 = arith.muli %add3A_88, %mul3A_153 : i32
        %add3A_155 = arith.addi %mul3A_2, %mul3A_154 : i32
        %dma_start3A_156 = arith.constant 1 : i32
        %dma_start3A_157 = arith.constant 0 : i32
        %dma_start3A_158 = arith.constant 0 : i32
        %dma_start3A_159 = tpu.memref_slice %arg10[%dma_start3A_156, %dma_start3A_157, %dma_start3A_158] : memref<4x40x256xf32, #tpu.memory_space<vmem>> -> memref<1x40x256xf32, #tpu.memory_space<vmem>>
        %dma_start3A_160 = tpu.memref_squeeze %dma_start3A_159 : memref<1x40x256xf32, #tpu.memory_space<vmem>> -> memref<40x256xf32, #tpu.memory_space<vmem>>
        %dma_start3A_161 = arith.constant 0 : i32
        %dma_start3A_162 = tpu.memref_slice %arg6[%add3A_155, %dma_start3A_161] : memref<160000x256xf32, #tpu.memory_space<hbm>> -> memref<40x256xf32, #tpu.memory_space<hbm>>
        %dma_start3A_163 = arith.constant 0 : i32
        %dma_start3A_164 = tpu.memref_slice %arg6[%add3A_155, %dma_start3A_163] : memref<160000x256xf32, #tpu.memory_space<hbm>> -> memref<40x256xf32, #tpu.memory_space<hbm>>
        %dma_start3A_165 = arith.constant 0 : i32
        %dma_start3A_166 = arith.constant 0 : i32
        %dma_start3A_167 = tpu.memref_slice %arg10[%dma_start3A_156, %dma_start3A_165, %dma_start3A_166] : memref<4x40x256xf32, #tpu.memory_space<vmem>> -> memref<1x40x256xf32, #tpu.memory_space<vmem>>
        %dma_start3A_168 = tpu.memref_squeeze %dma_start3A_167 : memref<1x40x256xf32, #tpu.memory_space<vmem>> -> memref<40x256xf32, #tpu.memory_space<vmem>>
        tpu.enqueue_dma source(%dma_start3A_168 : memref<40x256xf32, #tpu.memory_space<vmem>>) target(%dma_start3A_164 : memref<40x256xf32, #tpu.memory_space<hbm>>) target_semaphore(%arg20 : memref<!tpu.dma_semaphore, #tpu.memory_space<semaphore_mem>>)
      } else {
      }
      %mul3A_94 = arith.constant 4 : i32
      %mul3A_95 = arith.muli %mul3A_94, %scan3A_77 : i32
      %add3A_96 = arith.constant 2 : i32
      %add3A_97 = arith.addi %mul3A_95, %add3A_96 : i32
      %lt3A_98 = arith.constant 125 : i32
      %lt3A_99 = arith.cmpi slt, %add3A_97, %lt3A_98 : i32
      %convert_element_type3A_100 = arith.extui %lt3A_99 : i1 to i32
      %cond3A_101 = arith.constant 0 : i32
      %cond3A_102 = arith.cmpi ne, %convert_element_type3A_100, %cond3A_101 : i32
      scf.if %cond3A_102 {
        %ge3A = arith.constant 2 : i32
        %ge3A_113 = arith.cmpi sge, %add3A_97, %ge3A : i32
        %convert_element_type3A_114 = arith.extui %ge3A_113 : i1 to i32
        %cond3A_115 = arith.constant 0 : i32
        %cond3A_116 = arith.cmpi ne, %convert_element_type3A_114, %cond3A_115 : i32
        scf.if %cond3A_116 {
          %sub3A = arith.constant 2 : i32
          %sub3A_169 = arith.subi %add3A_97, %sub3A : i32
          %mul3A_170 = arith.constant 40 : i32
          %mul3A_171 = arith.muli %sub3A_169, %mul3A_170 : i32
          %add3A_172 = arith.addi %mul3A_2, %mul3A_171 : i32
          %dma_wait3A_173 = arith.constant 0 : i32
          %dma_wait3A_174 = arith.constant 0 : i32
          %dma_wait3A_175 = arith.constant 0 : i32
          %dma_wait3A_176 = tpu.memref_slice %arg10[%dma_wait3A_173, %dma_wait3A_174, %dma_wait3A_175] : memref<4x40x256xf32, #tpu.memory_space<vmem>> -> memref<1x40x256xf32, #tpu.memory_space<vmem>>
          %dma_wait3A_177 = tpu.memref_squeeze %dma_wait3A_176 : memref<1x40x256xf32, #tpu.memory_space<vmem>> -> memref<40x256xf32, #tpu.memory_space<vmem>>
          %dma_wait3A_178 = arith.constant 0 : i32
          %dma_wait3A_179 = tpu.memref_slice %arg6[%add3A_172, %dma_wait3A_178] : memref<160000x256xf32, #tpu.memory_space<hbm>> -> memref<40x256xf32, #tpu.memory_space<hbm>>
          %dma_wait3A_180 = arith.constant 0 : i32
          %dma_wait3A_181 = tpu.memref_slice %arg6[%add3A_172, %dma_wait3A_180] : memref<160000x256xf32, #tpu.memory_space<hbm>> -> memref<40x256xf32, #tpu.memory_space<hbm>>
          %dma_wait3A_182 = arith.constant 0 : i32
          %dma_wait3A_183 = arith.constant 0 : i32
          %dma_wait3A_184 = tpu.memref_slice %arg10[%dma_wait3A_173, %dma_wait3A_182, %dma_wait3A_183] : memref<4x40x256xf32, #tpu.memory_space<vmem>> -> memref<1x40x256xf32, #tpu.memory_space<vmem>>
          %dma_wait3A_185 = tpu.memref_squeeze %dma_wait3A_184 : memref<1x40x256xf32, #tpu.memory_space<vmem>> -> memref<40x256xf32, #tpu.memory_space<vmem>>
          tpu.wait_dma2 semaphore(%arg19 : memref<!tpu.dma_semaphore, #tpu.memory_space<semaphore_mem>>) src(%dma_wait3A_185 : memref<40x256xf32, #tpu.memory_space<vmem>>) dst(%dma_wait3A_181 : memref<40x256xf32, #tpu.memory_space<hbm>>)
        } else {
        }
        %add3A_117 = arith.constant 2 : i32
        %add3A_118 = arith.addi %add3A_97, %add3A_117 : i32
        %lt3A_119 = arith.constant 125 : i32
        %lt3A_120 = arith.cmpi slt, %add3A_118, %lt3A_119 : i32
        %convert_element_type3A_121 = arith.extui %lt3A_120 : i1 to i32
        %cond3A_122 = arith.constant 0 : i32
        %cond3A_123 = arith.cmpi ne, %convert_element_type3A_121, %cond3A_122 : i32
        scf.if %cond3A_123 {
          %add3A_169 = arith.constant 2 : i32
          %add3A_170 = arith.addi %add3A_97, %add3A_169 : i32
          %mul3A_171 = arith.constant 40 : i32
          %mul3A_172 = arith.muli %add3A_170, %mul3A_171 : i32
          %dma_start3A_173 = arith.constant 0 : i32
          %dma_start3A_174 = arith.constant 0 : i32
          %dma_start3A_175 = arith.constant 0 : i32
          %dma_start3A_176 = tpu.memref_slice %arg10[%dma_start3A_173, %dma_start3A_174, %dma_start3A_175] : memref<4x40x256xf32, #tpu.memory_space<vmem>> -> memref<1x40x256xf32, #tpu.memory_space<vmem>>
          %dma_start3A_177 = tpu.memref_squeeze %dma_start3A_176 : memref<1x40x256xf32, #tpu.memory_space<vmem>> -> memref<40x256xf32, #tpu.memory_space<vmem>>
          %dma_start3A_178 = tpu.memref_slice %arg7[%mul3A_172] : memref<5000xi32, #tpu.memory_space<vmem>> -> memref<40xi32, #tpu.memory_space<vmem>>
          %dma_start3A_179 = arith.constant 0 : i32
          %dma_start3A_180 = arith.constant 0 : i32
          %dma_start3A_181 = tpu.memref_slice %arg4[%dma_start3A_179, %dma_start3A_180] : memref<128x256xf32, #tpu.memory_space<hbm>> -> memref<128x256xf32, #tpu.memory_space<hbm>>
          tpu.enqueue_indirect_dma source(%dma_start3A_181 : memref<128x256xf32, #tpu.memory_space<hbm>>) target(%dma_start3A_177 : memref<40x256xf32, #tpu.memory_space<vmem>>) offsets(%dma_start3A_178 : memref<40xi32, #tpu.memory_space<vmem>>) semaphore(%arg11 : memref<!tpu.dma_semaphore, #tpu.memory_space<semaphore_mem>>)
          %mul3A_182 = arith.constant 40 : i32
          %mul3A_183 = arith.muli %add3A_170, %mul3A_182 : i32
          %dma_start3A_184 = arith.constant 0 : i32
          %dma_start3A_185 = arith.constant 0 : i32
          %dma_start3A_186 = arith.constant 0 : i32
          %dma_start3A_187 = tpu.memref_slice %arg9[%dma_start3A_184, %dma_start3A_185, %dma_start3A_186] : memref<4x40x256xf32, #tpu.memory_space<vmem>> -> memref<1x40x256xf32, #tpu.memory_space<vmem>>
          %dma_start3A_188 = tpu.memref_squeeze %dma_start3A_187 : memref<1x40x256xf32, #tpu.memory_space<vmem>> -> memref<40x256xf32, #tpu.memory_space<vmem>>
          %dma_start3A_189 = tpu.memref_slice %arg8[%mul3A_183] : memref<5000xi32, #tpu.memory_space<vmem>> -> memref<40xi32, #tpu.memory_space<vmem>>
          %dma_start3A_190 = arith.constant 0 : i32
          %dma_start3A_191 = arith.constant 0 : i32
          %dma_start3A_192 = tpu.memref_slice %arg5[%dma_start3A_190, %dma_start3A_191] : memref<10000x256xf32, #tpu.memory_space<hbm>> -> memref<10000x256xf32, #tpu.memory_space<hbm>>
          tpu.enqueue_indirect_dma source(%dma_start3A_192 : memref<10000x256xf32, #tpu.memory_space<hbm>>) target(%dma_start3A_188 : memref<40x256xf32, #tpu.memory_space<vmem>>) offsets(%dma_start3A_189 : memref<40xi32, #tpu.memory_space<vmem>>) semaphore(%arg15 : memref<!tpu.dma_semaphore, #tpu.memory_space<semaphore_mem>>)
        } else {
        }
        %mul3A_124 = arith.constant 40 : i32
        %mul3A_125 = arith.muli %add3A_97, %mul3A_124 : i32
        %dma_wait3A_126 = arith.constant 2 : i32
        %dma_wait3A_127 = arith.constant 0 : i32
        %dma_wait3A_128 = arith.constant 0 : i32
        %dma_wait3A_129 = tpu.memref_slice %arg10[%dma_wait3A_126, %dma_wait3A_127, %dma_wait3A_128] : memref<4x40x256xf32, #tpu.memory_space<vmem>> -> memref<1x40x256xf32, #tpu.memory_space<vmem>>
        %dma_wait3A_130 = tpu.memref_squeeze %dma_wait3A_129 : memref<1x40x256xf32, #tpu.memory_space<vmem>> -> memref<40x256xf32, #tpu.memory_space<vmem>>
        %dma_wait3A_131 = tpu.memref_slice %arg7[%mul3A_125] : memref<5000xi32, #tpu.memory_space<vmem>> -> memref<40xi32, #tpu.memory_space<vmem>>
        %dma_wait3A_132 = arith.constant 0 : i32
        %dma_wait3A_133 = arith.constant 0 : i32
        %dma_wait3A_134 = tpu.memref_slice %arg4[%dma_wait3A_132, %dma_wait3A_133] : memref<128x256xf32, #tpu.memory_space<hbm>> -> memref<128x256xf32, #tpu.memory_space<hbm>>
        tpu.wait_indirect_dma semaphore(%arg13 : memref<!tpu.dma_semaphore, #tpu.memory_space<semaphore_mem>>) src(%dma_wait3A_134 : memref<128x256xf32, #tpu.memory_space<hbm>>) dst(%dma_wait3A_130 : memref<40x256xf32, #tpu.memory_space<vmem>>)
        %mul3A_135 = arith.constant 40 : i32
        %mul3A_136 = arith.muli %add3A_97, %mul3A_135 : i32
        %dma_wait3A_137 = arith.constant 2 : i32
        %dma_wait3A_138 = arith.constant 0 : i32
        %dma_wait3A_139 = arith.constant 0 : i32
        %dma_wait3A_140 = tpu.memref_slice %arg9[%dma_wait3A_137, %dma_wait3A_138, %dma_wait3A_139] : memref<4x40x256xf32, #tpu.memory_space<vmem>> -> memref<1x40x256xf32, #tpu.memory_space<vmem>>
        %dma_wait3A_141 = tpu.memref_squeeze %dma_wait3A_140 : memref<1x40x256xf32, #tpu.memory_space<vmem>> -> memref<40x256xf32, #tpu.memory_space<vmem>>
        %dma_wait3A_142 = tpu.memref_slice %arg8[%mul3A_136] : memref<5000xi32, #tpu.memory_space<vmem>> -> memref<40xi32, #tpu.memory_space<vmem>>
        %dma_wait3A_143 = arith.constant 0 : i32
        %dma_wait3A_144 = arith.constant 0 : i32
        %dma_wait3A_145 = tpu.memref_slice %arg5[%dma_wait3A_143, %dma_wait3A_144] : memref<10000x256xf32, #tpu.memory_space<hbm>> -> memref<10000x256xf32, #tpu.memory_space<hbm>>
        tpu.wait_indirect_dma semaphore(%arg17 : memref<!tpu.dma_semaphore, #tpu.memory_space<semaphore_mem>>) src(%dma_wait3A_145 : memref<10000x256xf32, #tpu.memory_space<hbm>>) dst(%dma_wait3A_141 : memref<40x256xf32, #tpu.memory_space<vmem>>)
        %scan3A_146 = arith.constant 0 : i32
        %scan3A_147 = arith.constant 0 : i32
        %scan3A_148 = arith.constant 40 : i32
        %scan3A_149 = arith.addi %scan3A_147, %scan3A_148 : i32
        %scan3A_150 = arith.constant 1 : i32
        %scan3A_151 = scf.for %scan3A_169 = %scan3A_147 to %scan3A_149 step %scan3A_150 iter_args(%scan3A_170 = %scan3A_146) -> (i32)  : i32 {
          %get3A = arith.constant 2 : i32
          %get3A_171 = arith.index_cast %get3A : i32 to index
          %get3A_172 = arith.index_cast %scan3A_169 : i32 to index
          %get3A_173 = arith.constant 0 : index
          %get3A_174 = tpu.vector_load %arg9[%get3A_171, %get3A_172, %get3A_173] {strides = array<i32>} : memref<4x40x256xf32, #tpu.memory_space<vmem>>, vector<16xf32>,
          %swap3A = arith.constant 2 : i32
          %swap3A_175 = arith.index_cast %swap3A : i32 to index
          %swap3A_176 = arith.index_cast %scan3A_169 : i32 to index
          %swap3A_177 = arith.constant 0 : index
          %swap3A_178 = tpu.vector_load %arg10[%swap3A_175, %swap3A_176, %swap3A_177] {strides = array<i32>} : memref<4x40x256xf32, #tpu.memory_space<vmem>>, vector<16xf32>,
          tpu.vector_store %arg10[%swap3A_175, %swap3A_176, %swap3A_177], %get3A_174 {add = true, strides = array<i32>} : memref<4x40x256xf32, #tpu.memory_space<vmem>>, vector<16xf32>,
          %get3A_179 = arith.constant 2 : i32
          %get3A_180 = arith.index_cast %get3A_179 : i32 to index
          %get3A_181 = arith.index_cast %scan3A_169 : i32 to index
          %get3A_182 = arith.constant 16 : index
          %get3A_183 = tpu.vector_load %arg9[%get3A_180, %get3A_181, %get3A_182] {strides = array<i32>} : memref<4x40x256xf32, #tpu.memory_space<vmem>>, vector<16xf32>,
          %swap3A_184 = arith.constant 2 : i32
          %swap3A_185 = arith.index_cast %swap3A_184 : i32 to index
          %swap3A_186 = arith.index_cast %scan3A_169 : i32 to index
          %swap3A_187 = arith.constant 16 : index
          %swap3A_188 = tpu.vector_load %arg10[%swap3A_185, %swap3A_186, %swap3A_187] {strides = array<i32>} : memref<4x40x256xf32, #tpu.memory_space<vmem>>, vector<16xf32>,
          tpu.vector_store %arg10[%swap3A_185, %swap3A_186, %swap3A_187], %get3A_183 {add = true, strides = array<i32>} : memref<4x40x256xf32, #tpu.memory_space<vmem>>, vector<16xf32>,
          %get3A_189 = arith.constant 2 : i32
          %get3A_190 = arith.index_cast %get3A_189 : i32 to index
          %get3A_191 = arith.index_cast %scan3A_169 : i32 to index
          %get3A_192 = arith.constant 32 : index
          %get3A_193 = tpu.vector_load %arg9[%get3A_190, %get3A_191, %get3A_192] {strides = array<i32>} : memref<4x40x256xf32, #tpu.memory_space<vmem>>, vector<16xf32>,
          %swap3A_194 = arith.constant 2 : i32
          %swap3A_195 = arith.index_cast %swap3A_194 : i32 to index
          %swap3A_196 = arith.index_cast %scan3A_169 : i32 to index
          %swap3A_197 = arith.constant 32 : index
          %swap3A_198 = tpu.vector_load %arg10[%swap3A_195, %swap3A_196, %swap3A_197] {strides = array<i32>} : memref<4x40x256xf32, #tpu.memory_space<vmem>>, vector<16xf32>,
          tpu.vector_store %arg10[%swap3A_195, %swap3A_196, %swap3A_197], %get3A_193 {add = true, strides = array<i32>} : memref<4x40x256xf32, #tpu.memory_space<vmem>>, vector<16xf32>,
          %get3A_199 = arith.constant 2 : i32
          %get3A_200 = arith.index_cast %get3A_199 : i32 to index
          %get3A_201 = arith.index_cast %scan3A_169 : i32 to index
          %get3A_202 = arith.constant 48 : index
          %get3A_203 = tpu.vector_load %arg9[%get3A_200, %get3A_201, %get3A_202] {strides = array<i32>} : memref<4x40x256xf32, #tpu.memory_space<vmem>>, vector<16xf32>,
          %swap3A_204 = arith.constant 2 : i32
          %swap3A_205 = arith.index_cast %swap3A_204 : i32 to index
          %swap3A_206 = arith.index_cast %scan3A_169 : i32 to index
          %swap3A_207 = arith.constant 48 : index
          %swap3A_208 = tpu.vector_load %arg10[%swap3A_205, %swap3A_206, %swap3A_207] {strides = array<i32>} : memref<4x40x256xf32, #tpu.memory_space<vmem>>, vector<16xf32>,
          tpu.vector_store %arg10[%swap3A_205, %swap3A_206, %swap3A_207], %get3A_203 {add = true, strides = array<i32>} : memref<4x40x256xf32, #tpu.memory_space<vmem>>, vector<16xf32>,
          %get3A_209 = arith.constant 2 : i32
          %get3A_210 = arith.index_cast %get3A_209 : i32 to index
          %get3A_211 = arith.index_cast %scan3A_169 : i32 to index
          %get3A_212 = arith.constant 64 : index
          %get3A_213 = tpu.vector_load %arg9[%get3A_210, %get3A_211, %get3A_212] {strides = array<i32>} : memref<4x40x256xf32, #tpu.memory_space<vmem>>, vector<16xf32>,
          %swap3A_214 = arith.constant 2 : i32
          %swap3A_215 = arith.index_cast %swap3A_214 : i32 to index
          %swap3A_216 = arith.index_cast %scan3A_169 : i32 to index
          %swap3A_217 = arith.constant 64 : index
          %swap3A_218 = tpu.vector_load %arg10[%swap3A_215, %swap3A_216, %swap3A_217] {strides = array<i32>} : memref<4x40x256xf32, #tpu.memory_space<vmem>>, vector<16xf32>,
          tpu.vector_store %arg10[%swap3A_215, %swap3A_216, %swap3A_217], %get3A_213 {add = true, strides = array<i32>} : memref<4x40x256xf32, #tpu.memory_space<vmem>>, vector<16xf32>,
          %get3A_219 = arith.constant 2 : i32
          %get3A_220 = arith.index_cast %get3A_219 : i32 to index
          %get3A_221 = arith.index_cast %scan3A_169 : i32 to index
          %get3A_222 = arith.constant 80 : index
          %get3A_223 = tpu.vector_load %arg9[%get3A_220, %get3A_221, %get3A_222] {strides = array<i32>} : memref<4x40x256xf32, #tpu.memory_space<vmem>>, vector<16xf32>,
          %swap3A_224 = arith.constant 2 : i32
          %swap3A_225 = arith.index_cast %swap3A_224 : i32 to index
          %swap3A_226 = arith.index_cast %scan3A_169 : i32 to index
          %swap3A_227 = arith.constant 80 : index
          %swap3A_228 = tpu.vector_load %arg10[%swap3A_225, %swap3A_226, %swap3A_227] {strides = array<i32>} : memref<4x40x256xf32, #tpu.memory_space<vmem>>, vector<16xf32>,
          tpu.vector_store %arg10[%swap3A_225, %swap3A_226, %swap3A_227], %get3A_223 {add = true, strides = array<i32>} : memref<4x40x256xf32, #tpu.memory_space<vmem>>, vector<16xf32>,
          %get3A_229 = arith.constant 2 : i32
          %get3A_230 = arith.index_cast %get3A_229 : i32 to index
          %get3A_231 = arith.index_cast %scan3A_169 : i32 to index
          %get3A_232 = arith.constant 96 : index
          %get3A_233 = tpu.vector_load %arg9[%get3A_230, %get3A_231, %get3A_232] {strides = array<i32>} : memref<4x40x256xf32, #tpu.memory_space<vmem>>, vector<16xf32>,
          %swap3A_234 = arith.constant 2 : i32
          %swap3A_235 = arith.index_cast %swap3A_234 : i32 to index
          %swap3A_236 = arith.index_cast %scan3A_169 : i32 to index
          %swap3A_237 = arith.constant 96 : index
          %swap3A_238 = tpu.vector_load %arg10[%swap3A_235, %swap3A_236, %swap3A_237] {strides = array<i32>} : memref<4x40x256xf32, #tpu.memory_space<vmem>>, vector<16xf32>,
          tpu.vector_store %arg10[%swap3A_235, %swap3A_236, %swap3A_237], %get3A_233 {add = true, strides = array<i32>} : memref<4x40x256xf32, #tpu.memory_space<vmem>>, vector<16xf32>,
          %get3A_239 = arith.constant 2 : i32
          %get3A_240 = arith.index_cast %get3A_239 : i32 to index
          %get3A_241 = arith.index_cast %scan3A_169 : i32 to index
          %get3A_242 = arith.constant 112 : index
          %get3A_243 = tpu.vector_load %arg9[%get3A_240, %get3A_241, %get3A_242] {strides = array<i32>} : memref<4x40x256xf32, #tpu.memory_space<vmem>>, vector<16xf32>,
          %swap3A_244 = arith.constant 2 : i32
          %swap3A_245 = arith.index_cast %swap3A_244 : i32 to index
          %swap3A_246 = arith.index_cast %scan3A_169 : i32 to index
          %swap3A_247 = arith.constant 112 : index
          %swap3A_248 = tpu.vector_load %arg10[%swap3A_245, %swap3A_246, %swap3A_247] {strides = array<i32>} : memref<4x40x256xf32, #tpu.memory_space<vmem>>, vector<16xf32>,
          tpu.vector_store %arg10[%swap3A_245, %swap3A_246, %swap3A_247], %get3A_243 {add = true, strides = array<i32>} : memref<4x40x256xf32, #tpu.memory_space<vmem>>, vector<16xf32>,
          %get3A_249 = arith.constant 2 : i32
          %get3A_250 = arith.index_cast %get3A_249 : i32 to index
          %get3A_251 = arith.index_cast %scan3A_169 : i32 to index
          %get3A_252 = arith.constant 128 : index
          %get3A_253 = tpu.vector_load %arg9[%get3A_250, %get3A_251, %get3A_252] {strides = array<i32>} : memref<4x40x256xf32, #tpu.memory_space<vmem>>, vector<16xf32>,
          %swap3A_254 = arith.constant 2 : i32
          %swap3A_255 = arith.index_cast %swap3A_254 : i32 to index
          %swap3A_256 = arith.index_cast %scan3A_169 : i32 to index
          %swap3A_257 = arith.constant 128 : index
          %swap3A_258 = tpu.vector_load %arg10[%swap3A_255, %swap3A_256, %swap3A_257] {strides = array<i32>} : memref<4x40x256xf32, #tpu.memory_space<vmem>>, vector<16xf32>,
          tpu.vector_store %arg10[%swap3A_255, %swap3A_256, %swap3A_257], %get3A_253 {add = true, strides = array<i32>} : memref<4x40x256xf32, #tpu.memory_space<vmem>>, vector<16xf32>,
          %get3A_259 = arith.constant 2 : i32
          %get3A_260 = arith.index_cast %get3A_259 : i32 to index
          %get3A_261 = arith.index_cast %scan3A_169 : i32 to index
          %get3A_262 = arith.constant 144 : index
          %get3A_263 = tpu.vector_load %arg9[%get3A_260, %get3A_261, %get3A_262] {strides = array<i32>} : memref<4x40x256xf32, #tpu.memory_space<vmem>>, vector<16xf32>,
          %swap3A_264 = arith.constant 2 : i32
          %swap3A_265 = arith.index_cast %swap3A_264 : i32 to index
          %swap3A_266 = arith.index_cast %scan3A_169 : i32 to index
          %swap3A_267 = arith.constant 144 : index
          %swap3A_268 = tpu.vector_load %arg10[%swap3A_265, %swap3A_266, %swap3A_267] {strides = array<i32>} : memref<4x40x256xf32, #tpu.memory_space<vmem>>, vector<16xf32>,
          tpu.vector_store %arg10[%swap3A_265, %swap3A_266, %swap3A_267], %get3A_263 {add = true, strides = array<i32>} : memref<4x40x256xf32, #tpu.memory_space<vmem>>, vector<16xf32>,
          %get3A_269 = arith.constant 2 : i32
          %get3A_270 = arith.index_cast %get3A_269 : i32 to index
          %get3A_271 = arith.index_cast %scan3A_169 : i32 to index
          %get3A_272 = arith.constant 160 : index
          %get3A_273 = tpu.vector_load %arg9[%get3A_270, %get3A_271, %get3A_272] {strides = array<i32>} : memref<4x40x256xf32, #tpu.memory_space<vmem>>, vector<16xf32>,
          %swap3A_274 = arith.constant 2 : i32
          %swap3A_275 = arith.index_cast %swap3A_274 : i32 to index
          %swap3A_276 = arith.index_cast %scan3A_169 : i32 to index
          %swap3A_277 = arith.constant 160 : index
          %swap3A_278 = tpu.vector_load %arg10[%swap3A_275, %swap3A_276, %swap3A_277] {strides = array<i32>} : memref<4x40x256xf32, #tpu.memory_space<vmem>>, vector<16xf32>,
          tpu.vector_store %arg10[%swap3A_275, %swap3A_276, %swap3A_277], %get3A_273 {add = true, strides = array<i32>} : memref<4x40x256xf32, #tpu.memory_space<vmem>>, vector<16xf32>,
          %get3A_279 = arith.constant 2 : i32
          %get3A_280 = arith.index_cast %get3A_279 : i32 to index
          %get3A_281 = arith.index_cast %scan3A_169 : i32 to index
          %get3A_282 = arith.constant 176 : index
          %get3A_283 = tpu.vector_load %arg9[%get3A_280, %get3A_281, %get3A_282] {strides = array<i32>} : memref<4x40x256xf32, #tpu.memory_space<vmem>>, vector<16xf32>,
          %swap3A_284 = arith.constant 2 : i32
          %swap3A_285 = arith.index_cast %swap3A_284 : i32 to index
          %swap3A_286 = arith.index_cast %scan3A_169 : i32 to index
          %swap3A_287 = arith.constant 176 : index
          %swap3A_288 = tpu.vector_load %arg10[%swap3A_285, %swap3A_286, %swap3A_287] {strides = array<i32>} : memref<4x40x256xf32, #tpu.memory_space<vmem>>, vector<16xf32>,
          tpu.vector_store %arg10[%swap3A_285, %swap3A_286, %swap3A_287], %get3A_283 {add = true, strides = array<i32>} : memref<4x40x256xf32, #tpu.memory_space<vmem>>, vector<16xf32>,
          %get3A_289 = arith.constant 2 : i32
          %get3A_290 = arith.index_cast %get3A_289 : i32 to index
          %get3A_291 = arith.index_cast %scan3A_169 : i32 to index
          %get3A_292 = arith.constant 192 : index
          %get3A_293 = tpu.vector_load %arg9[%get3A_290, %get3A_291, %get3A_292] {strides = array<i32>} : memref<4x40x256xf32, #tpu.memory_space<vmem>>, vector<16xf32>,
          %swap3A_294 = arith.constant 2 : i32
          %swap3A_295 = arith.index_cast %swap3A_294 : i32 to index
          %swap3A_296 = arith.index_cast %scan3A_169 : i32 to index
          %swap3A_297 = arith.constant 192 : index
          %swap3A_298 = tpu.vector_load %arg10[%swap3A_295, %swap3A_296, %swap3A_297] {strides = array<i32>} : memref<4x40x256xf32, #tpu.memory_space<vmem>>, vector<16xf32>,
          tpu.vector_store %arg10[%swap3A_295, %swap3A_296, %swap3A_297], %get3A_293 {add = true, strides = array<i32>} : memref<4x40x256xf32, #tpu.memory_space<vmem>>, vector<16xf32>,
          %get3A_299 = arith.constant 2 : i32
          %get3A_300 = arith.index_cast %get3A_299 : i32 to index
          %get3A_301 = arith.index_cast %scan3A_169 : i32 to index
          %get3A_302 = arith.constant 208 : index
          %get3A_303 = tpu.vector_load %arg9[%get3A_300, %get3A_301, %get3A_302] {strides = array<i32>} : memref<4x40x256xf32, #tpu.memory_space<vmem>>, vector<16xf32>,
          %swap3A_304 = arith.constant 2 : i32
          %swap3A_305 = arith.index_cast %swap3A_304 : i32 to index
          %swap3A_306 = arith.index_cast %scan3A_169 : i32 to index
          %swap3A_307 = arith.constant 208 : index
          %swap3A_308 = tpu.vector_load %arg10[%swap3A_305, %swap3A_306, %swap3A_307] {strides = array<i32>} : memref<4x40x256xf32, #tpu.memory_space<vmem>>, vector<16xf32>,
          tpu.vector_store %arg10[%swap3A_305, %swap3A_306, %swap3A_307], %get3A_303 {add = true, strides = array<i32>} : memref<4x40x256xf32, #tpu.memory_space<vmem>>, vector<16xf32>,
          %get3A_309 = arith.constant 2 : i32
          %get3A_310 = arith.index_cast %get3A_309 : i32 to index
          %get3A_311 = arith.index_cast %scan3A_169 : i32 to index
          %get3A_312 = arith.constant 224 : index
          %get3A_313 = tpu.vector_load %arg9[%get3A_310, %get3A_311, %get3A_312] {strides = array<i32>} : memref<4x40x256xf32, #tpu.memory_space<vmem>>, vector<16xf32>,
          %swap3A_314 = arith.constant 2 : i32
          %swap3A_315 = arith.index_cast %swap3A_314 : i32 to index
          %swap3A_316 = arith.index_cast %scan3A_169 : i32 to index
          %swap3A_317 = arith.constant 224 : index
          %swap3A_318 = tpu.vector_load %arg10[%swap3A_315, %swap3A_316, %swap3A_317] {strides = array<i32>} : memref<4x40x256xf32, #tpu.memory_space<vmem>>, vector<16xf32>,
          tpu.vector_store %arg10[%swap3A_315, %swap3A_316, %swap3A_317], %get3A_313 {add = true, strides = array<i32>} : memref<4x40x256xf32, #tpu.memory_space<vmem>>, vector<16xf32>,
          %get3A_319 = arith.constant 2 : i32
          %get3A_320 = arith.index_cast %get3A_319 : i32 to index
          %get3A_321 = arith.index_cast %scan3A_169 : i32 to index
          %get3A_322 = arith.constant 240 : index
          %get3A_323 = tpu.vector_load %arg9[%get3A_320, %get3A_321, %get3A_322] {strides = array<i32>} : memref<4x40x256xf32, #tpu.memory_space<vmem>>, vector<16xf32>,
          %swap3A_324 = arith.constant 2 : i32
          %swap3A_325 = arith.index_cast %swap3A_324 : i32 to index
          %swap3A_326 = arith.index_cast %scan3A_169 : i32 to index
          %swap3A_327 = arith.constant 240 : index
          %swap3A_328 = tpu.vector_load %arg10[%swap3A_325, %swap3A_326, %swap3A_327] {strides = array<i32>} : memref<4x40x256xf32, #tpu.memory_space<vmem>>, vector<16xf32>,
          tpu.vector_store %arg10[%swap3A_325, %swap3A_326, %swap3A_327], %get3A_323 {add = true, strides = array<i32>} : memref<4x40x256xf32, #tpu.memory_space<vmem>>, vector<16xf32>,
          %scan3A_329 = arith.constant 0 : i32
          scf.yield %scan3A_329 : i32
        }
        %scan3A_152 = arith.constant 40 : i32
        %mul3A_153 = arith.constant 40 : i32
        %mul3A_154 = arith.muli %add3A_97, %mul3A_153 : i32
        %add3A_155 = arith.addi %mul3A_2, %mul3A_154 : i32
        %dma_start3A_156 = arith.constant 2 : i32
        %dma_start3A_157 = arith.constant 0 : i32
        %dma_start3A_158 = arith.constant 0 : i32
        %dma_start3A_159 = tpu.memref_slice %arg10[%dma_start3A_156, %dma_start3A_157, %dma_start3A_158] : memref<4x40x256xf32, #tpu.memory_space<vmem>> -> memref<1x40x256xf32, #tpu.memory_space<vmem>>
        %dma_start3A_160 = tpu.memref_squeeze %dma_start3A_159 : memref<1x40x256xf32, #tpu.memory_space<vmem>> -> memref<40x256xf32, #tpu.memory_space<vmem>>
        %dma_start3A_161 = arith.constant 0 : i32
        %dma_start3A_162 = tpu.memref_slice %arg6[%add3A_155, %dma_start3A_161] : memref<160000x256xf32, #tpu.memory_space<hbm>> -> memref<40x256xf32, #tpu.memory_space<hbm>>
        %dma_start3A_163 = arith.constant 0 : i32
        %dma_start3A_164 = tpu.memref_slice %arg6[%add3A_155, %dma_start3A_163] : memref<160000x256xf32, #tpu.memory_space<hbm>> -> memref<40x256xf32, #tpu.memory_space<hbm>>
        %dma_start3A_165 = arith.constant 0 : i32
        %dma_start3A_166 = arith.constant 0 : i32
        %dma_start3A_167 = tpu.memref_slice %arg10[%dma_start3A_156, %dma_start3A_165, %dma_start3A_166] : memref<4x40x256xf32, #tpu.memory_space<vmem>> -> memref<1x40x256xf32, #tpu.memory_space<vmem>>
        %dma_start3A_168 = tpu.memref_squeeze %dma_start3A_167 : memref<1x40x256xf32, #tpu.memory_space<vmem>> -> memref<40x256xf32, #tpu.memory_space<vmem>>
        tpu.enqueue_dma source(%dma_start3A_168 : memref<40x256xf32, #tpu.memory_space<vmem>>) target(%dma_start3A_164 : memref<40x256xf32, #tpu.memory_space<hbm>>) target_semaphore(%arg21 : memref<!tpu.dma_semaphore, #tpu.memory_space<semaphore_mem>>)
      } else {
      }
      %mul3A_103 = arith.constant 4 : i32
      %mul3A_104 = arith.muli %mul3A_103, %scan3A_77 : i32
      %add3A_105 = arith.constant 3 : i32
      %add3A_106 = arith.addi %mul3A_104, %add3A_105 : i32
      %lt3A_107 = arith.constant 125 : i32
      %lt3A_108 = arith.cmpi slt, %add3A_106, %lt3A_107 : i32
      %convert_element_type3A_109 = arith.extui %lt3A_108 : i1 to i32
      %cond3A_110 = arith.constant 0 : i32
      %cond3A_111 = arith.cmpi ne, %convert_element_type3A_109, %cond3A_110 : i32
      scf.if %cond3A_111 {
        %ge3A = arith.constant 2 : i32
        %ge3A_113 = arith.cmpi sge, %add3A_106, %ge3A : i32
        %convert_element_type3A_114 = arith.extui %ge3A_113 : i1 to i32
        %cond3A_115 = arith.constant 0 : i32
        %cond3A_116 = arith.cmpi ne, %convert_element_type3A_114, %cond3A_115 : i32
        scf.if %cond3A_116 {
          %sub3A = arith.constant 2 : i32
          %sub3A_169 = arith.subi %add3A_106, %sub3A : i32
          %mul3A_170 = arith.constant 40 : i32
          %mul3A_171 = arith.muli %sub3A_169, %mul3A_170 : i32
          %add3A_172 = arith.addi %mul3A_2, %mul3A_171 : i32
          %dma_wait3A_173 = arith.constant 1 : i32
          %dma_wait3A_174 = arith.constant 0 : i32
          %dma_wait3A_175 = arith.constant 0 : i32
          %dma_wait3A_176 = tpu.memref_slice %arg10[%dma_wait3A_173, %dma_wait3A_174, %dma_wait3A_175] : memref<4x40x256xf32, #tpu.memory_space<vmem>> -> memref<1x40x256xf32, #tpu.memory_space<vmem>>
          %dma_wait3A_177 = tpu.memref_squeeze %dma_wait3A_176 : memref<1x40x256xf32, #tpu.memory_space<vmem>> -> memref<40x256xf32, #tpu.memory_space<vmem>>
          %dma_wait3A_178 = arith.constant 0 : i32
          %dma_wait3A_179 = tpu.memref_slice %arg6[%add3A_172, %dma_wait3A_178] : memref<160000x256xf32, #tpu.memory_space<hbm>> -> memref<40x256xf32, #tpu.memory_space<hbm>>
          %dma_wait3A_180 = arith.constant 0 : i32
          %dma_wait3A_181 = tpu.memref_slice %arg6[%add3A_172, %dma_wait3A_180] : memref<160000x256xf32, #tpu.memory_space<hbm>> -> memref<40x256xf32, #tpu.memory_space<hbm>>
          %dma_wait3A_182 = arith.constant 0 : i32
          %dma_wait3A_183 = arith.constant 0 : i32
          %dma_wait3A_184 = tpu.memref_slice %arg10[%dma_wait3A_173, %dma_wait3A_182, %dma_wait3A_183] : memref<4x40x256xf32, #tpu.memory_space<vmem>> -> memref<1x40x256xf32, #tpu.memory_space<vmem>>
          %dma_wait3A_185 = tpu.memref_squeeze %dma_wait3A_184 : memref<1x40x256xf32, #tpu.memory_space<vmem>> -> memref<40x256xf32, #tpu.memory_space<vmem>>
          tpu.wait_dma2 semaphore(%arg20 : memref<!tpu.dma_semaphore, #tpu.memory_space<semaphore_mem>>) src(%dma_wait3A_185 : memref<40x256xf32, #tpu.memory_space<vmem>>) dst(%dma_wait3A_181 : memref<40x256xf32, #tpu.memory_space<hbm>>)
        } else {
        }
        %add3A_117 = arith.constant 2 : i32
        %add3A_118 = arith.addi %add3A_106, %add3A_117 : i32
        %lt3A_119 = arith.constant 125 : i32
        %lt3A_120 = arith.cmpi slt, %add3A_118, %lt3A_119 : i32
        %convert_element_type3A_121 = arith.extui %lt3A_120 : i1 to i32
        %cond3A_122 = arith.constant 0 : i32
        %cond3A_123 = arith.cmpi ne, %convert_element_type3A_121, %cond3A_122 : i32
        scf.if %cond3A_123 {
          %add3A_169 = arith.constant 2 : i32
          %add3A_170 = arith.addi %add3A_106, %add3A_169 : i32
          %mul3A_171 = arith.constant 40 : i32
          %mul3A_172 = arith.muli %add3A_170, %mul3A_171 : i32
          %dma_start3A_173 = arith.constant 1 : i32
          %dma_start3A_174 = arith.constant 0 : i32
          %dma_start3A_175 = arith.constant 0 : i32
          %dma_start3A_176 = tpu.memref_slice %arg10[%dma_start3A_173, %dma_start3A_174, %dma_start3A_175] : memref<4x40x256xf32, #tpu.memory_space<vmem>> -> memref<1x40x256xf32, #tpu.memory_space<vmem>>
          %dma_start3A_177 = tpu.memref_squeeze %dma_start3A_176 : memref<1x40x256xf32, #tpu.memory_space<vmem>> -> memref<40x256xf32, #tpu.memory_space<vmem>>
          %dma_start3A_178 = tpu.memref_slice %arg7[%mul3A_172] : memref<5000xi32, #tpu.memory_space<vmem>> -> memref<40xi32, #tpu.memory_space<vmem>>
          %dma_start3A_179 = arith.constant 0 : i32
          %dma_start3A_180 = arith.constant 0 : i32
          %dma_start3A_181 = tpu.memref_slice %arg4[%dma_start3A_179, %dma_start3A_180] : memref<128x256xf32, #tpu.memory_space<hbm>> -> memref<128x256xf32, #tpu.memory_space<hbm>>
          tpu.enqueue_indirect_dma source(%dma_start3A_181 : memref<128x256xf32, #tpu.memory_space<hbm>>) target(%dma_start3A_177 : memref<40x256xf32, #tpu.memory_space<vmem>>) offsets(%dma_start3A_178 : memref<40xi32, #tpu.memory_space<vmem>>) semaphore(%arg12 : memref<!tpu.dma_semaphore, #tpu.memory_space<semaphore_mem>>)
          %mul3A_182 = arith.constant 40 : i32
          %mul3A_183 = arith.muli %add3A_170, %mul3A_182 : i32
          %dma_start3A_184 = arith.constant 1 : i32
          %dma_start3A_185 = arith.constant 0 : i32
          %dma_start3A_186 = arith.constant 0 : i32
          %dma_start3A_187 = tpu.memref_slice %arg9[%dma_start3A_184, %dma_start3A_185, %dma_start3A_186] : memref<4x40x256xf32, #tpu.memory_space<vmem>> -> memref<1x40x256xf32, #tpu.memory_space<vmem>>
          %dma_start3A_188 = tpu.memref_squeeze %dma_start3A_187 : memref<1x40x256xf32, #tpu.memory_space<vmem>> -> memref<40x256xf32, #tpu.memory_space<vmem>>
          %dma_start3A_189 = tpu.memref_slice %arg8[%mul3A_183] : memref<5000xi32, #tpu.memory_space<vmem>> -> memref<40xi32, #tpu.memory_space<vmem>>
          %dma_start3A_190 = arith.constant 0 : i32
          %dma_start3A_191 = arith.constant 0 : i32
          %dma_start3A_192 = tpu.memref_slice %arg5[%dma_start3A_190, %dma_start3A_191] : memref<10000x256xf32, #tpu.memory_space<hbm>> -> memref<10000x256xf32, #tpu.memory_space<hbm>>
          tpu.enqueue_indirect_dma source(%dma_start3A_192 : memref<10000x256xf32, #tpu.memory_space<hbm>>) target(%dma_start3A_188 : memref<40x256xf32, #tpu.memory_space<vmem>>) offsets(%dma_start3A_189 : memref<40xi32, #tpu.memory_space<vmem>>) semaphore(%arg16 : memref<!tpu.dma_semaphore, #tpu.memory_space<semaphore_mem>>)
        } else {
        }
        %mul3A_124 = arith.constant 40 : i32
        %mul3A_125 = arith.muli %add3A_106, %mul3A_124 : i32
        %dma_wait3A_126 = arith.constant 3 : i32
        %dma_wait3A_127 = arith.constant 0 : i32
        %dma_wait3A_128 = arith.constant 0 : i32
        %dma_wait3A_129 = tpu.memref_slice %arg10[%dma_wait3A_126, %dma_wait3A_127, %dma_wait3A_128] : memref<4x40x256xf32, #tpu.memory_space<vmem>> -> memref<1x40x256xf32, #tpu.memory_space<vmem>>
        %dma_wait3A_130 = tpu.memref_squeeze %dma_wait3A_129 : memref<1x40x256xf32, #tpu.memory_space<vmem>> -> memref<40x256xf32, #tpu.memory_space<vmem>>
        %dma_wait3A_131 = tpu.memref_slice %arg7[%mul3A_125] : memref<5000xi32, #tpu.memory_space<vmem>> -> memref<40xi32, #tpu.memory_space<vmem>>
        %dma_wait3A_132 = arith.constant 0 : i32
        %dma_wait3A_133 = arith.constant 0 : i32
        %dma_wait3A_134 = tpu.memref_slice %arg4[%dma_wait3A_132, %dma_wait3A_133] : memref<128x256xf32, #tpu.memory_space<hbm>> -> memref<128x256xf32, #tpu.memory_space<hbm>>
        tpu.wait_indirect_dma semaphore(%arg14 : memref<!tpu.dma_semaphore, #tpu.memory_space<semaphore_mem>>) src(%dma_wait3A_134 : memref<128x256xf32, #tpu.memory_space<hbm>>) dst(%dma_wait3A_130 : memref<40x256xf32, #tpu.memory_space<vmem>>)
        %mul3A_135 = arith.constant 40 : i32
        %mul3A_136 = arith.muli %add3A_106, %mul3A_135 : i32
        %dma_wait3A_137 = arith.constant 3 : i32
        %dma_wait3A_138 = arith.constant 0 : i32
        %dma_wait3A_139 = arith.constant 0 : i32
        %dma_wait3A_140 = tpu.memref_slice %arg9[%dma_wait3A_137, %dma_wait3A_138, %dma_wait3A_139] : memref<4x40x256xf32, #tpu.memory_space<vmem>> -> memref<1x40x256xf32, #tpu.memory_space<vmem>>
        %dma_wait3A_141 = tpu.memref_squeeze %dma_wait3A_140 : memref<1x40x256xf32, #tpu.memory_space<vmem>> -> memref<40x256xf32, #tpu.memory_space<vmem>>
        %dma_wait3A_142 = tpu.memref_slice %arg8[%mul3A_136] : memref<5000xi32, #tpu.memory_space<vmem>> -> memref<40xi32, #tpu.memory_space<vmem>>
        %dma_wait3A_143 = arith.constant 0 : i32
        %dma_wait3A_144 = arith.constant 0 : i32
        %dma_wait3A_145 = tpu.memref_slice %arg5[%dma_wait3A_143, %dma_wait3A_144] : memref<10000x256xf32, #tpu.memory_space<hbm>> -> memref<10000x256xf32, #tpu.memory_space<hbm>>
        tpu.wait_indirect_dma semaphore(%arg18 : memref<!tpu.dma_semaphore, #tpu.memory_space<semaphore_mem>>) src(%dma_wait3A_145 : memref<10000x256xf32, #tpu.memory_space<hbm>>) dst(%dma_wait3A_141 : memref<40x256xf32, #tpu.memory_space<vmem>>)
        %scan3A_146 = arith.constant 0 : i32
        %scan3A_147 = arith.constant 0 : i32
        %scan3A_148 = arith.constant 40 : i32
        %scan3A_149 = arith.addi %scan3A_147, %scan3A_148 : i32
        %scan3A_150 = arith.constant 1 : i32
        %scan3A_151 = scf.for %scan3A_169 = %scan3A_147 to %scan3A_149 step %scan3A_150 iter_args(%scan3A_170 = %scan3A_146) -> (i32)  : i32 {
          %get3A = arith.constant 3 : i32
          %get3A_171 = arith.index_cast %get3A : i32 to index
          %get3A_172 = arith.index_cast %scan3A_169 : i32 to index
          %get3A_173 = arith.constant 0 : index
          %get3A_174 = tpu.vector_load %arg9[%get3A_171, %get3A_172, %get3A_173] {strides = array<i32>} : memref<4x40x256xf32, #tpu.memory_space<vmem>>, vector<16xf32>,
          %swap3A = arith.constant 3 : i32
          %swap3A_175 = arith.index_cast %swap3A : i32 to index
          %swap3A_176 = arith.index_cast %scan3A_169 : i32 to index
          %swap3A_177 = arith.constant 0 : index
          %swap3A_178 = tpu.vector_load %arg10[%swap3A_175, %swap3A_176, %swap3A_177] {strides = array<i32>} : memref<4x40x256xf32, #tpu.memory_space<vmem>>, vector<16xf32>,
          tpu.vector_store %arg10[%swap3A_175, %swap3A_176, %swap3A_177], %get3A_174 {add = true, strides = array<i32>} : memref<4x40x256xf32, #tpu.memory_space<vmem>>, vector<16xf32>,
          %get3A_179 = arith.constant 3 : i32
          %get3A_180 = arith.index_cast %get3A_179 : i32 to index
          %get3A_181 = arith.index_cast %scan3A_169 : i32 to index
          %get3A_182 = arith.constant 16 : index
          %get3A_183 = tpu.vector_load %arg9[%get3A_180, %get3A_181, %get3A_182] {strides = array<i32>} : memref<4x40x256xf32, #tpu.memory_space<vmem>>, vector<16xf32>,
          %swap3A_184 = arith.constant 3 : i32
          %swap3A_185 = arith.index_cast %swap3A_184 : i32 to index
          %swap3A_186 = arith.index_cast %scan3A_169 : i32 to index
          %swap3A_187 = arith.constant 16 : index
          %swap3A_188 = tpu.vector_load %arg10[%swap3A_185, %swap3A_186, %swap3A_187] {strides = array<i32>} : memref<4x40x256xf32, #tpu.memory_space<vmem>>, vector<16xf32>,
          tpu.vector_store %arg10[%swap3A_185, %swap3A_186, %swap3A_187], %get3A_183 {add = true, strides = array<i32>} : memref<4x40x256xf32, #tpu.memory_space<vmem>>, vector<16xf32>,
          %get3A_189 = arith.constant 3 : i32
          %get3A_190 = arith.index_cast %get3A_189 : i32 to index
          %get3A_191 = arith.index_cast %scan3A_169 : i32 to index
          %get3A_192 = arith.constant 32 : index
          %get3A_193 = tpu.vector_load %arg9[%get3A_190, %get3A_191, %get3A_192] {strides = array<i32>} : memref<4x40x256xf32, #tpu.memory_space<vmem>>, vector<16xf32>,
          %swap3A_194 = arith.constant 3 : i32
          %swap3A_195 = arith.index_cast %swap3A_194 : i32 to index
          %swap3A_196 = arith.index_cast %scan3A_169 : i32 to index
          %swap3A_197 = arith.constant 32 : index
          %swap3A_198 = tpu.vector_load %arg10[%swap3A_195, %swap3A_196, %swap3A_197] {strides = array<i32>} : memref<4x40x256xf32, #tpu.memory_space<vmem>>, vector<16xf32>,
          tpu.vector_store %arg10[%swap3A_195, %swap3A_196, %swap3A_197], %get3A_193 {add = true, strides = array<i32>} : memref<4x40x256xf32, #tpu.memory_space<vmem>>, vector<16xf32>,
          %get3A_199 = arith.constant 3 : i32
          %get3A_200 = arith.index_cast %get3A_199 : i32 to index
          %get3A_201 = arith.index_cast %scan3A_169 : i32 to index
          %get3A_202 = arith.constant 48 : index
          %get3A_203 = tpu.vector_load %arg9[%get3A_200, %get3A_201, %get3A_202] {strides = array<i32>} : memref<4x40x256xf32, #tpu.memory_space<vmem>>, vector<16xf32>,
          %swap3A_204 = arith.constant 3 : i32
          %swap3A_205 = arith.index_cast %swap3A_204 : i32 to index
          %swap3A_206 = arith.index_cast %scan3A_169 : i32 to index
          %swap3A_207 = arith.constant 48 : index
          %swap3A_208 = tpu.vector_load %arg10[%swap3A_205, %swap3A_206, %swap3A_207] {strides = array<i32>} : memref<4x40x256xf32, #tpu.memory_space<vmem>>, vector<16xf32>,
          tpu.vector_store %arg10[%swap3A_205, %swap3A_206, %swap3A_207], %get3A_203 {add = true, strides = array<i32>} : memref<4x40x256xf32, #tpu.memory_space<vmem>>, vector<16xf32>,
          %get3A_209 = arith.constant 3 : i32
          %get3A_210 = arith.index_cast %get3A_209 : i32 to index
          %get3A_211 = arith.index_cast %scan3A_169 : i32 to index
          %get3A_212 = arith.constant 64 : index
          %get3A_213 = tpu.vector_load %arg9[%get3A_210, %get3A_211, %get3A_212] {strides = array<i32>} : memref<4x40x256xf32, #tpu.memory_space<vmem>>, vector<16xf32>,
          %swap3A_214 = arith.constant 3 : i32
          %swap3A_215 = arith.index_cast %swap3A_214 : i32 to index
          %swap3A_216 = arith.index_cast %scan3A_169 : i32 to index
          %swap3A_217 = arith.constant 64 : index
          %swap3A_218 = tpu.vector_load %arg10[%swap3A_215, %swap3A_216, %swap3A_217] {strides = array<i32>} : memref<4x40x256xf32, #tpu.memory_space<vmem>>, vector<16xf32>,
          tpu.vector_store %arg10[%swap3A_215, %swap3A_216, %swap3A_217], %get3A_213 {add = true, strides = array<i32>} : memref<4x40x256xf32, #tpu.memory_space<vmem>>, vector<16xf32>,
          %get3A_219 = arith.constant 3 : i32
          %get3A_220 = arith.index_cast %get3A_219 : i32 to index
          %get3A_221 = arith.index_cast %scan3A_169 : i32 to index
          %get3A_222 = arith.constant 80 : index
          %get3A_223 = tpu.vector_load %arg9[%get3A_220, %get3A_221, %get3A_222] {strides = array<i32>} : memref<4x40x256xf32, #tpu.memory_space<vmem>>, vector<16xf32>,
          %swap3A_224 = arith.constant 3 : i32
          %swap3A_225 = arith.index_cast %swap3A_224 : i32 to index
          %swap3A_226 = arith.index_cast %scan3A_169 : i32 to index
          %swap3A_227 = arith.constant 80 : index
          %swap3A_228 = tpu.vector_load %arg10[%swap3A_225, %swap3A_226, %swap3A_227] {strides = array<i32>} : memref<4x40x256xf32, #tpu.memory_space<vmem>>, vector<16xf32>,
          tpu.vector_store %arg10[%swap3A_225, %swap3A_226, %swap3A_227], %get3A_223 {add = true, strides = array<i32>} : memref<4x40x256xf32, #tpu.memory_space<vmem>>, vector<16xf32>,
          %get3A_229 = arith.constant 3 : i32
          %get3A_230 = arith.index_cast %get3A_229 : i32 to index
          %get3A_231 = arith.index_cast %scan3A_169 : i32 to index
          %get3A_232 = arith.constant 96 : index
          %get3A_233 = tpu.vector_load %arg9[%get3A_230, %get3A_231, %get3A_232] {strides = array<i32>} : memref<4x40x256xf32, #tpu.memory_space<vmem>>, vector<16xf32>,
          %swap3A_234 = arith.constant 3 : i32
          %swap3A_235 = arith.index_cast %swap3A_234 : i32 to index
          %swap3A_236 = arith.index_cast %scan3A_169 : i32 to index
          %swap3A_237 = arith.constant 96 : index
          %swap3A_238 = tpu.vector_load %arg10[%swap3A_235, %swap3A_236, %swap3A_237] {strides = array<i32>} : memref<4x40x256xf32, #tpu.memory_space<vmem>>, vector<16xf32>,
          tpu.vector_store %arg10[%swap3A_235, %swap3A_236, %swap3A_237], %get3A_233 {add = true, strides = array<i32>} : memref<4x40x256xf32, #tpu.memory_space<vmem>>, vector<16xf32>,
          %get3A_239 = arith.constant 3 : i32
          %get3A_240 = arith.index_cast %get3A_239 : i32 to index
          %get3A_241 = arith.index_cast %scan3A_169 : i32 to index
          %get3A_242 = arith.constant 112 : index
          %get3A_243 = tpu.vector_load %arg9[%get3A_240, %get3A_241, %get3A_242] {strides = array<i32>} : memref<4x40x256xf32, #tpu.memory_space<vmem>>, vector<16xf32>,
          %swap3A_244 = arith.constant 3 : i32
          %swap3A_245 = arith.index_cast %swap3A_244 : i32 to index
          %swap3A_246 = arith.index_cast %scan3A_169 : i32 to index
          %swap3A_247 = arith.constant 112 : index
          %swap3A_248 = tpu.vector_load %arg10[%swap3A_245, %swap3A_246, %swap3A_247] {strides = array<i32>} : memref<4x40x256xf32, #tpu.memory_space<vmem>>, vector<16xf32>,
          tpu.vector_store %arg10[%swap3A_245, %swap3A_246, %swap3A_247], %get3A_243 {add = true, strides = array<i32>} : memref<4x40x256xf32, #tpu.memory_space<vmem>>, vector<16xf32>,
          %get3A_249 = arith.constant 3 : i32
          %get3A_250 = arith.index_cast %get3A_249 : i32 to index
          %get3A_251 = arith.index_cast %scan3A_169 : i32 to index
          %get3A_252 = arith.constant 128 : index
          %get3A_253 = tpu.vector_load %arg9[%get3A_250, %get3A_251, %get3A_252] {strides = array<i32>} : memref<4x40x256xf32, #tpu.memory_space<vmem>>, vector<16xf32>,
          %swap3A_254 = arith.constant 3 : i32
          %swap3A_255 = arith.index_cast %swap3A_254 : i32 to index
          %swap3A_256 = arith.index_cast %scan3A_169 : i32 to index
          %swap3A_257 = arith.constant 128 : index
          %swap3A_258 = tpu.vector_load %arg10[%swap3A_255, %swap3A_256, %swap3A_257] {strides = array<i32>} : memref<4x40x256xf32, #tpu.memory_space<vmem>>, vector<16xf32>,
          tpu.vector_store %arg10[%swap3A_255, %swap3A_256, %swap3A_257], %get3A_253 {add = true, strides = array<i32>} : memref<4x40x256xf32, #tpu.memory_space<vmem>>, vector<16xf32>,
          %get3A_259 = arith.constant 3 : i32
          %get3A_260 = arith.index_cast %get3A_259 : i32 to index
          %get3A_261 = arith.index_cast %scan3A_169 : i32 to index
          %get3A_262 = arith.constant 144 : index
          %get3A_263 = tpu.vector_load %arg9[%get3A_260, %get3A_261, %get3A_262] {strides = array<i32>} : memref<4x40x256xf32, #tpu.memory_space<vmem>>, vector<16xf32>,
          %swap3A_264 = arith.constant 3 : i32
          %swap3A_265 = arith.index_cast %swap3A_264 : i32 to index
          %swap3A_266 = arith.index_cast %scan3A_169 : i32 to index
          %swap3A_267 = arith.constant 144 : index
          %swap3A_268 = tpu.vector_load %arg10[%swap3A_265, %swap3A_266, %swap3A_267] {strides = array<i32>} : memref<4x40x256xf32, #tpu.memory_space<vmem>>, vector<16xf32>,
          tpu.vector_store %arg10[%swap3A_265, %swap3A_266, %swap3A_267], %get3A_263 {add = true, strides = array<i32>} : memref<4x40x256xf32, #tpu.memory_space<vmem>>, vector<16xf32>,
          %get3A_269 = arith.constant 3 : i32
          %get3A_270 = arith.index_cast %get3A_269 : i32 to index
          %get3A_271 = arith.index_cast %scan3A_169 : i32 to index
          %get3A_272 = arith.constant 160 : index
          %get3A_273 = tpu.vector_load %arg9[%get3A_270, %get3A_271, %get3A_272] {strides = array<i32>} : memref<4x40x256xf32, #tpu.memory_space<vmem>>, vector<16xf32>,
          %swap3A_274 = arith.constant 3 : i32
          %swap3A_275 = arith.index_cast %swap3A_274 : i32 to index
          %swap3A_276 = arith.index_cast %scan3A_169 : i32 to index
          %swap3A_277 = arith.constant 160 : index
          %swap3A_278 = tpu.vector_load %arg10[%swap3A_275, %swap3A_276, %swap3A_277] {strides = array<i32>} : memref<4x40x256xf32, #tpu.memory_space<vmem>>, vector<16xf32>,
          tpu.vector_store %arg10[%swap3A_275, %swap3A_276, %swap3A_277], %get3A_273 {add = true, strides = array<i32>} : memref<4x40x256xf32, #tpu.memory_space<vmem>>, vector<16xf32>,
          %get3A_279 = arith.constant 3 : i32
          %get3A_280 = arith.index_cast %get3A_279 : i32 to index
          %get3A_281 = arith.index_cast %scan3A_169 : i32 to index
          %get3A_282 = arith.constant 176 : index
          %get3A_283 = tpu.vector_load %arg9[%get3A_280, %get3A_281, %get3A_282] {strides = array<i32>} : memref<4x40x256xf32, #tpu.memory_space<vmem>>, vector<16xf32>,
          %swap3A_284 = arith.constant 3 : i32
          %swap3A_285 = arith.index_cast %swap3A_284 : i32 to index
          %swap3A_286 = arith.index_cast %scan3A_169 : i32 to index
          %swap3A_287 = arith.constant 176 : index
          %swap3A_288 = tpu.vector_load %arg10[%swap3A_285, %swap3A_286, %swap3A_287] {strides = array<i32>} : memref<4x40x256xf32, #tpu.memory_space<vmem>>, vector<16xf32>,
          tpu.vector_store %arg10[%swap3A_285, %swap3A_286, %swap3A_287], %get3A_283 {add = true, strides = array<i32>} : memref<4x40x256xf32, #tpu.memory_space<vmem>>, vector<16xf32>,
          %get3A_289 = arith.constant 3 : i32
          %get3A_290 = arith.index_cast %get3A_289 : i32 to index
          %get3A_291 = arith.index_cast %scan3A_169 : i32 to index
          %get3A_292 = arith.constant 192 : index
          %get3A_293 = tpu.vector_load %arg9[%get3A_290, %get3A_291, %get3A_292] {strides = array<i32>} : memref<4x40x256xf32, #tpu.memory_space<vmem>>, vector<16xf32>,
          %swap3A_294 = arith.constant 3 : i32
          %swap3A_295 = arith.index_cast %swap3A_294 : i32 to index
          %swap3A_296 = arith.index_cast %scan3A_169 : i32 to index
          %swap3A_297 = arith.constant 192 : index
          %swap3A_298 = tpu.vector_load %arg10[%swap3A_295, %swap3A_296, %swap3A_297] {strides = array<i32>} : memref<4x40x256xf32, #tpu.memory_space<vmem>>, vector<16xf32>,
          tpu.vector_store %arg10[%swap3A_295, %swap3A_296, %swap3A_297], %get3A_293 {add = true, strides = array<i32>} : memref<4x40x256xf32, #tpu.memory_space<vmem>>, vector<16xf32>,
          %get3A_299 = arith.constant 3 : i32
          %get3A_300 = arith.index_cast %get3A_299 : i32 to index
          %get3A_301 = arith.index_cast %scan3A_169 : i32 to index
          %get3A_302 = arith.constant 208 : index
          %get3A_303 = tpu.vector_load %arg9[%get3A_300, %get3A_301, %get3A_302] {strides = array<i32>} : memref<4x40x256xf32, #tpu.memory_space<vmem>>, vector<16xf32>,
          %swap3A_304 = arith.constant 3 : i32
          %swap3A_305 = arith.index_cast %swap3A_304 : i32 to index
          %swap3A_306 = arith.index_cast %scan3A_169 : i32 to index
          %swap3A_307 = arith.constant 208 : index
          %swap3A_308 = tpu.vector_load %arg10[%swap3A_305, %swap3A_306, %swap3A_307] {strides = array<i32>} : memref<4x40x256xf32, #tpu.memory_space<vmem>>, vector<16xf32>,
          tpu.vector_store %arg10[%swap3A_305, %swap3A_306, %swap3A_307], %get3A_303 {add = true, strides = array<i32>} : memref<4x40x256xf32, #tpu.memory_space<vmem>>, vector<16xf32>,
          %get3A_309 = arith.constant 3 : i32
          %get3A_310 = arith.index_cast %get3A_309 : i32 to index
          %get3A_311 = arith.index_cast %scan3A_169 : i32 to index
          %get3A_312 = arith.constant 224 : index
          %get3A_313 = tpu.vector_load %arg9[%get3A_310, %get3A_311, %get3A_312] {strides = array<i32>} : memref<4x40x256xf32, #tpu.memory_space<vmem>>, vector<16xf32>,
          %swap3A_314 = arith.constant 3 : i32
          %swap3A_315 = arith.index_cast %swap3A_314 : i32 to index
          %swap3A_316 = arith.index_cast %scan3A_169 : i32 to index
          %swap3A_317 = arith.constant 224 : index
          %swap3A_318 = tpu.vector_load %arg10[%swap3A_315, %swap3A_316, %swap3A_317] {strides = array<i32>} : memref<4x40x256xf32, #tpu.memory_space<vmem>>, vector<16xf32>,
          tpu.vector_store %arg10[%swap3A_315, %swap3A_316, %swap3A_317], %get3A_313 {add = true, strides = array<i32>} : memref<4x40x256xf32, #tpu.memory_space<vmem>>, vector<16xf32>,
          %get3A_319 = arith.constant 3 : i32
          %get3A_320 = arith.index_cast %get3A_319 : i32 to index
          %get3A_321 = arith.index_cast %scan3A_169 : i32 to index
          %get3A_322 = arith.constant 240 : index
          %get3A_323 = tpu.vector_load %arg9[%get3A_320, %get3A_321, %get3A_322] {strides = array<i32>} : memref<4x40x256xf32, #tpu.memory_space<vmem>>, vector<16xf32>,
          %swap3A_324 = arith.constant 3 : i32
          %swap3A_325 = arith.index_cast %swap3A_324 : i32 to index
          %swap3A_326 = arith.index_cast %scan3A_169 : i32 to index
          %swap3A_327 = arith.constant 240 : index
          %swap3A_328 = tpu.vector_load %arg10[%swap3A_325, %swap3A_326, %swap3A_327] {strides = array<i32>} : memref<4x40x256xf32, #tpu.memory_space<vmem>>, vector<16xf32>,
          tpu.vector_store %arg10[%swap3A_325, %swap3A_326, %swap3A_327], %get3A_323 {add = true, strides = array<i32>} : memref<4x40x256xf32, #tpu.memory_space<vmem>>, vector<16xf32>,
          %scan3A_329 = arith.constant 0 : i32
          scf.yield %scan3A_329 : i32
        }
        %scan3A_152 = arith.constant 40 : i32
        %mul3A_153 = arith.constant 40 : i32
        %mul3A_154 = arith.muli %add3A_106, %mul3A_153 : i32
        %add3A_155 = arith.addi %mul3A_2, %mul3A_154 : i32
        %dma_start3A_156 = arith.constant 3 : i32
        %dma_start3A_157 = arith.constant 0 : i32
        %dma_start3A_158 = arith.constant 0 : i32
        %dma_start3A_159 = tpu.memref_slice %arg10[%dma_start3A_156, %dma_start3A_157, %dma_start3A_158] : memref<4x40x256xf32, #tpu.memory_space<vmem>> -> memref<1x40x256xf32, #tpu.memory_space<vmem>>
        %dma_start3A_160 = tpu.memref_squeeze %dma_start3A_159 : memref<1x40x256xf32, #tpu.memory_space<vmem>> -> memref<40x256xf32, #tpu.memory_space<vmem>>
        %dma_start3A_161 = arith.constant 0 : i32
        %dma_start3A_162 = tpu.memref_slice %arg6[%add3A_155, %dma_start3A_161] : memref<160000x256xf32, #tpu.memory_space<hbm>> -> memref<40x256xf32, #tpu.memory_space<hbm>>
        %dma_start3A_163 = arith.constant 0 : i32
        %dma_start3A_164 = tpu.memref_slice %arg6[%add3A_155, %dma_start3A_163] : memref<160000x256xf32, #tpu.memory_space<hbm>> -> memref<40x256xf32, #tpu.memory_space<hbm>>
        %dma_start3A_165 = arith.constant 0 : i32
        %dma_start3A_166 = arith.constant 0 : i32
        %dma_start3A_167 = tpu.memref_slice %arg10[%dma_start3A_156, %dma_start3A_165, %dma_start3A_166] : memref<4x40x256xf32, #tpu.memory_space<vmem>> -> memref<1x40x256xf32, #tpu.memory_space<vmem>>
        %dma_start3A_168 = tpu.memref_squeeze %dma_start3A_167 : memref<1x40x256xf32, #tpu.memory_space<vmem>> -> memref<40x256xf32, #tpu.memory_space<vmem>>
        tpu.enqueue_dma source(%dma_start3A_168 : memref<40x256xf32, #tpu.memory_space<vmem>>) target(%dma_start3A_164 : memref<40x256xf32, #tpu.memory_space<hbm>>) target_semaphore(%arg22 : memref<!tpu.dma_semaphore, #tpu.memory_space<semaphore_mem>>)
      } else {
      }
      %scan3A_112 = arith.constant 0 : i32
      scf.yield %scan3A_112 : i32
    }
    %scan3A_47 = arith.constant 32 : i32
    %add3A_48 = arith.constant 4920 : i32
    %add3A_49 = arith.addi %mul3A_2, %add3A_48 : i32
    %dma_wait3A = arith.constant 3 : i32
    %dma_wait3A_50 = arith.constant 0 : i32
    %dma_wait3A_51 = arith.constant 0 : i32
    %dma_wait3A_52 = tpu.memref_slice %arg10[%dma_wait3A, %dma_wait3A_50, %dma_wait3A_51] : memref<4x40x256xf32, #tpu.memory_space<vmem>> -> memref<1x40x256xf32, #tpu.memory_space<vmem>>
    %dma_wait3A_53 = tpu.memref_squeeze %dma_wait3A_52 : memref<1x40x256xf32, #tpu.memory_space<vmem>> -> memref<40x256xf32, #tpu.memory_space<vmem>>
    %dma_wait3A_54 = arith.constant 0 : i32
    %dma_wait3A_55 = tpu.memref_slice %arg6[%add3A_49, %dma_wait3A_54] : memref<160000x256xf32, #tpu.memory_space<hbm>> -> memref<40x256xf32, #tpu.memory_space<hbm>>
    %dma_wait3A_56 = arith.constant 0 : i32
    %dma_wait3A_57 = tpu.memref_slice %arg6[%add3A_49, %dma_wait3A_56] : memref<160000x256xf32, #tpu.memory_space<hbm>> -> memref<40x256xf32, #tpu.memory_space<hbm>>
    %dma_wait3A_58 = arith.constant 0 : i32
    %dma_wait3A_59 = arith.constant 0 : i32
    %dma_wait3A_60 = tpu.memref_slice %arg10[%dma_wait3A, %dma_wait3A_58, %dma_wait3A_59] : memref<4x40x256xf32, #tpu.memory_space<vmem>> -> memref<1x40x256xf32, #tpu.memory_space<vmem>>
    %dma_wait3A_61 = tpu.memref_squeeze %dma_wait3A_60 : memref<1x40x256xf32, #tpu.memory_space<vmem>> -> memref<40x256xf32, #tpu.memory_space<vmem>>
    tpu.wait_dma2 semaphore(%arg22 : memref<!tpu.dma_semaphore, #tpu.memory_space<semaphore_mem>>) src(%dma_wait3A_61 : memref<40x256xf32, #tpu.memory_space<vmem>>) dst(%dma_wait3A_57 : memref<40x256xf32, #tpu.memory_space<hbm>>)
    %add3A_62 = arith.constant 4960 : i32
    %add3A_63 = arith.addi %mul3A_2, %add3A_62 : i32
    %dma_wait3A_64 = arith.constant 0 : i32
    %dma_wait3A_65 = arith.constant 0 : i32
    %dma_wait3A_66 = arith.constant 0 : i32
    %dma_wait3A_67 = tpu.memref_slice %arg10[%dma_wait3A_64, %dma_wait3A_65, %dma_wait3A_66] : memref<4x40x256xf32, #tpu.memory_space<vmem>> -> memref<1x40x256xf32, #tpu.memory_space<vmem>>
    %dma_wait3A_68 = tpu.memref_squeeze %dma_wait3A_67 : memref<1x40x256xf32, #tpu.memory_space<vmem>> -> memref<40x256xf32, #tpu.memory_space<vmem>>
    %dma_wait3A_69 = arith.constant 0 : i32
    %dma_wait3A_70 = tpu.memref_slice %arg6[%add3A_63, %dma_wait3A_69] : memref<160000x256xf32, #tpu.memory_space<hbm>> -> memref<40x256xf32, #tpu.memory_space<hbm>>
    %dma_wait3A_71 = arith.constant 0 : i32
    %dma_wait3A_72 = tpu.memref_slice %arg6[%add3A_63, %dma_wait3A_71] : memref<160000x256xf32, #tpu.memory_space<hbm>> -> memref<40x256xf32, #tpu.memory_space<hbm>>
    %dma_wait3A_73 = arith.constant 0 : i32
    %dma_wait3A_74 = arith.constant 0 : i32
    %dma_wait3A_75 = tpu.memref_slice %arg10[%dma_wait3A_64, %dma_wait3A_73, %dma_wait3A_74] : memref<4x40x256xf32, #tpu.memory_space<vmem>> -> memref<1x40x256xf32, #tpu.memory_space<vmem>>
    %dma_wait3A_76 = tpu.memref_squeeze %dma_wait3A_75 : memref<1x40x256xf32, #tpu.memory_space<vmem>> -> memref<40x256xf32, #tpu.memory_space<vmem>>
    tpu.wait_dma2 semaphore(%arg19 : memref<!tpu.dma_semaphore, #tpu.memory_space<semaphore_mem>>) src(%dma_wait3A_76 : memref<40x256xf32, #tpu.memory_space<vmem>>) dst(%dma_wait3A_72 : memref<40x256xf32, #tpu.memory_space<hbm>>)
    return
  }
}

module attributes {stable_mosaic.version = 14 : i64} {
  func.func @_tc_seg_body(%arg0: i32, %arg1: memref<2x1000x128xf32, #tpu.memory_space<vmem>>, %arg2: memref<128x256xf32, #tpu.memory_space<vmem>>, %arg3: memref<1000x256xf32, #tpu.memory_space<vmem>>) attributes {dimension_semantics = [#tpu.dimension_semantics<arbitrary>], iteration_bounds = array<i64: 10>, scalar_prefetch = 0 : i64, scratch_operands = 0 : i64, tpu.core_type = #tpu.core_type<tc>, window_params = [{transform_indices = @transform_0, window_bounds = array<i64: 2, 1000, 128>}, {pipeline_mode = #tpu.pipeline_mode<synchronous>, transform_indices = @transform_1, window_bounds = array<i64: 128, 256>}, {transform_indices = @transform_2, window_bounds = array<i64: 1000, 256>}]} {
    %get3A = arith.constant 0 : index
    %get3A_0 = arith.constant 0 : index
    %get3A_1 = arith.constant 0 : index
    %get3A_2 = vector.load %arg1[%get3A, %get3A_0, %get3A_1] : memref<2x1000x128xf32, #tpu.memory_space<vmem>>, vector<1x1000x128xf32>
    %get3A_3 = vector.shape_cast %get3A_2 : vector<1x1000x128xf32> to vector<1000x128xf32>
    %get3A_4 = arith.constant 1 : index
    %get3A_5 = arith.constant 0 : index
    %get3A_6 = arith.constant 0 : index
    %get3A_7 = vector.load %arg1[%get3A_4, %get3A_5, %get3A_6] : memref<2x1000x128xf32, #tpu.memory_space<vmem>>, vector<1x1000x128xf32>
    %get3A_8 = vector.shape_cast %get3A_7 : vector<1x1000x128xf32> to vector<1000x128xf32>
    %add3A = arith.addf %get3A_3, %get3A_8 : vector<1000x128xf32>
    %get3A_9 = arith.constant 0 : index
    %get3A_10 = arith.constant 0 : index
    %get3A_11 = vector.load %arg2[%get3A_9, %get3A_10] : memref<128x256xf32, #tpu.memory_space<vmem>>, vector<128x256xf32>
    %dot_general3A = arith.constant dense<0.000000e+00> : vector<1000x256xf32>
    %dot_general3A_12 = tpu.matmul %add3A, %get3A_11, %dot_general3A {dimension_numbers = #tpu.dot_dimension_numbers<[1], [0], [0], [1], [0, 0, 1, 1], [], []>, transpose_lhs_hint = false} : vector<1000x128xf32>, vector<128x256xf32>, vector<1000x256xf32> -> vector<1000x256xf32>
    %swap3A = arith.constant 0 : index
    %swap3A_13 = arith.constant 0 : index
    %swap3A_14 = vector.load %arg3[%swap3A, %swap3A_13] : memref<1000x256xf32, #tpu.memory_space<vmem>>, vector<1000x256xf32>
    tpu.vector_store %arg3[%swap3A, %swap3A_13], %dot_general3A_12 {strides = array<i32>} : memref<1000x256xf32, #tpu.memory_space<vmem>>, vector<1000x256xf32>,
    return
  }
  func.func @transform_0(%arg0: i32) -> (i32, i32, i32) {
    %c0_i32 = arith.constant 0 : i32
    %c0_i32_0 = arith.constant 0 : i32
    %c0_i32_1 = arith.constant 0 : i32
    return %c0_i32, %arg0, %c0_i32_0 : i32, i32, i32
  }
  func.func @transform_1(%arg0: i32) -> (i32, i32) {
    %c0_i32 = arith.constant 0 : i32
    %c0_i32_0 = arith.constant 0 : i32
    %c0_i32_1 = arith.constant 0 : i32
    return %c0_i32, %c0_i32_0 : i32, i32
  }
  func.func @transform_2(%arg0: i32) -> (i32, i32) {
    %c0_i32 = arith.constant 0 : i32
    %c0_i32_0 = arith.constant 0 : i32
    return %arg0, %c0_i32 : i32, i32
  }
}

</mosaic_0001>

<sc_bundles>
// kernel: kernel.5.cloned.1.call-start
scs
__scs_entry_jumppad:
0x0: {  	(pc) =	sbr.rel $0x88, $3  }
0x1: {  	(tag) =	ssettag $0x0;
	lr =	simm.s32 $0x1  }
0x2: {  	[smem:$0x3F9C] =	sst lr;
	_ =	strace $0xD0000000  }
0x3: {  	_ = 	snop  }
0x4: {  	_ = 	snop  }
0x5: {  	_ = 	snop  }
0x6: {  	_ = 	snop  }
0x7: {  	_ = 	snop  }
__scs_overlays_trampoline_lowered:
0x8: {  	[smem:$0x3FAB] =	sst s0  }
0x9: {  	[smem:$0x3FAC] =	sst s1  }
0xa: {  	[smem:$0x3FAD] =	sst s2  }
0xb: {  	[smem:$0x3FAE] =	sst s3  }
0xc: {  	[smem:$0x3FAF] =	sst s4  }
0xd: {  	[smem:$0x3FB0] =	sst s5  }
0xe: {  	[smem:$0x3FB1] =	sst s6  }
0xf: {  	[smem:$0x3FB2] =	sst s7  }
0x10: {  	[smem:$0x3FB3] =	sst s8  }
0x11: {  	[smem:$0x3FB4] =	sst s9;
	s0 =	simm.s32 @!p0 $0x0  }
0x12: {  	s1 =	sld [smem:$0x3F9A];
	s0 =	simm.s32 @p0 $0x1  }
0x13: {  	[smem:$0x3FB5] =	sst s0;
	s0 =	simm.s32 @!p1 $0x0  }
0x14: {  	s2 =	sld [smem:$0x3F99];
	s0 =	simm.s32 @p1 $0x1  }
0x15: {  	[smem:$0x3FB6] =	sst s0;
	s0 =	simm.s32 @!p2 $0x0  }
0x16: {  	s3 =	sld [smem:$0x3FDB];
	s0 =	simm.s32 @p2 $0x1  }
0x17: {  	s4 =	simm.s32 $0x1BF5;
	[smem:$0x3FB8] =	sst s0  }
0x18: {  	s0 =	sld [smem:$0x3F9B];
	_ =	swait.ge [sflag:s4], $0x0  }
0x19: {  	s7 =	sld [smem:$0x3F9C]  }
0x1a: {  	s8 =	sadd.s32 $0xFFFFE003, lr  }
0x1b: {  	s9 =	sadd.s32 $0xFFFFFEF7, lr;
	s5 =	simm.s32 $0xFFFFFFFF;
	p2 =	slt.u32 s8, $0xFFFFF086  }
0x1c: {  	p1 =	slt.u32 s9, $0xF7A;
	s5 =	simm.s32 @!p2 $0x0  }
0x1d: {  	s5 =	simm.s32 @p1 $0x1;
	p0 =	seq.s32 s7, s2  }
0x1e: {  	s7 =	smul.u32 @!p0 $0xF7A, s2;
	p2 =	seq.s32 @!p0 s5, $0x0  }
0x1f: {  	s9 =	smul.u32 $0xF7A, s1;
	s8 =	simm.s32 @!p0 $0x1BF5;
	p2 =	por !p2, p0  }
0x20: {  	[sflag:s8] =	ssyncset.s32 @!p0 $0xFFFFF086;
	s6 =	sadd.s32 @!p0 s3, s7;
	s7 =	simm.s32 @!p0 $0x108  }
0x21: {  	s3 =	sadd.s32 s3, s9;
	s6 =	sadd.s32 @!p0 $0x88, s6;
	s7 =	simm.s32 @p2 $0x1082  }
0x22: {  	[simem:s7], [sflag:s8] =	dma.local @!p0 [hbm:s6], $0xF7A  }
0x23: {  	s9 =	sor.u32 $0xD0000000, s2;
	s6 =	simm.s32 $0x108;
	_ =	swait.ge @!p0 [sflag:s8], $0x0  }
0x24: {  	s3 =	sadd.s32 $0x88, s3;
	s6 =	simm.s32 @!p1 $0x1082;
	[sflag:s4] =	ssyncset.s32 $0xFFFFF086  }
0x25: {  	[simem:s6], [sflag:s4] =	dma.local [hbm:s3], $0xF7A  }
0x26: {  	[smem:$0x3F9C] =	sst s1;
	(tag) =	ssettag s2;
	_ =	strace s9  }
0x27: {  	s1 =	sld [smem:$0x3FAC]  }
0x28: {  	s2 =	sld [smem:$0x3FAD]  }
0x29: {  	s4 =	sld [smem:$0x3FAF]  }
0x2a: {  	p0 =	seq.s32 s5, $0x0;
	s5 =	sld [smem:$0x3FB0]  }
0x2b: {  	s6 =	sld [smem:$0x3FB1]  }
0x2c: {  	s7 =	sld [smem:$0x3FB2]  }
0x2d: {  	s3 =	simm.s32 $0x108;
	s8 =	sld [smem:$0x3FB3]  }
0x2e: {  	s3 =	simm.s32 @!p0 $0x1082;
	s9 =	sld [smem:$0x3FB4]  }
0x2f: {  	lr =	sadd.s32 s0, s3;
	s0 =	sld [smem:$0x3FAB]  }
0x30: {  	s3 =	sld [smem:$0x3FAE]  }
0x31: {  	[smem:$0x3FB7] =	sst s10  }
0x32: {  	s10 =	sld [smem:$0x3FB5];
	_ =	sdelay $0x3  }
0x33: {  	p0 =	seq.s32 s10, $0x1;
	s10 =	sld [smem:$0x3FB7];
	_ =	sdelay $0x3  }
0x34: {  	[smem:$0x3FB7] =	sst s10  }
0x35: {  	s10 =	sld [smem:$0x3FB6];
	_ =	sdelay $0x3  }
0x36: {  	p1 =	seq.s32 s10, $0x1;
	s10 =	sld [smem:$0x3FB7];
	_ =	sdelay $0x3  }
0x37: {  	[smem:$0x3FB7] =	sst s10  }
0x38: {  	s10 =	sld [smem:$0x3FB8]  }
0x39: {  	_ = 	snop;
	(pc) =	sbr.ind lr, $3  }
0x3a: {  	_ = 	snop  }
0x3b: {  	_ = 	snop  }
0x3c: {  	p2 =	seq.s32 s10, $0x1;
	s10 =	sld [smem:$0x3FB7]  }
0x3d: {  	_ =	shalt  }
0x3e: {  	_ =	shalt  }
0x3f: {  	_ =	shalt  }
0x40: {  	_ =	shalt  }
0x41: {  	_ =	shalt  }
0x42: {  	_ =	shalt  }
0x43: {  	_ =	shalt  }
0x44: {  	_ =	shalt  }
0x45: {  	_ =	shalt  }
0x46: {  	_ =	shalt  }
0x47: {  	_ =	shalt  }
0x48: {  	_ =	shalt  }
0x49: {  	_ =	shalt  }
0x4a: {  	_ =	shalt  }
0x4b: {  	_ =	shalt  }
0x4c: {  	_ =	shalt  }
0x4d: {  	_ =	shalt  }
0x4e: {  	_ =	shalt  }
0x4f: {  	_ =	shalt  }
0x50: {  	_ =	shalt  }
0x51: {  	_ =	shalt  }
0x52: {  	_ =	shalt  }
0x53: {  	_ =	shalt  }
0x54: {  	_ =	shalt  }
0x55: {  	_ =	shalt  }
0x56: {  	_ =	shalt  }
0x57: {  	_ =	shalt  }
0x58: {  	_ =	shalt  }
0x59: {  	_ =	shalt  }
0x5a: {  	_ =	shalt  }
0x5b: {  	_ =	shalt  }
0x5c: {  	_ =	shalt  }
0x5d: {  	_ =	shalt  }
0x5e: {  	_ =	shalt  }
0x5f: {  	_ =	shalt  }
0x60: {  	_ =	shalt  }
0x61: {  	_ =	shalt  }
0x62: {  	_ =	shalt  }
0x63: {  	_ =	shalt  }
0x64: {  	_ =	shalt  }
0x65: {  	_ =	shalt  }
0x66: {  	_ =	shalt  }
0x67: {  	_ =	shalt  }
0x68: {  	_ =	shalt  }
0x69: {  	_ =	shalt  }
0x6a: {  	_ =	shalt  }
0x6b: {  	_ =	shalt  }
0x6c: {  	_ =	shalt  }
0x6d: {  	_ =	shalt  }
0x6e: {  	_ =	shalt  }
0x6f: {  	_ =	shalt  }
0x70: {  	_ =	shalt  }
0x71: {  	_ =	shalt  }
0x72: {  	_ =	shalt  }
0x73: {  	_ =	shalt  }
0x74: {  	_ =	shalt  }
0x75: {  	_ =	shalt  }
0x76: {  	_ =	shalt  }
0x77: {  	_ =	shalt  }
0x78: {  	_ =	shalt  }
0x79: {  	_ =	shalt  }
0x7a: {  	_ =	shalt  }
0x7b: {  	_ =	shalt  }
0x7c: {  	_ =	shalt  }
0x7d: {  	_ =	shalt  }
0x7e: {  	_ =	shalt  }
0x7f: {  	_ =	shalt  }
0x80: {  	_ =	shalt  }
0x81: {  	_ =	shalt  }
0x82: {  	_ =	shalt  }
0x83: {  	_ =	shalt  }
0x84: {  	_ =	shalt  }
0x85: {  	_ =	shalt  }
0x86: {  	_ =	shalt  }
0x87: {  	_ =	shalt  }
.Lfunc_end0:
.L_simem_size_0:
called_computation_lowered:
.L_overlay_start_0:
0x88: {  	s2 =	sld [smem:$0x3FD9]  }
0x89: {  	s3 =	sld [smem:$0x3FFE];
	_ =	sdelay $0x1  }
0x8a: {  	s1 =	srdreg.scid  }
0x8b: {  	s0 =	sand.u32 $0x1, s1  }
0x8c: {  	s17 =	sshll.u32 s0, $0xA;
	s2 =	sadd.s32 s3, s2  }
0x8d: {  	s2 =	sadd.s32 s2, s17  }
0x8e: {  	[smem:$0x3FC3] =	sst s2  }
0x8f: {  	_ = 	snop  }
0x90: {  	s2 =	sld [smem:$0x3FC9]  }
0x91: {  	s18 =	sld [smem:$0x3FC8]  }
0x92: {  	s4 =	sld [smem:$0x3FC7]  }
0x93: {  	s5 =	sld [smem:$0x3FD0];
	(tm) =	ssettm $0x1  }
0x94: {  	s6 =	sld [smem:$0x3FFB];
	_ =	sdelay $0x3  }
0x95: {  	_ =	strace s6  }
0x96: {  	s6 =	sld [smem:$0x3FFC];
	_ =	sdelay $0x3  }
0x97: {  	_ =	strace s6  }
0x98: {  	s6 =	sld [smem:$0x3FFD];
	_ =	sdelay $0x3  }
0x99: {  	_ =	strace s6  }
0x9a: {  	_ =	strace $0x8FFFFFFF  }
0x9b: {  	s19 =	sld [smem:$0x3FDB];
	_ =	sdelay $0x1  }
0x9c: {  	s7 =	simm.s32 $_scs_section_size  }
0x9d: {  	s8 =	simm.s32 $_size__tile_overlayer_lowered;
	s9 =	simm.s32 $_tile_overlayer_lowered  }
0x9e: {  	s22 =	simm.s32 $0x1BFF;
	s21 =	sshll.u32 s9, $0x1;
	s6 =	sadd.s32 s7, s19  }
0x9f: {  	s10 =	simm.s32 $0x0;
	s20 =	sshll.u32 s8, $0x1;
	s8 =	sadd.s32 s21, s6  }
0xa0: {  	[timem:s10], [sflag:s22] =	dma.local [hbm:s8], s20  }
0xa1: {  	_ =	swait.ge [sflag:s22], s20  }
0xa2: {  	s7 =	ssub.s32 $0x0, s20;
	[sflag:s22] =	ssyncset.done $0x0  }
0xa3: {  	[sflag:s22] =	ssyncadd.s32 s7;
	_ =	sdelay $0x1  }
0xa4: {  	s23 =	simm.s32 $0x1B8B  }
0xa5: {  	_ =	swait.ge [sflag:s23], $0x1  }
0xa6: {  	[sflag:s23] =	ssyncset.done $0x0  }
0xa7: {  	s25 =	simm.s32 $0x1B8E;
	s24 =	sld [smem:$0x3FFE];
	[sflag:s23] =	ssyncadd.s32 $0xFFFFFFFF  }
0xa8: {  	s26 =	simm.s32 $execute0_lowered;
	[smem:$0x3FD2] =	sst s25  }
0xa9: {  	s8 =	sshll.u32 s26, $0x1;
	_ =	strace $0x80000046;
	[dreg:$0x1] =	wrdreg $0xFFFFFFFF  }
0xaa: {  	s28 =	simm.s32 $_size_execute0_lowered;
	s6 =	sadd.s32 s6, s8;
	[dreg:$0x0] =	wrdreg $0x0  }
0xab: {  	s8 =	sshll.u32 s28, $0x1;
	[dreg:$0x2] =	wrdreg s6  }
0xac: {  	[dreg:$0x3] =	wrdreg s8  }
0xad: {  	[dreg:$0x4] =	wrdreg $0xC0  }
0xae: {  	_ =	task [dreg:s10], $0x5FFFF  }
0xaf: {  	[dreg:$0x1] =	wrdreg $0xFFFFFFFF  }
0xb0: {  	[dreg:$0x0] =	wrdreg $0x60  }
0xb1: {  	[dreg:$0x2] =	wrdreg s2  }
0xb2: {  	[dreg:$0x3] =	wrdreg s18  }
0xb3: {  	[dreg:$0x4] =	wrdreg s4  }
0xb4: {  	[dreg:$0x5] =	wrdreg s24  }
0xb5: {  	[dreg:$0x6] =	wrdreg s5  }
0xb6: {  	[dreg:$0x7] =	wrdreg $0x98000  }
0xb7: {  	[dreg:$0x8] =	wrdreg $0x9  }
0xb8: {  	_ =	task.clear_ibuf [dreg:s10], $0x9FFFF;
	_ =	strace $0x90000046  }
0xb9: {  	s29 =	simm.s32 $0x9;
	_ =	strace $0x80000048  }
0xba: {  	_ =	swait.ge [sflag:s29], $0x1  }
0xbb: {  	[sflag:s29] =	ssyncadd.s32 $0xFFFFFFFF  }
0xbc: {  	_ =	strace $0x90000048  }
0xbd: {  	_ =	sfence  }
0xbe: {  	s30 =	sld [smem:$0x0];
	_ =	sdelay $0x2  }
0xbf: {  	s31 =	sshll.u32 s1, $0xD;
	s1 =	sshrl.u32 s1, $0x2  }
0xc0: {  	s3 =	sand.u32 $0x4000, s31;
	s1 =	sadd.s32 s1, s30  }
0xc1: {  	s0 =	sor.u32 s3, s0;
	s1 =	sshll.u32 s1, $0x11  }
0xc2: {  	s0 =	sor.u32 s1, s0  }
0xc3: {  	s0 =	sadd.s32 $0x8F2B, s0  }
0xc4: {  	[sflag:s0] =	ssyncadd.remote.s32 $0x1  }
0xc5: {  	_ =	sfence.sel $0xFFFF  }
0xc6: {  	[dreg:$0x0] =	wrdreg $0xFFFFFFFF;
	(pc) =	sbr.abs _section_cstart, $3  }
0xc7: {  	[dreg:$0x1] =	wrdreg $0xFFFFFFFF  }
0xc8: {  	_ =	task.clear_ibuf [dreg:s10], $0x2FFFF;
	_ =	strace $0x9FFFFFFF  }
0xc9: {  	(tm) =	ssettm $0x7FFFFFFF  }
tec
execute0_lowered:
.L_overlay_start_1:
0x0: {  	(tag) =	ssettag $0x1  }
0x1: {  	s0 =	rddreg [dreg:$0x1]  }
0x2: {  	s2 =	rddreg [dreg:$0x2]  }
0x3: {  	s1 =	srdreg.scid;
	s5 =	rddreg [dreg:$0x3]  }
0x4: {  	s11 =	stileid.u32;
	s7 =	rddreg [dreg:$0x4];
	s20 =	simm.s32 $0x1  }
0x5: {  	s22 =	simm.s32 $0x3B80;
	s23 =	simm.s32 $0x7800;
	s28 =	simm.s32 $0x4F80  }
0x6: {  	s29 =	simm.s32 $0x0;
	s1 =	sand.u32 $0x1, s1;
	s9 =	smul.u32 $0x13880, s11  }
0x7: {  	s30 =	simm.s32 $0x0;
	s3 =	sshll.u32 s1, $0x4;
	s8 =	smul.u32 $0x138800, s1  }
0x8: {  	s1 =	ssub.s32 $0x2, s1;
	s4 =	sor.u32 s11, s3;
	s11 =	smul.u32 $0x50000, s11  }
0x9: {  	s3 =	rddreg [dreg:$0x5];
	s24 =	sshrl.u32 s1, $0x1;
	s6 =	smul.u32 $0x271, s4  }
0xa: {  	s4 =	simm.s32 $0x0;
	s1 =	ssub.s32 s1, s24;
	s8 =	sadd.s32 s9, s8  }
0xb: {  	s26 =	sadd.s32 s9, s3;
	s24 =	simm.s32 $0x80;
	[smem:$0x7FF] =	sst s4  }
0xc: {  	s25 =	sshrl.u32 s8, $0x3;
	s31 =	sshrl.u32 s11, $0x2;
	s9 =	smax.u32 s1, $0x1  }
0xd: {  	_ =	strace $0x80000047;
	s10 =	sadd.s32 s6, s5;
	s5 =	sadd.s32 s0, s6  }
0xe: {  	s6 =	sadd.s32 s2, s6;
	s7 =	sadd.s32 s7, s25;
	s25 =	sshrl.u32 s26, $0x3  }
0xf: {  	v0 =	vlaneseq.u32;
	s26 =	simm.s32 $0x7780;
	s8 =	sadd.s32 $0x1200, s10;
	s10 =	sadd.s32 s31, s3  }
0x10: {  	v2 =	vmul.u32 $0xFFFFFFFF, v0;
	s11 =	sadd.s32 $0x2000, s10;
	s12 =	sadd.s32 $0x4000, s10;
	s13 =	sadd.s32 $0x6000, s10  }
0x11: {  	s14 =	sadd.s32 $0x8000, s10;
	s15 =	sadd.s32 $0xA000, s10;
	s16 =	sadd.s32 $0xC000, s10  }
0x12: {  	v1 =	vimm.f32 $0.0e+00;
	v0 =	vimm.f32 $1.000000000e+00;
	v2 =	vadd.s32 $0x1388, v2;
	s17 =	sadd.s32 $0xE000, s10;
	s18 =	sadd.s32 $0x10000, s10;
	s19 =	sadd.s32 $0x12000, s10  }
.LBB2_1:
0x13: {  	s0 =	rddreg [dreg:$0x0]  }
0x14: {  	[tilespmem:s4], [sflag:$0x1] =	stream.linear.gather [hbm4b:s0+s4], $0x2780, $0x38;
	[tilespmem:$0x1D800] =	vst v63  }
0x15: {  	_ =	swait.ge [sflag:s20], $0x2780  }
0x16: {  	[sflag:s20] =	ssyncset.done $0x0  }
0x17: {  	s31 =	simm.s32 $0x2780;
	[sflag:s20] =	ssyncadd.s32 $0xFFFFD880  }
0x18: {  	[tilespmem:s31], [sflag:$0x1] =	stream.linear.gather [hbm4b:s5+s4], $0x1388, $0x38;
	[tilespmem:$0x1D800] =	vst v63  }
0x19: {  	_ =	swait.ge [sflag:s20], $0x1388  }
0x1a: {  	[sflag:s20] =	ssyncset.done $0x0  }
0x1b: {  	[sflag:s20] =	ssyncadd.s32 $0xFFFFEC78  }
0x1c: {  	[tilespmem:s22], [sflag:$0x1] =	stream.linear.gather [hbm4b:s6+s4], $0x1388, $0x38;
	[tilespmem:$0x1D800] =	vst v63  }
0x1d: {  	_ =	swait.ge [sflag:s20], $0x1388  }
0x1e: {  	[sflag:s20] =	ssyncset.done $0x0  }
0x1f: {  	[sflag:s20] =	ssyncadd.s32 $0xFFFFEC78  }
0x20: {  	[tilespmem:$0x7780] =	vst v0  }
0x21: {  	[tilespmem:$0x7790] =	vst v0  }
0x22: {  	[tilespmem:$0x77A0] =	vst v0  }
0x23: {  	[tilespmem:$0x77B0] =	vst v0  }
0x24: {  	[tilespmem:$0x77C0] =	vst v0  }
0x25: {  	[tilespmem:$0x77D0] =	vst v0  }
0x26: {  	[tilespmem:$0x77E0] =	vst v0  }
0x27: {  	s1 =	simm.s32 $0x0;
	s0 =	simm.s32 $0x40;
	[tilespmem:$0x77F0] =	vst v0  }
.LBB2_2:
0x28: {  	p0 =	sne.s32 s0, $0x7FC0;
	[tilespmem:s1+$0x7800] =	vst v1;
	s1 =	smov.u32 s0;
	s0 =	sadd.s32 $0x40, s0  }
.Ltmp0:
0x29: {  	(pc) =	sbr.rel @p0 .LBB2_2-.Ltmp0, $2  }
0x2a: {  	_ =	sdelay $0x2  }
0x2b: {  	s1 =	sshra.s32 s1, $0x2  }
0x2c: {  	[tilespmem:s1+$0x7800] =	vst v1  }
0x2d: {  	[spmem:s10] =	stream.linear.scatter [tilespmem:s23], [sflag:$0x1], $0x2000, $0x38;
	[tilespmem:$0x1D800] =	vst v63  }
0x2e: {  	_ =	swait.ge [sflag:s20], $0x2000  }
0x2f: {  	[sflag:s20] =	ssyncset.done $0x0  }
0x30: {  	[sflag:s20] =	ssyncadd.s32 $0xFFFFE000  }
0x31: {  	[spmem:s11] =	stream.linear.scatter [tilespmem:s23], [sflag:$0x1], $0x2000, $0x38;
	[tilespmem:$0x1D800] =	vst v63  }
0x32: {  	_ =	swait.ge [sflag:s20], $0x2000  }
0x33: {  	[sflag:s20] =	ssyncset.done $0x0  }
0x34: {  	[sflag:s20] =	ssyncadd.s32 $0xFFFFE000  }
0x35: {  	[spmem:s12] =	stream.linear.scatter [tilespmem:s23], [sflag:$0x1], $0x2000, $0x38;
	[tilespmem:$0x1D800] =	vst v63  }
0x36: {  	_ =	swait.ge [sflag:s20], $0x2000  }
0x37: {  	[sflag:s20] =	ssyncset.done $0x0  }
0x38: {  	[sflag:s20] =	ssyncadd.s32 $0xFFFFE000  }
0x39: {  	[spmem:s13] =	stream.linear.scatter [tilespmem:s23], [sflag:$0x1], $0x2000, $0x38;
	[tilespmem:$0x1D800] =	vst v63  }
0x3a: {  	_ =	swait.ge [sflag:s20], $0x2000  }
0x3b: {  	[sflag:s20] =	ssyncset.done $0x0  }
0x3c: {  	[sflag:s20] =	ssyncadd.s32 $0xFFFFE000  }
0x3d: {  	[spmem:s14] =	stream.linear.scatter [tilespmem:s23], [sflag:$0x1], $0x2000, $0x38;
	[tilespmem:$0x1D800] =	vst v63  }
0x3e: {  	_ =	swait.ge [sflag:s20], $0x2000  }
0x3f: {  	[sflag:s20] =	ssyncset.done $0x0  }
0x40: {  	[sflag:s20] =	ssyncadd.s32 $0xFFFFE000  }
0x41: {  	[spmem:s15] =	stream.linear.scatter [tilespmem:s23], [sflag:$0x1], $0x2000, $0x38;
	[tilespmem:$0x1D800] =	vst v63  }
0x42: {  	_ =	swait.ge [sflag:s20], $0x2000  }
0x43: {  	[sflag:s20] =	ssyncset.done $0x0  }
0x44: {  	[sflag:s20] =	ssyncadd.s32 $0xFFFFE000  }
0x45: {  	[spmem:s16] =	stream.linear.scatter [tilespmem:s23], [sflag:$0x1], $0x2000, $0x38;
	[tilespmem:$0x1D800] =	vst v63  }
0x46: {  	_ =	swait.ge [sflag:s20], $0x2000  }
0x47: {  	[sflag:s20] =	ssyncset.done $0x0  }
0x48: {  	[sflag:s20] =	ssyncadd.s32 $0xFFFFE000  }
0x49: {  	[spmem:s17] =	stream.linear.scatter [tilespmem:s23], [sflag:$0x1], $0x2000, $0x38;
	[tilespmem:$0x1D800] =	vst v63  }
0x4a: {  	_ =	swait.ge [sflag:s20], $0x2000  }
0x4b: {  	[sflag:s20] =	ssyncset.done $0x0  }
0x4c: {  	[sflag:s20] =	ssyncadd.s32 $0xFFFFE000  }
0x4d: {  	[spmem:s18] =	stream.linear.scatter [tilespmem:s23], [sflag:$0x1], $0x2000, $0x38;
	[tilespmem:$0x1D800] =	vst v63  }
0x4e: {  	_ =	swait.ge [sflag:s20], $0x2000  }
0x4f: {  	[sflag:s20] =	ssyncset.done $0x0  }
0x50: {  	[sflag:s20] =	ssyncadd.s32 $0xFFFFE000  }
0x51: {  	[spmem:s19] =	stream.linear.scatter [tilespmem:s23], [sflag:$0x1], $0x2000, $0x38;
	[tilespmem:$0x1D800] =	vst v63  }
0x52: {  	_ =	swait.ge [sflag:s20], $0x2000  }
0x53: {  	[sflag:s20] =	ssyncset.done $0x0  }
0x54: {  	[sflag:s20] =	ssyncadd.s32 $0xFFFFE000  }
0x55: {  	s0 =	simm.s32 $0x0;
	[bflag:$0x0] =	sbarrier.arrive $0xFFFF  }
0x56: {  	v3 =	vld [tilespmem:s0+$0x2780];
	_ =	sdelay $0x4  }
0x57: {  	vm0 =	vgt.s32 v3, $0x0  }
0x58: {  	v3 =	vnsel vm0, $0x0, v3  }
0x59: {  	v3 =	vmin.u32 v3, $0x270F;
	_ =	sdelay $0x3  }
0x5a: {  	v4 =	vld [tilespmem:s0+$0x3B80]  }
0x5b: {  	v3 =	vld.idx.msk [tilespmem:v3+s30+$0x0], $0xffff;
	_ =	sdelay $0x3  }
0x5c: {  	v5 =	vmov s30;
	s21 =	sand.u32 $0x7E00, s30;
	v4 =	vshll.u32 v4, $0x7  }
0x5d: {  	s2 =	sand.u32 $0x70, s30;
	vm15 =	vlt.u32 v5, v2;
	s1 =	sshrl.u32 s21, $0x2;
	v4 =	vadd.s32 v3, v4  }
0x5e: {  	s31 =	simm.s32 $0x40;
	s21 =	sor.u32 s2, s1;
	[tilespmem:s0+$0x4F80] =	vst v3;
	v3 =	vnsel vm15, $0x138800, v4  }
0x5f: {  	s2 =	simm.s32 $0x10;
	s1 =	simm.s32 $0x80;
	s0 =	simm.s32 $0x0;
	[tilespmem:s21+$0x6380] =	vst v3  }
.LBB2_4:
0x60: {  	p0 =	sne.s32 s1, $0x4FC0;
	v3 =	vld [tilespmem:s2+$0x2780];
	_ =	sdelay $0x4  }
0x61: {  	vm0 =	vgt.s32 v3, $0x0  }
0x62: {  	v3 =	vnsel vm0, $0x0, v3  }
0x63: {  	v3 =	vmin.u32 v3, $0x270F;
	_ =	sdelay $0x3  }
0x64: {  	v4 =	vld [tilespmem:s2+$0x3B80]  }
0x65: {  	v3 =	vld.idx.msk [tilespmem:v3+s30+$0x0], $0xffff;
	_ =	sdelay $0x3  }
.Ltmp1:
0x66: {  	s0 =	sadd.s32 $0x10, s0;
	(pc) =	sbr.rel @p0 .LBB2_4-.Ltmp1, $4  }
0x67: {  	s21 =	sand.u32 $0x7E00, s31;
	s31 =	smov.u32 s1;
	v5 =	vmov s0;
	v4 =	vshll.u32 v4, $0x7  }
0x68: {  	s21 =	sshrl.u32 s21, $0x2;
	vm0 =	vlt.u32 v5, v2;
	v4 =	vadd.s32 v3, v4;
	[tilespmem:s2+$0x4F80] =	vst v3;
	s2 =	sand.u32 $0x70, s0  }
0x69: {  	v3 =	vnsel vm0, $0x138800, v4;
	s21 =	sor.u32 s2, s21  }
0x6a: {  	s1 =	sadd.s32 $0x40, s1;
	s2 =	sshra.s32 s31, $0x2;
	[tilespmem:s21+$0x6380] =	vst v3  }
0x6b: {  	v3 =	vld [tilespmem:s2+$0x2780];
	_ =	sdelay $0x4  }
0x6c: {  	vm0 =	vgt.s32 v3, $0x0  }
0x6d: {  	v3 =	vnsel vm0, $0x0, v3  }
0x6e: {  	v3 =	vmin.u32 v3, $0x270F;
	_ =	sdelay $0x3  }
0x6f: {  	v4 =	vld [tilespmem:s2+$0x3B80]  }
0x70: {  	v3 =	vld.idx.msk [tilespmem:v3+s30+$0x0], $0xffff;
	_ =	sdelay $0x2  }
0x71: {  	s0 =	sadd.s32 $0x10, s0  }
0x72: {  	s1 =	sand.u32 $0x7E00, s31;
	v5 =	vmov s0;
	v4 =	vshll.u32 v4, $0x7  }
0x73: {  	s0 =	sand.u32 $0x70, s0;
	s1 =	sshrl.u32 s1, $0x2;
	vm15 =	vlt.u32 v5, v2;
	v4 =	vadd.s32 v3, v4  }
0x74: {  	s0 =	sor.u32 s0, s1;
	[tilespmem:s2+$0x4F80] =	vst v3;
	v3 =	vnsel vm15, $0x138800, v4  }
0x75: {  	s31 =	simm.s32 $0x6380;
	[tilespmem:s0+$0x6380] =	vst v3  }
0x76: {  	[spmem:s3] =	stream.indirect.scatter.add.f32 [tilespmem:s26], [sflag:$0x1], $0x1, s31, s24, $0xb8;
	[tilespmem:$0x1D800] =	vst v63  }
0x77: {  	s0 =	simm.s32 $0x200;
	_ =	swait.ge [sflag:s20], $0x80  }
.LBB2_6:
0x78: {  	s1 =	sshra.s32 s0, $0x2;
	[sflag:s20] =	ssyncset.done $0x0;
	p0 =	sne.s32 s0, $0x4E00  }
.Ltmp2:
0x79: {  	s1 =	sadd.s32 $0x6380, s1;
	[sflag:s20] =	ssyncadd.s32 $0xFFFFFF80;
	(pc) =	sbr.rel @p0 .LBB2_6-.Ltmp2, $3  }
0x7a: {  	[spmem:s3] =	stream.indirect.scatter.add.f32 [tilespmem:s26], [sflag:$0x1], $0x1, s1, s24, $0xb8;
	[tilespmem:$0x1D800] =	vst v63  }
0x7b: {  	s0 =	sadd.s32 $0x200, s0;
	_ =	sdelay $0x1  }
0x7c: {  	_ =	swait.ge [sflag:s20], $0x80  }
0x7d: {  	[sflag:s20] =	ssyncset.done $0x0;
	s0 =	stileid.u32  }
0x7e: {  	[sflag:s20] =	ssyncadd.s32 $0xFFFFFF80;
	s0 =	sshll.u32 s0, $0x6  }
0x7f: {  	[bflag:$0x0] =	sbarrier.arrive $0xFFFF;
	s0 =	sor.u32 $0x1C01, s0  }
0x80: {  	[hbm:s7], [sflag:s0] =	dma.local [spmem:s25], $0x2710  }
0x81: {  	s29 =	sadd.s32 $0x1, s29;
	_ =	swait.ge [sflag:s20], $0x2710  }
0x82: {  	p0 =	sne.s32 s29, s9;
	[sflag:s20] =	ssyncset.done $0x0  }
.Ltmp3:
0x83: {  	[sflag:s20] =	ssyncadd.s32 $0xFFFFD8F0;
	(pc) =	sbr.rel @p0 .LBB2_1-.Ltmp3, $4  }
0x84: {  	[hbm4b:s8+s4] =	stream.linear.scatter [tilespmem:s28], [sflag:$0x1], $0x1388, $0x38;
	[tilespmem:$0x1D800] =	vst v63  }
0x85: {  	_ =	swait.ge [sflag:s20], $0x1388  }
0x86: {  	[sflag:s20] =	ssyncset.done $0x0  }
0x87: {  	[sflag:s20] =	ssyncadd.s32 $0xFFFFEC78  }
0x88: {  	_ =	sfence.sel $0x180000  }
0x89: {  	[bflag:$0x0] =	sbarrier.arrive $0xFFFF  }
0x8a: {  	_ =	strace $0x90000047  }
0x8b: {  	s0 =	stileid.u32;
	[bflag:$0x2] =	sbarrier.arrive $0xFFFF  }
0x8c: {  	p0 =	sne.s32 s0, $0x0;
	s0 =	rddreg [dreg:$0x6]  }
0x8d: {  	s0 =	sadd.s32 @!p0 $0x100000, s0  }
0x8e: {  	[sflag:s0] =	ssyncadd.tile.s32 @!p0 $0x1;
	_ =	shalt  }
.Lfunc_end2:
_tile_overlayer_lowered:
.L_overlay_start_2:
0x8f: {  	(tag) =	ssettag $0x2  }
0x90: {  	s0 =	rddreg [dreg:$0x0];
	s2 =	stileid.u32  }
0x91: {  	s1 =	rddreg [dreg:$0x1];
	p0 =	sne.s32 s2, $0x0  }
0x92: {  	s3 =	rddreg [dreg:$0x2];
	[bflag:$0x3] =	sbarrier.arrive $0xFFFF;
	s2 =	simm.s32 @!p0 $0x1C01  }
0x93: {  	[timem:s3], [sflag:s2] =	dma.local @!p0 [hbm:s0], s1  }
0x94: {  	s0 =	simm.s32 @!p0 $0x1  }
0x95: {  	_ =	swait.ge @!p0 [sflag:s0], s1  }
0x96: {  	s1 =	ssub.s32 @!p0 $0x0, s1;
	[sflag:s0] =	ssyncset.done @!p0 $0x0  }
0x97: {  	[sflag:s0] =	ssyncadd.s32 @!p0 s1  }
0x98: {  	[bflag:$0x3] =	sbarrier.arrive $0xFFFF  }
0x99: {  	_ =	shalt  }

// kernel: kernel.8.cloned.1.call-start
scs
__scs_entry_jumppad:
0x0: {  	(pc) =	sbr.rel $0x88, $3  }
0x1: {  	(tag) =	ssettag $0x0;
	lr =	simm.s32 $0x1  }
0x2: {  	[smem:$0x3F9C] =	sst lr;
	_ =	strace $0xD0000000  }
0x3: {  	_ = 	snop  }
0x4: {  	_ = 	snop  }
0x5: {  	_ = 	snop  }
0x6: {  	_ = 	snop  }
0x7: {  	_ = 	snop  }
__scs_overlays_trampoline_lowered:
0x8: {  	[smem:$0x3FAB] =	sst s0  }
0x9: {  	[smem:$0x3FAC] =	sst s1  }
0xa: {  	[smem:$0x3FAD] =	sst s2  }
0xb: {  	[smem:$0x3FAE] =	sst s3  }
0xc: {  	[smem:$0x3FAF] =	sst s4  }
0xd: {  	[smem:$0x3FB0] =	sst s5  }
0xe: {  	[smem:$0x3FB1] =	sst s6  }
0xf: {  	[smem:$0x3FB2] =	sst s7  }
0x10: {  	[smem:$0x3FB3] =	sst s8  }
0x11: {  	[smem:$0x3FB4] =	sst s9;
	s0 =	simm.s32 @!p0 $0x0  }
0x12: {  	s1 =	sld [smem:$0x3F9A];
	s0 =	simm.s32 @p0 $0x1  }
0x13: {  	[smem:$0x3FB5] =	sst s0;
	s0 =	simm.s32 @!p1 $0x0  }
0x14: {  	s2 =	sld [smem:$0x3F99];
	s0 =	simm.s32 @p1 $0x1  }
0x15: {  	[smem:$0x3FB6] =	sst s0;
	s0 =	simm.s32 @!p2 $0x0  }
0x16: {  	s3 =	sld [smem:$0x3FDB];
	s0 =	simm.s32 @p2 $0x1  }
0x17: {  	s4 =	simm.s32 $0x1BF5;
	[smem:$0x3FB8] =	sst s0  }
0x18: {  	s0 =	sld [smem:$0x3F9B];
	_ =	swait.ge [sflag:s4], $0x0  }
0x19: {  	s7 =	sld [smem:$0x3F9C]  }
0x1a: {  	s8 =	sadd.s32 $0xFFFFE003, lr  }
0x1b: {  	s9 =	sadd.s32 $0xFFFFFEF7, lr;
	s5 =	simm.s32 $0xFFFFFFFF;
	p2 =	slt.u32 s8, $0xFFFFF086  }
0x1c: {  	p1 =	slt.u32 s9, $0xF7A;
	s5 =	simm.s32 @!p2 $0x0  }
0x1d: {  	s5 =	simm.s32 @p1 $0x1;
	p0 =	seq.s32 s7, s2  }
0x1e: {  	s7 =	smul.u32 @!p0 $0xF7A, s2;
	p2 =	seq.s32 @!p0 s5, $0x0  }
0x1f: {  	s9 =	smul.u32 $0xF7A, s1;
	s8 =	simm.s32 @!p0 $0x1BF5;
	p2 =	por !p2, p0  }
0x20: {  	[sflag:s8] =	ssyncset.s32 @!p0 $0xFFFFF086;
	s6 =	sadd.s32 @!p0 s3, s7;
	s7 =	simm.s32 @!p0 $0x108  }
0x21: {  	s3 =	sadd.s32 s3, s9;
	s6 =	sadd.s32 @!p0 $0x88, s6;
	s7 =	simm.s32 @p2 $0x1082  }
0x22: {  	[simem:s7], [sflag:s8] =	dma.local @!p0 [hbm:s6], $0xF7A  }
0x23: {  	s9 =	sor.u32 $0xD0000000, s2;
	s6 =	simm.s32 $0x108;
	_ =	swait.ge @!p0 [sflag:s8], $0x0  }
0x24: {  	s3 =	sadd.s32 $0x88, s3;
	s6 =	simm.s32 @!p1 $0x1082;
	[sflag:s4] =	ssyncset.s32 $0xFFFFF086  }
0x25: {  	[simem:s6], [sflag:s4] =	dma.local [hbm:s3], $0xF7A  }
0x26: {  	[smem:$0x3F9C] =	sst s1;
	(tag) =	ssettag s2;
	_ =	strace s9  }
0x27: {  	s1 =	sld [smem:$0x3FAC]  }
0x28: {  	s2 =	sld [smem:$0x3FAD]  }
0x29: {  	s4 =	sld [smem:$0x3FAF]  }
0x2a: {  	p0 =	seq.s32 s5, $0x0;
	s5 =	sld [smem:$0x3FB0]  }
0x2b: {  	s6 =	sld [smem:$0x3FB1]  }
0x2c: {  	s7 =	sld [smem:$0x3FB2]  }
0x2d: {  	s3 =	simm.s32 $0x108;
	s8 =	sld [smem:$0x3FB3]  }
0x2e: {  	s3 =	simm.s32 @!p0 $0x1082;
	s9 =	sld [smem:$0x3FB4]  }
0x2f: {  	lr =	sadd.s32 s0, s3;
	s0 =	sld [smem:$0x3FAB]  }
0x30: {  	s3 =	sld [smem:$0x3FAE]  }
0x31: {  	[smem:$0x3FB7] =	sst s10  }
0x32: {  	s10 =	sld [smem:$0x3FB5];
	_ =	sdelay $0x3  }
0x33: {  	p0 =	seq.s32 s10, $0x1;
	s10 =	sld [smem:$0x3FB7];
	_ =	sdelay $0x3  }
0x34: {  	[smem:$0x3FB7] =	sst s10  }
0x35: {  	s10 =	sld [smem:$0x3FB6];
	_ =	sdelay $0x3  }
0x36: {  	p1 =	seq.s32 s10, $0x1;
	s10 =	sld [smem:$0x3FB7];
	_ =	sdelay $0x3  }
0x37: {  	[smem:$0x3FB7] =	sst s10  }
0x38: {  	s10 =	sld [smem:$0x3FB8]  }
0x39: {  	_ = 	snop;
	(pc) =	sbr.ind lr, $3  }
0x3a: {  	_ = 	snop  }
0x3b: {  	_ = 	snop  }
0x3c: {  	p2 =	seq.s32 s10, $0x1;
	s10 =	sld [smem:$0x3FB7]  }
0x3d: {  	_ =	shalt  }
0x3e: {  	_ =	shalt  }
0x3f: {  	_ =	shalt  }
0x40: {  	_ =	shalt  }
0x41: {  	_ =	shalt  }
0x42: {  	_ =	shalt  }
0x43: {  	_ =	shalt  }
0x44: {  	_ =	shalt  }
0x45: {  	_ =	shalt  }
0x46: {  	_ =	shalt  }
0x47: {  	_ =	shalt  }
0x48: {  	_ =	shalt  }
0x49: {  	_ =	shalt  }
0x4a: {  	_ =	shalt  }
0x4b: {  	_ =	shalt  }
0x4c: {  	_ =	shalt  }
0x4d: {  	_ =	shalt  }
0x4e: {  	_ =	shalt  }
0x4f: {  	_ =	shalt  }
0x50: {  	_ =	shalt  }
0x51: {  	_ =	shalt  }
0x52: {  	_ =	shalt  }
0x53: {  	_ =	shalt  }
0x54: {  	_ =	shalt  }
0x55: {  	_ =	shalt  }
0x56: {  	_ =	shalt  }
0x57: {  	_ =	shalt  }
0x58: {  	_ =	shalt  }
0x59: {  	_ =	shalt  }
0x5a: {  	_ =	shalt  }
0x5b: {  	_ =	shalt  }
0x5c: {  	_ =	shalt  }
0x5d: {  	_ =	shalt  }
0x5e: {  	_ =	shalt  }
0x5f: {  	_ =	shalt  }
0x60: {  	_ =	shalt  }
0x61: {  	_ =	shalt  }
0x62: {  	_ =	shalt  }
0x63: {  	_ =	shalt  }
0x64: {  	_ =	shalt  }
0x65: {  	_ =	shalt  }
0x66: {  	_ =	shalt  }
0x67: {  	_ =	shalt  }
0x68: {  	_ =	shalt  }
0x69: {  	_ =	shalt  }
0x6a: {  	_ =	shalt  }
0x6b: {  	_ =	shalt  }
0x6c: {  	_ =	shalt  }
0x6d: {  	_ =	shalt  }
0x6e: {  	_ =	shalt  }
0x6f: {  	_ =	shalt  }
0x70: {  	_ =	shalt  }
0x71: {  	_ =	shalt  }
0x72: {  	_ =	shalt  }
0x73: {  	_ =	shalt  }
0x74: {  	_ =	shalt  }
0x75: {  	_ =	shalt  }
0x76: {  	_ =	shalt  }
0x77: {  	_ =	shalt  }
0x78: {  	_ =	shalt  }
0x79: {  	_ =	shalt  }
0x7a: {  	_ =	shalt  }
0x7b: {  	_ =	shalt  }
0x7c: {  	_ =	shalt  }
0x7d: {  	_ =	shalt  }
0x7e: {  	_ =	shalt  }
0x7f: {  	_ =	shalt  }
0x80: {  	_ =	shalt  }
0x81: {  	_ =	shalt  }
0x82: {  	_ =	shalt  }
0x83: {  	_ =	shalt  }
0x84: {  	_ =	shalt  }
0x85: {  	_ =	shalt  }
0x86: {  	_ =	shalt  }
0x87: {  	_ =	shalt  }
.Lfunc_end0:
.L_simem_size_0:
called_computation.1_lowered:
.L_overlay_start_0:
0x88: {  	s2 =	sld [smem:$0x3FD9]  }
0x89: {  	s3 =	sld [smem:$0x3FFE];
	_ =	sdelay $0x1  }
0x8a: {  	s1 =	srdreg.scid  }
0x8b: {  	s0 =	sand.u32 $0x1, s1  }
0x8c: {  	s17 =	sshll.u32 s0, $0xA;
	s2 =	sadd.s32 s3, s2  }
0x8d: {  	s2 =	sadd.s32 s2, s17  }
0x8e: {  	[smem:$0x3FC3] =	sst s2  }
0x8f: {  	_ = 	snop  }
0x90: {  	s2 =	sld [smem:$0x3FC7]  }
0x91: {  	s18 =	sld [smem:$0x3FD0];
	(tm) =	ssettm $0x1  }
0x92: {  	s4 =	sld [smem:$0x3FFB];
	_ =	sdelay $0x3  }
0x93: {  	_ =	strace s4  }
0x94: {  	s4 =	sld [smem:$0x3FFC];
	_ =	sdelay $0x3  }
0x95: {  	_ =	strace s4  }
0x96: {  	s4 =	sld [smem:$0x3FFD];
	_ =	sdelay $0x3  }
0x97: {  	_ =	strace s4  }
0x98: {  	_ =	strace $0x8FFFFFFF  }
0x99: {  	s19 =	sld [smem:$0x3FDB];
	_ =	sdelay $0x1  }
0x9a: {  	s5 =	simm.s32 $_scs_section_size  }
0x9b: {  	s6 =	simm.s32 $_size__tile_overlayer_lowered;
	s7 =	simm.s32 $_tile_overlayer_lowered  }
0x9c: {  	s22 =	simm.s32 $0x1BFF;
	s21 =	sshll.u32 s7, $0x1;
	s4 =	sadd.s32 s5, s19  }
0x9d: {  	s8 =	simm.s32 $0x0;
	s20 =	sshll.u32 s6, $0x1;
	s6 =	sadd.s32 s21, s4  }
0x9e: {  	[timem:s8], [sflag:s22] =	dma.local [hbm:s6], s20  }
0x9f: {  	_ =	swait.ge [sflag:s22], s20  }
0xa0: {  	s5 =	ssub.s32 $0x0, s20;
	[sflag:s22] =	ssyncset.done $0x0  }
0xa1: {  	[sflag:s22] =	ssyncadd.s32 s5;
	_ =	sdelay $0x1  }
0xa2: {  	s23 =	simm.s32 $0x1B8B  }
0xa3: {  	_ =	swait.ge [sflag:s23], $0x1  }
0xa4: {  	[sflag:s23] =	ssyncset.done $0x0  }
0xa5: {  	s25 =	simm.s32 $0x1B8E;
	s24 =	sld [smem:$0x3FFE];
	[sflag:s23] =	ssyncadd.s32 $0xFFFFFFFF  }
0xa6: {  	s26 =	simm.s32 $execute0_lowered;
	[smem:$0x3FD2] =	sst s25  }
0xa7: {  	s6 =	sshll.u32 s26, $0x1;
	_ =	strace $0x80000049;
	[dreg:$0x1] =	wrdreg $0xFFFFFFFF  }
0xa8: {  	s28 =	simm.s32 $_size_execute0_lowered;
	s4 =	sadd.s32 s4, s6;
	[dreg:$0x0] =	wrdreg $0x0  }
0xa9: {  	s6 =	sshll.u32 s28, $0x1;
	[dreg:$0x2] =	wrdreg s4  }
0xaa: {  	[dreg:$0x3] =	wrdreg s6  }
0xab: {  	[dreg:$0x4] =	wrdreg $0xC0  }
0xac: {  	_ =	task [dreg:s8], $0x5FFFF  }
0xad: {  	[dreg:$0x1] =	wrdreg $0xFFFFFFFF  }
0xae: {  	[dreg:$0x0] =	wrdreg $0x60  }
0xaf: {  	[dreg:$0x2] =	wrdreg s24  }
0xb0: {  	[dreg:$0x3] =	wrdreg s2  }
0xb1: {  	[dreg:$0x4] =	wrdreg s18  }
0xb2: {  	[dreg:$0x5] =	wrdreg $0x9  }
0xb3: {  	_ =	task.clear_ibuf [dreg:s8], $0x6FFFF;
	_ =	strace $0x90000049  }
0xb4: {  	s29 =	simm.s32 $0x9;
	_ =	strace $0x8000004B  }
0xb5: {  	_ =	swait.ge [sflag:s29], $0x1  }
0xb6: {  	[sflag:s29] =	ssyncadd.s32 $0xFFFFFFFF  }
0xb7: {  	_ =	strace $0x9000004B  }
0xb8: {  	_ =	sfence  }
0xb9: {  	s30 =	sld [smem:$0x0];
	_ =	sdelay $0x2  }
0xba: {  	s31 =	sshll.u32 s1, $0xD;
	s1 =	sshrl.u32 s1, $0x2  }
0xbb: {  	s3 =	sand.u32 $0x4000, s31;
	s1 =	sadd.s32 s1, s30  }
0xbc: {  	s0 =	sor.u32 s3, s0;
	s1 =	sshll.u32 s1, $0x11  }
0xbd: {  	s0 =	sor.u32 s1, s0  }
0xbe: {  	s0 =	sadd.s32 $0x8F2B, s0  }
0xbf: {  	[sflag:s0] =	ssyncadd.remote.s32 $0x1  }
0xc0: {  	_ =	sfence.sel $0xFFFF  }
0xc1: {  	[dreg:$0x0] =	wrdreg $0xFFFFFFFF;
	(pc) =	sbr.abs _section_cstart, $3  }
0xc2: {  	[dreg:$0x1] =	wrdreg $0xFFFFFFFF  }
0xc3: {  	_ =	task.clear_ibuf [dreg:s8], $0x2FFFF;
	_ =	strace $0x9FFFFFFF  }
0xc4: {  	(tm) =	ssettm $0x7FFFFFFF  }
0xc5: {  	_ =	shalt  }
tec
execute0_lowered:
.L_overlay_start_1:
0x0: {  	(tag) =	ssettag $0x1  }
0x1: {  	s0 =	srdreg.scid;
	s1 =	rddreg [dreg:$0x0]  }
0x2: {  	s3 =	stileid.u32;
	s7 =	rddreg [dreg:$0x1]  }
0x3: {  	s4 =	simm.s32 $0x0;
	s12 =	simm.s32 $0xC800;
	s22 =	simm.s32 $0xF000  }
0x4: {  	s11 =	simm.s32 $0x11800;
	s18 =	simm.s32 $0x1;
	s19 =	simm.s32 $0x5  }
0x5: {  	s20 =	simm.s32 $0x14000;
	s30 =	simm.s32 $0xB800;
	s31 =	simm.s32 $0xC000  }
0x6: {  	s13 =	simm.s32 $0x4;
	s14 =	simm.s32 $0x8;
	s16 =	simm.s32 $0x0  }
0x7: {  	s0 =	sand.u32 $0x1, s0;
	[smem:$0x7FF] =	sst s4;
	s5 =	sadd.s32 $0x6200, s1  }
0x8: {  	s6 =	sadd.s32 $0x7200, s1;
	s2 =	sshll.u32 s0, $0x4;
	s0 =	ssub.s32 $0x2, s0  }
0x9: {  	s3 =	sor.u32 s3, s2;
	s2 =	rddreg [dreg:$0x2];
	s10 =	sshrl.u32 s0, $0x1  }
0xa: {  	_ =	strace $0x8000004A;
	s3 =	smul.u32 $0x1388, s3;
	s0 =	ssub.s32 s0, s10  }
.Ltmp0:
0xb: {  	s10 =	simm.s32 $0xA;
	s0 =	smax.u32 s0, $0x1;
	(pc) =	sbr.rel .LBB2_1-.Ltmp0, $4  }
0xc: {  	s8 =	sshrl.u32 s3, $0x3;
	[dreg:$0x6] =	wrdreg s0;
	s0 =	simm.s32 $0x2  }
0xd: {  	v2 =	vlaneseq.u32;
	s9 =	sadd.s32 s8, s1;
	s29 =	sadd.s32 s7, s8;
	s1 =	simm.s32 $0x6  }
0xe: {  	vm0 =	vmmov $0xffff;
	v1 =	vshrl.u32 v2, $0x3;
	s7 =	simm.s32 $0x9;
	s28 =	sadd.s32 $0x1200, s9;
	[dreg:$0x5] =	wrdreg s29  }
0xf: {  	v0 =	vand.u32 $0x7, v2;
	v2 =	vor.u32 $0x8, v2;
	v1 =	vmul.u32 $0x8, v1;
	s8 =	simm.s32 $0x3;
	s9 =	simm.s32 $0x7;
	[dreg:$0x4] =	wrdreg s28  }
.LBB2_23:
0x10: {  	s15 =	simm.s32 $0xC  }
0x11: {  	_ =	swait.ge [sflag:s15], $0x2800  }
0x12: {  	[sflag:s15] =	ssyncset.done $0x0  }
0x13: {  	[sflag:s15] =	ssyncadd.s32 $0xFFFFD800  }
0x14: {  	_ =	swait.ge [sflag:s7], $0x2800  }
0x15: {  	s16 =	rddreg [dreg:$0x7]  }
0x16: {  	s29 =	rddreg [dreg:$0x6];
	s16 =	sadd.s32 $0x1, s16  }
0x17: {  	p0 =	sne.s32 s16, s29  }
.Ltmp1:
0x18: {  	_ = 	snop;
	(pc) =	sbr.rel @!p0 .LBB2_24-.Ltmp1, $3  }
0x19: {  	_ =	sdelay $0x1  }
0x1a: {  	[sflag:s7] =	ssyncset.done $0x0  }
0x1b: {  	[sflag:s7] =	ssyncadd.s32 $0xFFFFD800  }
.LBB2_1:
0x1c: {  	[dreg:$0x7] =	wrdreg s16  }
0x1d: {  	s15 =	rddreg [dreg:$0x4];
	s28 =	simm.s32 $0xD  }
0x1e: {  	[tilespmem:s4], [sflag:$0xD] =	stream.linear.gather [hbm4b:s15+s4], $0x1388, $0x38;
	[tilespmem:$0x16800] =	vst v63  }
0x1f: {  	_ =	swait.ge [sflag:s28], $0x1388  }
0x20: {  	[sflag:s28] =	ssyncset.done $0x0  }
0x21: {  	s17 =	simm.s32 $0x1400;
	s29 =	rddreg [dreg:$0x5];
	[sflag:s28] =	ssyncadd.s32 $0xFFFFEC78  }
0x22: {  	[tilespmem:s17], [sflag:$0xD] =	stream.linear.gather [hbm4b:s29+s4], $0x1388, $0x38;
	[tilespmem:$0x16800] =	vst v63  }
0x23: {  	_ =	swait.ge [sflag:s28], $0x1388  }
0x24: {  	[sflag:s28] =	ssyncset.done $0x0  }
0x25: {  	[sflag:s28] =	ssyncadd.s32 $0xFFFFEC78  }
0x26: {  	v3 =	vld [tilespmem:$0x0];
	_ =	sdelay $0x4  }
0x27: {  	v4 =	vshll.u32 v3, $0x1  }
0x28: {  	v3 =	vand.u32 $0x7, v3;
	v4 =	vand.u32 $0xFFFFFFF0, v4  }
0x29: {  	v3 =	vor.u32 v3, v4  }
0x2a: {  	v4 =	vperm.xlane v3, v0;
	_ =	sdelay $0x1  }
0x2b: {  	v3 =	vperm.xlane v3, v2;
	v4 =	vadd.s32 v1, v4;
	_ =	sdelay $0x1  }
0x2c: {  	v3 =	vadd.s32 v1, v3;
	_ =	sdelay $0x2  }
0x2d: {  	[tilespmem:s12], [sflag:$0x1] =	stream.indirect_vreg.gather [hbm4b:s5+s4], $0x80, v4, vm0, $0xb8;
	[tilespmem:$0x16800] =	vst v63  }
0x2e: {  	s16 =	simm.s32 $0xD000  }
0x2f: {  	[tilespmem:s16], [sflag:$0x1] =	stream.indirect_vreg.gather [hbm4b:s5+s4], $0x80, v3, vm0, $0xb8;
	[tilespmem:$0x16800] =	vst v63  }
0x30: {  	v3 =	vld [tilespmem:$0x10];
	_ =	sdelay $0x4  }
0x31: {  	v53 =	vshll.u32 v3, $0x1  }
0x32: {  	v3 =	vand.u32 $0x7, v3;
	v4 =	vand.u32 $0xFFFFFFF0, v53  }
0x33: {  	v3 =	vor.u32 v3, v4  }
0x34: {  	v4 =	vperm.xlane v3, v0;
	_ =	sdelay $0x1  }
0x35: {  	v3 =	vperm.xlane v3, v2;
	v4 =	vadd.s32 v1, v4;
	_ =	sdelay $0x1  }
0x36: {  	v3 =	vadd.s32 v1, v3;
	_ =	sdelay $0x1  }
0x37: {  	s17 =	simm.s32 $0xD800  }
0x38: {  	[tilespmem:s17], [sflag:$0x1] =	stream.indirect_vreg.gather [hbm4b:s5+s4], $0x80, v4, vm0, $0xb8;
	[tilespmem:$0x16800] =	vst v63  }
0x39: {  	s21 =	simm.s32 $0xE000  }
0x3a: {  	[tilespmem:s21], [sflag:$0x1] =	stream.indirect_vreg.gather [hbm4b:s5+s4], $0x80, v3, vm0, $0xb8;
	[tilespmem:$0x16800] =	vst v63  }
0x3b: {  	v3 =	vld.msk [tilespmem:$0x20], $0xff;
	_ =	sdelay $0x4  }
0x3c: {  	v54 =	vshll.u32 v3, $0x1  }
0x3d: {  	v3 =	vand.u32 $0x7, v3;
	v4 =	vand.u32 $0xFFFFFFF0, v54  }
0x3e: {  	v3 =	vor.u32 v3, v4  }
0x3f: {  	v3 =	vperm.xlane v3, v0;
	_ =	sdelay $0x1  }
0x40: {  	v3 =	vadd.s32 v1, v3;
	_ =	sdelay $0x3  }
0x41: {  	s23 =	simm.s32 $0xE800  }
0x42: {  	[tilespmem:s23], [sflag:$0x1] =	stream.indirect_vreg.gather [hbm4b:s5+s4], $0x80, v3, vm0, $0xb8;
	[tilespmem:$0x16800] =	vst v63  }
0x43: {  	v3 =	vld [tilespmem:$0x1400];
	_ =	sdelay $0x4  }
0x44: {  	v55 =	vshll.u32 v3, $0x1  }
0x45: {  	v3 =	vand.u32 $0x7, v3;
	v4 =	vand.u32 $0xFFFFFFF0, v55  }
0x46: {  	v3 =	vor.u32 v3, v4  }
0x47: {  	v4 =	vperm.xlane v3, v0;
	_ =	sdelay $0x1  }
0x48: {  	v3 =	vperm.xlane v3, v2;
	v4 =	vadd.s32 v1, v4;
	_ =	sdelay $0x1  }
0x49: {  	v3 =	vadd.s32 v1, v3;
	_ =	sdelay $0x1  }
0x4a: {  	s24 =	simm.s32 $0x2800  }
0x4b: {  	[tilespmem:s24], [sflag:$0x5] =	stream.indirect_vreg.gather [hbm4b:s6+s4], $0x80, v4, vm0, $0xb8;
	[tilespmem:$0x16800] =	vst v63  }
0x4c: {  	s25 =	simm.s32 $0x3000  }
0x4d: {  	[tilespmem:s25], [sflag:$0x5] =	stream.indirect_vreg.gather [hbm4b:s6+s4], $0x80, v3, vm0, $0xb8;
	[tilespmem:$0x16800] =	vst v63  }
0x4e: {  	v3 =	vld [tilespmem:$0x1410];
	_ =	sdelay $0x4  }
0x4f: {  	v56 =	vshll.u32 v3, $0x1  }
0x50: {  	v3 =	vand.u32 $0x7, v3;
	v4 =	vand.u32 $0xFFFFFFF0, v56  }
0x51: {  	v3 =	vor.u32 v3, v4  }
0x52: {  	v4 =	vperm.xlane v3, v0;
	_ =	sdelay $0x1  }
0x53: {  	v3 =	vperm.xlane v3, v2;
	v4 =	vadd.s32 v1, v4;
	_ =	sdelay $0x1  }
0x54: {  	v3 =	vadd.s32 v1, v3;
	_ =	sdelay $0x1  }
0x55: {  	s26 =	simm.s32 $0x3800  }
0x56: {  	[tilespmem:s26], [sflag:$0x5] =	stream.indirect_vreg.gather [hbm4b:s6+s4], $0x80, v4, vm0, $0xb8;
	[tilespmem:$0x16800] =	vst v63  }
0x57: {  	s28 =	simm.s32 $0x4000  }
0x58: {  	[tilespmem:s28], [sflag:$0x5] =	stream.indirect_vreg.gather [hbm4b:s6+s4], $0x80, v3, vm0, $0xb8;
	[tilespmem:$0x16800] =	vst v63  }
0x59: {  	v3 =	vld.msk [tilespmem:$0x1420], $0xff;
	_ =	sdelay $0x4  }
0x5a: {  	v57 =	vshll.u32 v3, $0x1  }
0x5b: {  	v3 =	vand.u32 $0x7, v3;
	v4 =	vand.u32 $0xFFFFFFF0, v57  }
0x5c: {  	v3 =	vor.u32 v3, v4  }
0x5d: {  	v3 =	vperm.xlane v3, v0;
	_ =	sdelay $0x1  }
0x5e: {  	v3 =	vadd.s32 v1, v3;
	_ =	sdelay $0x3  }
0x5f: {  	s29 =	simm.s32 $0x4800  }
0x60: {  	[tilespmem:s29], [sflag:$0x5] =	stream.indirect_vreg.gather [hbm4b:s6+s4], $0x80, v3, vm0, $0xb8;
	[tilespmem:$0x16800] =	vst v63  }
0x61: {  	v3 =	vld [tilespmem:$0x28];
	_ =	sdelay $0x4  }
0x62: {  	v58 =	vshll.u32 v3, $0x1  }
0x63: {  	v3 =	vand.u32 $0x7, v3;
	v4 =	vand.u32 $0xFFFFFFF0, v58  }
0x64: {  	v3 =	vor.u32 v3, v4  }
0x65: {  	v4 =	vperm.xlane v3, v0;
	_ =	sdelay $0x1  }
0x66: {  	v3 =	vperm.xlane v3, v2;
	v4 =	vadd.s32 v1, v4;
	_ =	sdelay $0x1  }
0x67: {  	v3 =	vadd.s32 v1, v3;
	_ =	sdelay $0x2  }
0x68: {  	[tilespmem:s22], [sflag:$0x2] =	stream.indirect_vreg.gather [hbm4b:s5+s4], $0x80, v4, vm0, $0xb8;
	[tilespmem:$0x16800] =	vst v63  }
0x69: {  	s16 =	simm.s32 $0xF800  }
0x6a: {  	[tilespmem:s16], [sflag:$0x2] =	stream.indirect_vreg.gather [hbm4b:s5+s4], $0x80, v3, vm0, $0xb8;
	[tilespmem:$0x16800] =	vst v63  }
0x6b: {  	v3 =	vld [tilespmem:$0x38];
	_ =	sdelay $0x4  }
0x6c: {  	v59 =	vshll.u32 v3, $0x1  }
0x6d: {  	v3 =	vand.u32 $0x7, v3;
	v4 =	vand.u32 $0xFFFFFFF0, v59  }
0x6e: {  	v3 =	vor.u32 v3, v4  }
0x6f: {  	v4 =	vperm.xlane v3, v0;
	_ =	sdelay $0x1  }
0x70: {  	v3 =	vperm.xlane v3, v2;
	v4 =	vadd.s32 v1, v4;
	_ =	sdelay $0x1  }
0x71: {  	v3 =	vadd.s32 v1, v3;
	_ =	sdelay $0x1  }
0x72: {  	s17 =	simm.s32 $0x10000  }
0x73: {  	[tilespmem:s17], [sflag:$0x2] =	stream.indirect_vreg.gather [hbm4b:s5+s4], $0x80, v4, vm0, $0xb8;
	[tilespmem:$0x16800] =	vst v63  }
0x74: {  	s21 =	simm.s32 $0x10800  }
0x75: {  	[tilespmem:s21], [sflag:$0x2] =	stream.indirect_vreg.gather [hbm4b:s5+s4], $0x80, v3, vm0, $0xb8;
	[tilespmem:$0x16800] =	vst v63  }
0x76: {  	v3 =	vld.msk [tilespmem:$0x48], $0xff;
	_ =	sdelay $0x4  }
0x77: {  	v60 =	vshll.u32 v3, $0x1  }
0x78: {  	v3 =	vand.u32 $0x7, v3;
	v4 =	vand.u32 $0xFFFFFFF0, v60  }
0x79: {  	v3 =	vor.u32 v3, v4  }
0x7a: {  	v3 =	vperm.xlane v3, v0;
	_ =	sdelay $0x1  }
0x7b: {  	v3 =	vadd.s32 v1, v3;
	_ =	sdelay $0x3  }
0x7c: {  	s23 =	simm.s32 $0x11000  }
0x7d: {  	[tilespmem:s23], [sflag:$0x2] =	stream.indirect_vreg.gather [hbm4b:s5+s4], $0x80, v3, vm0, $0xb8;
	[tilespmem:$0x16800] =	vst v63  }
0x7e: {  	v3 =	vld [tilespmem:$0x1428];
	_ =	sdelay $0x4  }
0x7f: {  	v61 =	vshll.u32 v3, $0x1  }
0x80: {  	v3 =	vand.u32 $0x7, v3;
	v4 =	vand.u32 $0xFFFFFFF0, v61  }
0x81: {  	v3 =	vor.u32 v3, v4  }
0x82: {  	v4 =	vperm.xlane v3, v0;
	_ =	sdelay $0x1  }
0x83: {  	v3 =	vperm.xlane v3, v2;
	v4 =	vadd.s32 v1, v4;
	_ =	sdelay $0x1  }
0x84: {  	v3 =	vadd.s32 v1, v3;
	_ =	sdelay $0x1  }
0x85: {  	s24 =	simm.s32 $0x5000  }
0x86: {  	[tilespmem:s24], [sflag:$0x6] =	stream.indirect_vreg.gather [hbm4b:s6+s4], $0x80, v4, vm0, $0xb8;
	[tilespmem:$0x16800] =	vst v63  }
0x87: {  	s25 =	simm.s32 $0x5800  }
0x88: {  	[tilespmem:s25], [sflag:$0x6] =	stream.indirect_vreg.gather [hbm4b:s6+s4], $0x80, v3, vm0, $0xb8;
	[tilespmem:$0x16800] =	vst v63  }
0x89: {  	v3 =	vld [tilespmem:$0x1438];
	_ =	sdelay $0x4  }
0x8a: {  	v62 =	vshll.u32 v3, $0x1  }
0x8b: {  	v3 =	vand.u32 $0x7, v3;
	v4 =	vand.u32 $0xFFFFFFF0, v62  }
0x8c: {  	v3 =	vor.u32 v3, v4  }
0x8d: {  	v4 =	vperm.xlane v3, v0;
	_ =	sdelay $0x1  }
0x8e: {  	v3 =	vperm.xlane v3, v2;
	v4 =	vadd.s32 v1, v4;
	_ =	sdelay $0x1  }
0x8f: {  	v3 =	vadd.s32 v1, v3;
	_ =	sdelay $0x1  }
0x90: {  	s26 =	simm.s32 $0x6000  }
0x91: {  	[tilespmem:s26], [sflag:$0x6] =	stream.indirect_vreg.gather [hbm4b:s6+s4], $0x80, v4, vm0, $0xb8;
	[tilespmem:$0x16800] =	vst v63  }
0x92: {  	s28 =	simm.s32 $0x6800  }
0x93: {  	[tilespmem:s28], [sflag:$0x6] =	stream.indirect_vreg.gather [hbm4b:s6+s4], $0x80, v3, vm0, $0xb8;
	[tilespmem:$0x16800] =	vst v63  }
0x94: {  	v3 =	vld.msk [tilespmem:$0x1448], $0xff;
	_ =	sdelay $0x4  }
0x95: {  	v63 =	vshll.u32 v3, $0x1  }
0x96: {  	v3 =	vand.u32 $0x7, v3;
	v4 =	vand.u32 $0xFFFFFFF0, v63  }
0x97: {  	v3 =	vor.u32 v3, v4  }
0x98: {  	v3 =	vperm.xlane v3, v0;
	_ =	sdelay $0x1  }
0x99: {  	v3 =	vadd.s32 v1, v3  }
.Ltmp2:
0x9a: {  	_ = 	snop;
	(pc) =	sbr.rel .LBB2_2-.Ltmp2, $3  }
0x9b: {  	_ =	sdelay $0x1  }
0x9c: {  	s15 =	simm.s32 $0x0;
	s29 =	simm.s32 $0x7000  }
0x9d: {  	[tilespmem:s29], [sflag:$0x6] =	stream.indirect_vreg.gather [hbm4b:s6+s4], $0x80, v3, vm0, $0xb8;
	[tilespmem:$0x16800] =	vst v63  }
.LBB2_22:
0x9e: {  	s15 =	sadd.s32 $0x1, s15  }
0x9f: {  	p0 =	sne.s32 s15, $0x20  }
.Ltmp3:
0xa0: {  	_ = 	snop;
	(pc) =	sbr.rel @!p0 .LBB2_23-.Ltmp3, $1  }
0xa1: {  	_ =	sdelay $0x3  }
.LBB2_2:
0xa2: {  	s16 =	sshll.u32 s15, $0x2;
	p1 =	seq.s32 s15, $0x0  }
0xa3: {  	s17 =	sor.u32 @!p1 $0x2, s16  }
0xa4: {  	p0 =	sgt.u32 @!p1 s17, $0x7C  }
0xa5: {  	p2 =	por p1, !p0  }
.Ltmp4:
0xa6: {  	_ = 	snop;
	(pc) =	sbr.rel @!p2 .LBB2_4-.Ltmp4, $4  }
0xa7: {  	s21 =	simm.s32 @!p1 $0xB  }
0xa8: {  	_ =	swait.ge @!p1 [sflag:s21], $0x2800  }
0xa9: {  	[sflag:s21] =	ssyncset.done @!p1 $0x0  }
0xaa: {  	p0 =	por @!p1 $0x0, $0x0;
	[sflag:s21] =	ssyncadd.s32 @!p1 $0xFFFFD800  }
0xab: {  	s17 =	simm.s32 @p1 $0x2  }
0xac: {  	s21 =	smul.u32 $0x28, s17;
	_ =	sdelay $0x1  }
0xad: {  	v3 =	vld [tilespmem:s21+$0x0];
	_ =	sdelay $0x4  }
0xae: {  	v4 =	vshll.u32 v3, $0x1  }
0xaf: {  	v3 =	vand.u32 $0x7, v3;
	v4 =	vand.u32 $0xFFFFFFF0, v4  }
0xb0: {  	v3 =	vor.u32 v3, v4  }
0xb1: {  	v4 =	vperm.xlane v3, v0;
	_ =	sdelay $0x1  }
0xb2: {  	v3 =	vperm.xlane v3, v2;
	v4 =	vadd.s32 v1, v4;
	_ =	sdelay $0x1  }
0xb3: {  	v3 =	vadd.s32 v1, v3;
	_ =	sdelay $0x2  }
0xb4: {  	[tilespmem:s11], [sflag:$0x3] =	stream.indirect_vreg.gather [hbm4b:s5+s4], $0x80, v4, vm0, $0xb8;
	[tilespmem:$0x16800] =	vst v63  }
0xb5: {  	s23 =	simm.s32 $0x12000  }
0xb6: {  	[tilespmem:s23], [sflag:$0x3] =	stream.indirect_vreg.gather [hbm4b:s5+s4], $0x80, v3, vm0, $0xb8;
	[tilespmem:$0x16800] =	vst v63  }
0xb7: {  	v3 =	vld [tilespmem:s21+$0x10];
	_ =	sdelay $0x4  }
0xb8: {  	v59 =	vshll.u32 v3, $0x1  }
0xb9: {  	v3 =	vand.u32 $0x7, v3;
	v4 =	vand.u32 $0xFFFFFFF0, v59  }
0xba: {  	v3 =	vor.u32 v3, v4  }
0xbb: {  	v4 =	vperm.xlane v3, v0;
	_ =	sdelay $0x1  }
0xbc: {  	v3 =	vperm.xlane v3, v2;
	v4 =	vadd.s32 v1, v4;
	_ =	sdelay $0x1  }
0xbd: {  	v3 =	vadd.s32 v1, v3;
	_ =	sdelay $0x1  }
0xbe: {  	s26 =	simm.s32 $0x12800  }
0xbf: {  	[tilespmem:s26], [sflag:$0x3] =	stream.indirect_vreg.gather [hbm4b:s5+s4], $0x80, v4, vm0, $0xb8;
	[tilespmem:$0x16800] =	vst v63  }
0xc0: {  	s28 =	simm.s32 $0x13000  }
0xc1: {  	[tilespmem:s28], [sflag:$0x3] =	stream.indirect_vreg.gather [hbm4b:s5+s4], $0x80, v3, vm0, $0xb8;
	[tilespmem:$0x16800] =	vst v63  }
0xc2: {  	v3 =	vld.msk [tilespmem:s21+$0x20], $0xff;
	_ =	sdelay $0x4  }
0xc3: {  	v60 =	vshll.u32 v3, $0x1  }
0xc4: {  	v3 =	vand.u32 $0x7, v3;
	v4 =	vand.u32 $0xFFFFFFF0, v60  }
0xc5: {  	v3 =	vor.u32 v3, v4  }
0xc6: {  	v3 =	vperm.xlane v3, v0;
	_ =	sdelay $0x1  }
0xc7: {  	v3 =	vadd.s32 v1, v3;
	_ =	sdelay $0x3  }
0xc8: {  	s29 =	simm.s32 $0x13800  }
0xc9: {  	[tilespmem:s29], [sflag:$0x3] =	stream.indirect_vreg.gather [hbm4b:s5+s4], $0x80, v3, vm0, $0xb8;
	[tilespmem:$0x16800] =	vst v63  }
0xca: {  	v3 =	vld [tilespmem:s21+$0x1400];
	_ =	sdelay $0x4  }
0xcb: {  	v61 =	vshll.u32 v3, $0x1  }
0xcc: {  	v3 =	vand.u32 $0x7, v3;
	v4 =	vand.u32 $0xFFFFFFF0, v61  }
0xcd: {  	v3 =	vor.u32 v3, v4  }
0xce: {  	v4 =	vperm.xlane v3, v0;
	_ =	sdelay $0x1  }
0xcf: {  	v3 =	vperm.xlane v3, v2;
	v4 =	vadd.s32 v1, v4;
	_ =	sdelay $0x1  }
0xd0: {  	v3 =	vadd.s32 v1, v3;
	_ =	sdelay $0x1  }
0xd1: {  	s24 =	simm.s32 $0x7800  }
0xd2: {  	[tilespmem:s24], [sflag:$0x7] =	stream.indirect_vreg.gather [hbm4b:s6+s4], $0x80, v4, vm0, $0xb8;
	[tilespmem:$0x16800] =	vst v63  }
0xd3: {  	s25 =	simm.s32 $0x8000  }
0xd4: {  	[tilespmem:s25], [sflag:$0x7] =	stream.indirect_vreg.gather [hbm4b:s6+s4], $0x80, v3, vm0, $0xb8;
	[tilespmem:$0x16800] =	vst v63  }
0xd5: {  	v3 =	vld [tilespmem:s21+$0x1410];
	_ =	sdelay $0x4  }
0xd6: {  	v62 =	vshll.u32 v3, $0x1  }
0xd7: {  	v3 =	vand.u32 $0x7, v3;
	v4 =	vand.u32 $0xFFFFFFF0, v62  }
0xd8: {  	v3 =	vor.u32 v3, v4  }
0xd9: {  	v4 =	vperm.xlane v3, v0;
	_ =	sdelay $0x1  }
0xda: {  	v3 =	vperm.xlane v3, v2;
	v4 =	vadd.s32 v1, v4;
	_ =	sdelay $0x1  }
0xdb: {  	v3 =	vadd.s32 v1, v3;
	_ =	sdelay $0x1  }
0xdc: {  	s26 =	simm.s32 $0x8800  }
0xdd: {  	[tilespmem:s26], [sflag:$0x7] =	stream.indirect_vreg.gather [hbm4b:s6+s4], $0x80, v4, vm0, $0xb8;
	[tilespmem:$0x16800] =	vst v63  }
0xde: {  	s28 =	simm.s32 $0x9000  }
0xdf: {  	[tilespmem:s28], [sflag:$0x7] =	stream.indirect_vreg.gather [hbm4b:s6+s4], $0x80, v3, vm0, $0xb8;
	[tilespmem:$0x16800] =	vst v63  }
0xe0: {  	v3 =	vld.msk [tilespmem:s21+$0x1420], $0xff;
	_ =	sdelay $0x4  }
0xe1: {  	v63 =	vshll.u32 v3, $0x1  }
0xe2: {  	v3 =	vand.u32 $0x7, v3;
	v4 =	vand.u32 $0xFFFFFFF0, v63  }
0xe3: {  	v3 =	vor.u32 v3, v4  }
0xe4: {  	v3 =	vperm.xlane v3, v0;
	_ =	sdelay $0x1  }
0xe5: {  	v3 =	vadd.s32 v1, v3;
	_ =	sdelay $0x3  }
0xe6: {  	p0 =	por $0x1, $0x1;
	s29 =	simm.s32 $0x9800  }
0xe7: {  	[tilespmem:s29], [sflag:$0x7] =	stream.indirect_vreg.gather [hbm4b:s6+s4], $0x80, v3, vm0, $0xb8;
	[tilespmem:$0x16800] =	vst v63  }
.LBB2_4:
0xe8: {  	_ =	swait.ge [sflag:s18], $0x2800  }
0xe9: {  	[sflag:s18] =	ssyncset.done $0x0  }
0xea: {  	[sflag:s18] =	ssyncadd.s32 $0xFFFFD800  }
0xeb: {  	s21 =	simm.s32 $0x0;
	_ =	swait.ge [sflag:s19], $0x2800  }
0xec: {  	s23 =	sand.u32 $0x3800, s21;
	s21 =	sand.u32 $0x380, s21;
	[sflag:s19] =	ssyncset.done $0x0  }
0xed: {  	s21 =	sor.u32 s21, s23;
	[sflag:s19] =	ssyncadd.s32 $0xFFFFD800  }
0xee: {  	v3 =	vld [tilespmem:s21+$0x2C70]  }
0xef: {  	v4 =	vld [tilespmem:s21+$0x2800]  }
0xf0: {  	v5 =	vld [tilespmem:s21+$0x2810]  }
0xf1: {  	v6 =	vld [tilespmem:s21+$0x2820]  }
0xf2: {  	v7 =	vld [tilespmem:s21+$0x2830]  }
0xf3: {  	v8 =	vld [tilespmem:s21+$0x2840]  }
0xf4: {  	v9 =	vld [tilespmem:s21+$0x2850]  }
0xf5: {  	v10 =	vld [tilespmem:s21+$0x2860]  }
0xf6: {  	v11 =	vld [tilespmem:s21+$0x2870]  }
0xf7: {  	v12 =	vld [tilespmem:s21+$0x2C00]  }
0xf8: {  	v13 =	vld [tilespmem:s21+$0x2C10]  }
0xf9: {  	v14 =	vld [tilespmem:s21+$0x2C20]  }
0xfa: {  	v15 =	vld [tilespmem:s21+$0x2C30]  }
0xfb: {  	v16 =	vld [tilespmem:s21+$0x2C40]  }
0xfc: {  	v17 =	vld [tilespmem:s21+$0x2C50]  }
0xfd: {  	[tilespmem:s21+$0xCC70] =	vst.add.f32.msk $0xffff, v3  }
0xfe: {  	v3 =	vld [tilespmem:s21+$0x2C60]  }
0xff: {  	[tilespmem:s21+$0xC800] =	vst.add.f32.msk $0xffff, v4  }
0x100: {  	[tilespmem:s21+$0xC810] =	vst.add.f32.msk $0xffff, v5  }
0x101: {  	[tilespmem:s21+$0xC820] =	vst.add.f32.msk $0xffff, v6  }
0x102: {  	[tilespmem:s21+$0xC830] =	vst.add.f32.msk $0xffff, v7  }
0x103: {  	[tilespmem:s21+$0xC840] =	vst.add.f32.msk $0xffff, v8  }
0x104: {  	[tilespmem:s21+$0xC850] =	vst.add.f32.msk $0xffff, v9  }
0x105: {  	[tilespmem:s21+$0xC860] =	vst.add.f32.msk $0xffff, v10  }
0x106: {  	[tilespmem:s21+$0xC870] =	vst.add.f32.msk $0xffff, v11  }
0x107: {  	[tilespmem:s21+$0xCC00] =	vst.add.f32.msk $0xffff, v12  }
0x108: {  	[tilespmem:s21+$0xCC10] =	vst.add.f32.msk $0xffff, v13  }
0x109: {  	[tilespmem:s21+$0xCC20] =	vst.add.f32.msk $0xffff, v14  }
0x10a: {  	[tilespmem:s21+$0xCC30] =	vst.add.f32.msk $0xffff, v15  }
0x10b: {  	s24 =	simm.s32 $0x100;
	s23 =	simm.s32 $0x80;
	[tilespmem:s21+$0xCC40] =	vst.add.f32.msk $0xffff, v16  }
0x10c: {  	s25 =	sand.u32 $0x3800, s24;
	s24 =	simm.s32 $0x200;
	s26 =	sand.u32 $0x380, s23;
	[tilespmem:s21+$0xCC50] =	vst.add.f32.msk $0xffff, v17  }
.LBB2_5:
0x10d: {  	p2 =	sne.s32 s24, $0x2700;
	[tilespmem:s21+$0xCC60] =	vst.add.f32.msk $0xffff, v3;
	s21 =	sor.u32 s26, s25  }
0x10e: {  	v3 =	vld [tilespmem:s21+$0x2C70]  }
0x10f: {  	v4 =	vld [tilespmem:s21+$0x2800]  }
0x110: {  	v5 =	vld [tilespmem:s21+$0x2810]  }
0x111: {  	v6 =	vld [tilespmem:s21+$0x2820]  }
0x112: {  	v7 =	vld [tilespmem:s21+$0x2830]  }
0x113: {  	[tilespmem:s21+$0xCC70] =	vst.add.f32.msk $0xffff, v3  }
0x114: {  	v8 =	vld [tilespmem:s21+$0x2840]  }
0x115: {  	v9 =	vld [tilespmem:s21+$0x2850]  }
0x116: {  	v10 =	vld [tilespmem:s21+$0x2860]  }
0x117: {  	v11 =	vld [tilespmem:s21+$0x2870]  }
0x118: {  	v12 =	vld [tilespmem:s21+$0x2C00]  }
0x119: {  	v13 =	vld [tilespmem:s21+$0x2C10]  }
0x11a: {  	v14 =	vld [tilespmem:s21+$0x2C20]  }
0x11b: {  	v15 =	vld [tilespmem:s21+$0x2C30]  }
0x11c: {  	v16 =	vld [tilespmem:s21+$0x2C40]  }
0x11d: {  	v17 =	vld [tilespmem:s21+$0x2C50]  }
0x11e: {  	v3 =	vld [tilespmem:s21+$0x2C60]  }
0x11f: {  	[tilespmem:s21+$0xC800] =	vst.add.f32.msk $0xffff, v4  }
0x120: {  	[tilespmem:s21+$0xC810] =	vst.add.f32.msk $0xffff, v5  }
0x121: {  	[tilespmem:s21+$0xC820] =	vst.add.f32.msk $0xffff, v6  }
0x122: {  	[tilespmem:s21+$0xC830] =	vst.add.f32.msk $0xffff, v7  }
0x123: {  	[tilespmem:s21+$0xC840] =	vst.add.f32.msk $0xffff, v8  }
0x124: {  	[tilespmem:s21+$0xC850] =	vst.add.f32.msk $0xffff, v9  }
0x125: {  	[tilespmem:s21+$0xC860] =	vst.add.f32.msk $0xffff, v10  }
0x126: {  	[tilespmem:s21+$0xC870] =	vst.add.f32.msk $0xffff, v11  }
0x127: {  	[tilespmem:s21+$0xCC00] =	vst.add.f32.msk $0xffff, v12  }
.Ltmp5:
0x128: {  	[tilespmem:s21+$0xCC10] =	vst.add.f32.msk $0xffff, v13;
	(pc) =	sbr.rel @p2 .LBB2_5-.Ltmp5, $4  }
0x129: {  	[tilespmem:s21+$0xCC20] =	vst.add.f32.msk $0xffff, v14  }
0x12a: {  	[tilespmem:s21+$0xCC30] =	vst.add.f32.msk $0xffff, v15  }
0x12b: {  	s23 =	sadd.s32 $0x80, s23;
	[tilespmem:s21+$0xCC40] =	vst.add.f32.msk $0xffff, v16  }
0x12c: {  	s25 =	sand.u32 $0x3800, s24;
	s24 =	sadd.s32 $0x100, s24;
	s26 =	sand.u32 $0x380, s23;
	[tilespmem:s21+$0xCC50] =	vst.add.f32.msk $0xffff, v17  }
0x12d: {  	s23 =	sor.u32 s26, s25;
	[tilespmem:s21+$0xCC60] =	vst.add.f32.msk $0xffff, v3  }
0x12e: {  	v3 =	vld [tilespmem:s23+$0x2C70]  }
0x12f: {  	v4 =	vld [tilespmem:s23+$0x2800]  }
0x130: {  	v5 =	vld [tilespmem:s23+$0x2810]  }
0x131: {  	v6 =	vld [tilespmem:s23+$0x2820]  }
0x132: {  	v7 =	vld [tilespmem:s23+$0x2830]  }
0x133: {  	v8 =	vld [tilespmem:s23+$0x2850]  }
0x134: {  	v9 =	vld [tilespmem:s23+$0x2860]  }
0x135: {  	v10 =	vld [tilespmem:s23+$0x2870]  }
0x136: {  	v11 =	vld [tilespmem:s23+$0x2C00]  }
0x137: {  	v12 =	vld [tilespmem:s23+$0x2C10]  }
0x138: {  	v13 =	vld [tilespmem:s23+$0x2C20]  }
0x139: {  	v14 =	vld [tilespmem:s23+$0x2C30]  }
0x13a: {  	v15 =	vld [tilespmem:s23+$0x2C40]  }
0x13b: {  	v16 =	vld [tilespmem:s23+$0x2C50]  }
0x13c: {  	v17 =	vld [tilespmem:s23+$0x2C60]  }
0x13d: {  	[tilespmem:s23+$0xCC70] =	vst.add.f32.msk $0xffff, v3  }
0x13e: {  	v3 =	vld [tilespmem:s23+$0x2840]  }
0x13f: {  	[tilespmem:s23+$0xC800] =	vst.add.f32.msk $0xffff, v4  }
0x140: {  	[tilespmem:s23+$0xC810] =	vst.add.f32.msk $0xffff, v5  }
0x141: {  	[tilespmem:s23+$0xC820] =	vst.add.f32.msk $0xffff, v6  }
0x142: {  	[tilespmem:s23+$0xC830] =	vst.add.f32.msk $0xffff, v7  }
0x143: {  	[tilespmem:s23+$0xC850] =	vst.add.f32.msk $0xffff, v8  }
0x144: {  	[tilespmem:s23+$0xC860] =	vst.add.f32.msk $0xffff, v9  }
0x145: {  	[tilespmem:s23+$0xC870] =	vst.add.f32.msk $0xffff, v10  }
0x146: {  	[tilespmem:s23+$0xCC00] =	vst.add.f32.msk $0xffff, v11  }
0x147: {  	[tilespmem:s23+$0xCC10] =	vst.add.f32.msk $0xffff, v12  }
0x148: {  	[tilespmem:s23+$0xCC20] =	vst.add.f32.msk $0xffff, v13  }
0x149: {  	[tilespmem:s23+$0xCC30] =	vst.add.f32.msk $0xffff, v14  }
0x14a: {  	[tilespmem:s23+$0xCC40] =	vst.add.f32.msk $0xffff, v15  }
0x14b: {  	[tilespmem:s23+$0xCC50] =	vst.add.f32.msk $0xffff, v16  }
0x14c: {  	[tilespmem:s23+$0xCC60] =	vst.add.f32.msk $0xffff, v17  }
0x14d: {  	[tilespmem:s23+$0xC840] =	vst.add.f32.msk $0xffff, v3;
	s23 =	sor.u32 $0x1, s16  }
0x14e: {  	s21 =	smul.u32 $0xA0, s15;
	p2 =	sgt.u32 s23, $0x7C  }
.Ltmp6:
0x14f: {  	_ = 	snop;
	(pc) =	sbr.rel @p2 .LBB2_10-.Ltmp6, $4  }
0x150: {  	s24 =	sadd.s32 s3, s21  }
0x151: {  	s24 =	sshll.u32 s24, $0x5  }
0x152: {  	s29 =	sadd.s32 s2, s24  }
0x153: {  	[hbm4b:s29+s4] =	stream.linear.scatter [tilespmem:s12], [sflag:$0x9], $0x2800, $0x38;
	[tilespmem:$0x16800] =	vst v63  }
0x154: {  	s24 =	simm.s32 @!p1 $0xC  }
0x155: {  	_ =	swait.ge @!p1 [sflag:s24], $0x2800  }
0x156: {  	s25 =	sadd.s32 @!p1 $0x78, s21;
	[sflag:s24] =	ssyncset.done @!p1 $0x0  }
0x157: {  	s25 =	simm.s32 @p1 $0x78;
	[sflag:s24] =	ssyncadd.s32 @!p1 $0xFFFFD800  }
0x158: {  	v3 =	vld [tilespmem:s25+$0x0];
	_ =	sdelay $0x4  }
0x159: {  	v4 =	vshll.u32 v3, $0x1  }
0x15a: {  	v3 =	vand.u32 $0x7, v3;
	v4 =	vand.u32 $0xFFFFFFF0, v4  }
0x15b: {  	v3 =	vor.u32 v3, v4  }
0x15c: {  	v4 =	vperm.xlane v3, v0;
	_ =	sdelay $0x1  }
0x15d: {  	v3 =	vperm.xlane v3, v2;
	v4 =	vadd.s32 v1, v4;
	_ =	sdelay $0x1  }
0x15e: {  	v3 =	vadd.s32 v1, v3;
	_ =	sdelay $0x1  }
0x15f: {  	s24 =	simm.s32 $0x0  }
0x160: {  	[tilespmem:s20], [sflag:$0x4] =	stream.indirect_vreg.gather [hbm4b:s5+s24], $0x80, v4, vm0, $0xb8;
	[tilespmem:$0x16800] =	vst v63  }
0x161: {  	s26 =	simm.s32 $0x14800  }
0x162: {  	[tilespmem:s26], [sflag:$0x4] =	stream.indirect_vreg.gather [hbm4b:s5+s24], $0x80, v3, vm0, $0xb8;
	[tilespmem:$0x16800] =	vst v63  }
0x163: {  	v3 =	vld [tilespmem:s25+$0x10];
	_ =	sdelay $0x4  }
0x164: {  	v4 =	vshll.u32 v3, $0x1  }
0x165: {  	v3 =	vand.u32 $0x7, v3;
	v4 =	vand.u32 $0xFFFFFFF0, v4  }
0x166: {  	v3 =	vor.u32 v3, v4  }
0x167: {  	v4 =	vperm.xlane v3, v0;
	_ =	sdelay $0x1  }
0x168: {  	v3 =	vperm.xlane v3, v2;
	v4 =	vadd.s32 v1, v4;
	_ =	sdelay $0x1  }
0x169: {  	v3 =	vadd.s32 v1, v3;
	_ =	sdelay $0x1  }
0x16a: {  	s26 =	simm.s32 $0x15000  }
0x16b: {  	[tilespmem:s26], [sflag:$0x4] =	stream.indirect_vreg.gather [hbm4b:s5+s24], $0x80, v4, vm0, $0xb8;
	[tilespmem:$0x16800] =	vst v63  }
0x16c: {  	s26 =	simm.s32 $0x15800  }
0x16d: {  	[tilespmem:s26], [sflag:$0x4] =	stream.indirect_vreg.gather [hbm4b:s5+s24], $0x80, v3, vm0, $0xb8;
	[tilespmem:$0x16800] =	vst v63  }
0x16e: {  	v3 =	vld.msk [tilespmem:s25+$0x20], $0xff;
	_ =	sdelay $0x4  }
0x16f: {  	v4 =	vshll.u32 v3, $0x1  }
0x170: {  	v3 =	vand.u32 $0x7, v3;
	v4 =	vand.u32 $0xFFFFFFF0, v4  }
0x171: {  	v3 =	vor.u32 v3, v4  }
0x172: {  	v3 =	vperm.xlane v3, v0;
	_ =	sdelay $0x1  }
0x173: {  	v3 =	vadd.s32 v1, v3;
	_ =	sdelay $0x3  }
0x174: {  	s26 =	simm.s32 $0x16000  }
0x175: {  	[tilespmem:s26], [sflag:$0x4] =	stream.indirect_vreg.gather [hbm4b:s5+s24], $0x80, v3, vm0, $0xb8;
	[tilespmem:$0x16800] =	vst v63  }
0x176: {  	v3 =	vld [tilespmem:s25+$0x1400];
	_ =	sdelay $0x4  }
0x177: {  	v4 =	vshll.u32 v3, $0x1  }
0x178: {  	v3 =	vand.u32 $0x7, v3;
	v4 =	vand.u32 $0xFFFFFFF0, v4  }
0x179: {  	v3 =	vor.u32 v3, v4  }
0x17a: {  	v4 =	vperm.xlane v3, v0;
	_ =	sdelay $0x1  }
0x17b: {  	v3 =	vperm.xlane v3, v2;
	v4 =	vadd.s32 v1, v4;
	_ =	sdelay $0x1  }
0x17c: {  	v3 =	vadd.s32 v1, v3;
	_ =	sdelay $0x1  }
0x17d: {  	s26 =	simm.s32 $0xA000  }
0x17e: {  	[tilespmem:s26], [sflag:$0x8] =	stream.indirect_vreg.gather [hbm4b:s6+s24], $0x80, v4, vm0, $0xb8;
	[tilespmem:$0x16800] =	vst v63  }
0x17f: {  	s26 =	simm.s32 $0xA800  }
0x180: {  	[tilespmem:s26], [sflag:$0x8] =	stream.indirect_vreg.gather [hbm4b:s6+s24], $0x80, v3, vm0, $0xb8;
	[tilespmem:$0x16800] =	vst v63  }
0x181: {  	v3 =	vld [tilespmem:s25+$0x1410];
	_ =	sdelay $0x4  }
0x182: {  	v4 =	vshll.u32 v3, $0x1  }
0x183: {  	v3 =	vand.u32 $0x7, v3;
	v4 =	vand.u32 $0xFFFFFFF0, v4  }
0x184: {  	v3 =	vor.u32 v3, v4  }
0x185: {  	v4 =	vperm.xlane v3, v0;
	_ =	sdelay $0x1  }
0x186: {  	v3 =	vperm.xlane v3, v2;
	v4 =	vadd.s32 v1, v4;
	_ =	sdelay $0x1  }
0x187: {  	v3 =	vadd.s32 v1, v3;
	_ =	sdelay $0x1  }
0x188: {  	s26 =	simm.s32 $0xB000  }
0x189: {  	[tilespmem:s26], [sflag:$0x8] =	stream.indirect_vreg.gather [hbm4b:s6+s24], $0x80, v4, vm0, $0xb8;
	[tilespmem:$0x16800] =	vst v63  }
0x18a: {  	_ = 	snop  }
0x18b: {  	[tilespmem:s30], [sflag:$0x8] =	stream.indirect_vreg.gather [hbm4b:s6+s24], $0x80, v3, vm0, $0xb8;
	[tilespmem:$0x16800] =	vst v63  }
0x18c: {  	v3 =	vld.msk [tilespmem:s25+$0x1420], $0xff;
	_ =	sdelay $0x4  }
0x18d: {  	v4 =	vshll.u32 v3, $0x1  }
0x18e: {  	v3 =	vand.u32 $0x7, v3;
	v4 =	vand.u32 $0xFFFFFFF0, v4  }
0x18f: {  	v3 =	vor.u32 v3, v4  }
0x190: {  	v3 =	vperm.xlane v3, v0;
	_ =	sdelay $0x1  }
0x191: {  	v3 =	vadd.s32 v1, v3;
	_ =	sdelay $0x4  }
0x192: {  	[tilespmem:s31], [sflag:$0x8] =	stream.indirect_vreg.gather [hbm4b:s6+s24], $0x80, v3, vm0, $0xb8;
	[tilespmem:$0x16800] =	vst v63  }
0x193: {  	_ =	swait.ge [sflag:s0], $0x2800  }
0x194: {  	[sflag:s0] =	ssyncset.done $0x0  }
0x195: {  	[sflag:s0] =	ssyncadd.s32 $0xFFFFD800  }
0x196: {  	_ =	swait.ge [sflag:s1], $0x2800  }
0x197: {  	s26 =	sand.u32 $0x3800, s24;
	s24 =	sand.u32 $0x380, s24;
	[sflag:s1] =	ssyncset.done $0x0  }
0x198: {  	s24 =	sor.u32 s24, s26;
	[sflag:s1] =	ssyncadd.s32 $0xFFFFD800  }
0x199: {  	v3 =	vld [tilespmem:s24+$0x5470]  }
0x19a: {  	v4 =	vld [tilespmem:s24+$0x5000]  }
0x19b: {  	v5 =	vld [tilespmem:s24+$0x5010]  }
0x19c: {  	v6 =	vld [tilespmem:s24+$0x5020]  }
0x19d: {  	v7 =	vld [tilespmem:s24+$0x5030]  }
0x19e: {  	v8 =	vld [tilespmem:s24+$0x5040]  }
0x19f: {  	v9 =	vld [tilespmem:s24+$0x5050]  }
0x1a0: {  	v10 =	vld [tilespmem:s24+$0x5060]  }
0x1a1: {  	v11 =	vld [tilespmem:s24+$0x5070]  }
0x1a2: {  	v12 =	vld [tilespmem:s24+$0x5400]  }
0x1a3: {  	v13 =	vld [tilespmem:s24+$0x5410]  }
0x1a4: {  	v14 =	vld [tilespmem:s24+$0x5420]  }
0x1a5: {  	v15 =	vld [tilespmem:s24+$0x5430]  }
0x1a6: {  	v16 =	vld [tilespmem:s24+$0x5440]  }
0x1a7: {  	v17 =	vld [tilespmem:s24+$0x5450]  }
0x1a8: {  	[tilespmem:s24+$0xF470] =	vst.add.f32.msk $0xffff, v3  }
0x1a9: {  	v3 =	vld [tilespmem:s24+$0x5460]  }
0x1aa: {  	[tilespmem:s24+$0xF000] =	vst.add.f32.msk $0xffff, v4  }
0x1ab: {  	[tilespmem:s24+$0xF010] =	vst.add.f32.msk $0xffff, v5  }
0x1ac: {  	[tilespmem:s24+$0xF020] =	vst.add.f32.msk $0xffff, v6  }
0x1ad: {  	[tilespmem:s24+$0xF030] =	vst.add.f32.msk $0xffff, v7  }
0x1ae: {  	[tilespmem:s24+$0xF040] =	vst.add.f32.msk $0xffff, v8  }
0x1af: {  	[tilespmem:s24+$0xF050] =	vst.add.f32.msk $0xffff, v9  }
0x1b0: {  	[tilespmem:s24+$0xF060] =	vst.add.f32.msk $0xffff, v10  }
0x1b1: {  	[tilespmem:s24+$0xF070] =	vst.add.f32.msk $0xffff, v11  }
0x1b2: {  	[tilespmem:s24+$0xF400] =	vst.add.f32.msk $0xffff, v12  }
0x1b3: {  	[tilespmem:s24+$0xF410] =	vst.add.f32.msk $0xffff, v13  }
0x1b4: {  	[tilespmem:s24+$0xF420] =	vst.add.f32.msk $0xffff, v14  }
0x1b5: {  	[tilespmem:s24+$0xF430] =	vst.add.f32.msk $0xffff, v15  }
0x1b6: {  	s25 =	simm.s32 $0x80;
	s26 =	simm.s32 $0x100;
	[tilespmem:s24+$0xF440] =	vst.add.f32.msk $0xffff, v16  }
0x1b7: {  	s29 =	sand.u32 $0x380, s25;
	s28 =	sand.u32 $0x3800, s26;
	s26 =	simm.s32 $0x200;
	[tilespmem:s24+$0xF450] =	vst.add.f32.msk $0xffff, v17  }
.LBB2_8:
0x1b8: {  	p1 =	sne.s32 s26, $0x2700;
	[tilespmem:s24+$0xF460] =	vst.add.f32.msk $0xffff, v3;
	s24 =	sor.u32 s29, s28  }
0x1b9: {  	v3 =	vld [tilespmem:s24+$0x5470]  }
0x1ba: {  	v4 =	vld [tilespmem:s24+$0x5000]  }
0x1bb: {  	v5 =	vld [tilespmem:s24+$0x5010]  }
0x1bc: {  	v6 =	vld [tilespmem:s24+$0x5020]  }
0x1bd: {  	v7 =	vld [tilespmem:s24+$0x5030]  }
0x1be: {  	[tilespmem:s24+$0xF470] =	vst.add.f32.msk $0xffff, v3  }
0x1bf: {  	v8 =	vld [tilespmem:s24+$0x5040]  }
0x1c0: {  	v9 =	vld [tilespmem:s24+$0x5050]  }
0x1c1: {  	v10 =	vld [tilespmem:s24+$0x5060]  }
0x1c2: {  	v11 =	vld [tilespmem:s24+$0x5070]  }
0x1c3: {  	v12 =	vld [tilespmem:s24+$0x5400]  }
0x1c4: {  	v13 =	vld [tilespmem:s24+$0x5410]  }
0x1c5: {  	v14 =	vld [tilespmem:s24+$0x5420]  }
0x1c6: {  	v15 =	vld [tilespmem:s24+$0x5430]  }
0x1c7: {  	v16 =	vld [tilespmem:s24+$0x5440]  }
0x1c8: {  	v17 =	vld [tilespmem:s24+$0x5450]  }
0x1c9: {  	v3 =	vld [tilespmem:s24+$0x5460]  }
0x1ca: {  	[tilespmem:s24+$0xF000] =	vst.add.f32.msk $0xffff, v4  }
0x1cb: {  	[tilespmem:s24+$0xF010] =	vst.add.f32.msk $0xffff, v5  }
0x1cc: {  	[tilespmem:s24+$0xF020] =	vst.add.f32.msk $0xffff, v6  }
0x1cd: {  	[tilespmem:s24+$0xF030] =	vst.add.f32.msk $0xffff, v7  }
0x1ce: {  	[tilespmem:s24+$0xF040] =	vst.add.f32.msk $0xffff, v8  }
0x1cf: {  	[tilespmem:s24+$0xF050] =	vst.add.f32.msk $0xffff, v9  }
0x1d0: {  	[tilespmem:s24+$0xF060] =	vst.add.f32.msk $0xffff, v10  }
0x1d1: {  	[tilespmem:s24+$0xF070] =	vst.add.f32.msk $0xffff, v11  }
0x1d2: {  	[tilespmem:s24+$0xF400] =	vst.add.f32.msk $0xffff, v12  }
.Ltmp7:
0x1d3: {  	[tilespmem:s24+$0xF410] =	vst.add.f32.msk $0xffff, v13;
	(pc) =	sbr.rel @p1 .LBB2_8-.Ltmp7, $4  }
0x1d4: {  	[tilespmem:s24+$0xF420] =	vst.add.f32.msk $0xffff, v14  }
0x1d5: {  	[tilespmem:s24+$0xF430] =	vst.add.f32.msk $0xffff, v15  }
0x1d6: {  	s25 =	sadd.s32 $0x80, s25;
	[tilespmem:s24+$0xF440] =	vst.add.f32.msk $0xffff, v16  }
0x1d7: {  	s28 =	sand.u32 $0x3800, s26;
	s26 =	sadd.s32 $0x100, s26;
	s29 =	sand.u32 $0x380, s25;
	[tilespmem:s24+$0xF450] =	vst.add.f32.msk $0xffff, v17  }
0x1d8: {  	s25 =	sor.u32 s29, s28;
	[tilespmem:s24+$0xF460] =	vst.add.f32.msk $0xffff, v3  }
0x1d9: {  	v3 =	vld [tilespmem:s25+$0x5470]  }
0x1da: {  	v4 =	vld [tilespmem:s25+$0x5000]  }
0x1db: {  	v5 =	vld [tilespmem:s25+$0x5010]  }
0x1dc: {  	v6 =	vld [tilespmem:s25+$0x5020]  }
0x1dd: {  	v7 =	vld [tilespmem:s25+$0x5030]  }
0x1de: {  	v8 =	vld [tilespmem:s25+$0x5050]  }
0x1df: {  	v9 =	vld [tilespmem:s25+$0x5060]  }
0x1e0: {  	v10 =	vld [tilespmem:s25+$0x5070]  }
0x1e1: {  	v11 =	vld [tilespmem:s25+$0x5400]  }
0x1e2: {  	v12 =	vld [tilespmem:s25+$0x5410]  }
0x1e3: {  	v13 =	vld [tilespmem:s25+$0x5420]  }
0x1e4: {  	v14 =	vld [tilespmem:s25+$0x5430]  }
0x1e5: {  	v15 =	vld [tilespmem:s25+$0x5440]  }
0x1e6: {  	v16 =	vld [tilespmem:s25+$0x5450]  }
0x1e7: {  	v17 =	vld [tilespmem:s25+$0x5460]  }
0x1e8: {  	[tilespmem:s25+$0xF470] =	vst.add.f32.msk $0xffff, v3  }
0x1e9: {  	v3 =	vld [tilespmem:s25+$0x5040]  }
0x1ea: {  	[tilespmem:s25+$0xF000] =	vst.add.f32.msk $0xffff, v4  }
0x1eb: {  	[tilespmem:s25+$0xF010] =	vst.add.f32.msk $0xffff, v5  }
0x1ec: {  	[tilespmem:s25+$0xF020] =	vst.add.f32.msk $0xffff, v6  }
0x1ed: {  	[tilespmem:s25+$0xF030] =	vst.add.f32.msk $0xffff, v7  }
0x1ee: {  	[tilespmem:s25+$0xF050] =	vst.add.f32.msk $0xffff, v8  }
0x1ef: {  	[tilespmem:s25+$0xF060] =	vst.add.f32.msk $0xffff, v9  }
0x1f0: {  	[tilespmem:s25+$0xF070] =	vst.add.f32.msk $0xffff, v10  }
0x1f1: {  	[tilespmem:s25+$0xF400] =	vst.add.f32.msk $0xffff, v11  }
0x1f2: {  	[tilespmem:s25+$0xF410] =	vst.add.f32.msk $0xffff, v12  }
0x1f3: {  	[tilespmem:s25+$0xF420] =	vst.add.f32.msk $0xffff, v13  }
0x1f4: {  	s23 =	smul.u32 $0x28, s23;
	[tilespmem:s25+$0xF430] =	vst.add.f32.msk $0xffff, v14  }
0x1f5: {  	[tilespmem:s25+$0xF440] =	vst.add.f32.msk $0xffff, v15  }
0x1f6: {  	s23 =	sadd.s32 s3, s23;
	[tilespmem:s25+$0xF450] =	vst.add.f32.msk $0xffff, v16  }
0x1f7: {  	s23 =	sshll.u32 s23, $0x5;
	[tilespmem:s25+$0xF460] =	vst.add.f32.msk $0xffff, v17  }
0x1f8: {  	s23 =	sadd.s32 s2, s23;
	[tilespmem:s25+$0xF040] =	vst.add.f32.msk $0xffff, v3  }
0x1f9: {  	[hbm4b:s23+s4] =	stream.linear.scatter [tilespmem:s22], [sflag:$0xA], $0x2800, $0x38;
	[tilespmem:$0x16800] =	vst v63  }
.LBB2_10:
.Ltmp8:
0x1fa: {  	(pc) =	sbr.rel @!p0 .LBB2_16-.Ltmp8, $1  }
0x1fb: {  	_ =	sdelay $0x3  }
0x1fc: {  	p0 =	seq.s32 s15, $0x1F  }
.Ltmp9:
0x1fd: {  	_ = 	snop;
	(pc) =	sbr.rel @p0 .LBB2_13-.Ltmp9, $4  }
0x1fe: {  	_ = 	snop  }
0x1ff: {  	_ =	swait.ge [sflag:s7], $0x2800  }
0x200: {  	[sflag:s7] =	ssyncset.done $0x0  }
0x201: {  	[sflag:s7] =	ssyncadd.s32 $0xFFFFD800  }
0x202: {  	v3 =	vld [tilespmem:s21+$0xA0];
	_ =	sdelay $0x4  }
0x203: {  	v4 =	vshll.u32 v3, $0x1  }
0x204: {  	v3 =	vand.u32 $0x7, v3;
	v4 =	vand.u32 $0xFFFFFFF0, v4  }
0x205: {  	v3 =	vor.u32 v3, v4  }
0x206: {  	v4 =	vperm.xlane v3, v0;
	_ =	sdelay $0x1  }
0x207: {  	v3 =	vperm.xlane v3, v2;
	v4 =	vadd.s32 v1, v4;
	_ =	sdelay $0x1  }
0x208: {  	v3 =	vadd.s32 v1, v3;
	_ =	sdelay $0x2  }
0x209: {  	[tilespmem:s12], [sflag:$0x1] =	stream.indirect_vreg.gather [hbm4b:s5+s4], $0x80, v4, vm0, $0xb8;
	[tilespmem:$0x16800] =	vst v63  }
0x20a: {  	s23 =	simm.s32 $0xD000  }
0x20b: {  	[tilespmem:s23], [sflag:$0x1] =	stream.indirect_vreg.gather [hbm4b:s5+s4], $0x80, v3, vm0, $0xb8;
	[tilespmem:$0x16800] =	vst v63  }
0x20c: {  	v3 =	vld [tilespmem:s21+$0xB0];
	_ =	sdelay $0x4  }
0x20d: {  	v59 =	vshll.u32 v3, $0x1  }
0x20e: {  	v3 =	vand.u32 $0x7, v3;
	v4 =	vand.u32 $0xFFFFFFF0, v59  }
0x20f: {  	v3 =	vor.u32 v3, v4  }
0x210: {  	v4 =	vperm.xlane v3, v0;
	_ =	sdelay $0x1  }
0x211: {  	v3 =	vperm.xlane v3, v2;
	v4 =	vadd.s32 v1, v4;
	_ =	sdelay $0x1  }
0x212: {  	v3 =	vadd.s32 v1, v3;
	_ =	sdelay $0x1  }
0x213: {  	s26 =	simm.s32 $0xD800  }
0x214: {  	[tilespmem:s26], [sflag:$0x1] =	stream.indirect_vreg.gather [hbm4b:s5+s4], $0x80, v4, vm0, $0xb8;
	[tilespmem:$0x16800] =	vst v63  }
0x215: {  	s28 =	simm.s32 $0xE000  }
0x216: {  	[tilespmem:s28], [sflag:$0x1] =	stream.indirect_vreg.gather [hbm4b:s5+s4], $0x80, v3, vm0, $0xb8;
	[tilespmem:$0x16800] =	vst v63  }
0x217: {  	v3 =	vld.msk [tilespmem:s21+$0xC0], $0xff;
	_ =	sdelay $0x4  }
0x218: {  	v60 =	vshll.u32 v3, $0x1  }
0x219: {  	v3 =	vand.u32 $0x7, v3;
	v4 =	vand.u32 $0xFFFFFFF0, v60  }
0x21a: {  	v3 =	vor.u32 v3, v4  }
0x21b: {  	v3 =	vperm.xlane v3, v0;
	_ =	sdelay $0x1  }
0x21c: {  	v3 =	vadd.s32 v1, v3;
	_ =	sdelay $0x3  }
0x21d: {  	s29 =	simm.s32 $0xE800  }
0x21e: {  	[tilespmem:s29], [sflag:$0x1] =	stream.indirect_vreg.gather [hbm4b:s5+s4], $0x80, v3, vm0, $0xb8;
	[tilespmem:$0x16800] =	vst v63  }
0x21f: {  	v3 =	vld [tilespmem:s21+$0x14A0];
	_ =	sdelay $0x4  }
0x220: {  	v61 =	vshll.u32 v3, $0x1  }
0x221: {  	v3 =	vand.u32 $0x7, v3;
	v4 =	vand.u32 $0xFFFFFFF0, v61  }
0x222: {  	v3 =	vor.u32 v3, v4  }
0x223: {  	v4 =	vperm.xlane v3, v0;
	_ =	sdelay $0x1  }
0x224: {  	v3 =	vperm.xlane v3, v2;
	v4 =	vadd.s32 v1, v4;
	_ =	sdelay $0x1  }
0x225: {  	v3 =	vadd.s32 v1, v3;
	_ =	sdelay $0x1  }
0x226: {  	s24 =	simm.s32 $0x2800  }
0x227: {  	[tilespmem:s24], [sflag:$0x5] =	stream.indirect_vreg.gather [hbm4b:s6+s4], $0x80, v4, vm0, $0xb8;
	[tilespmem:$0x16800] =	vst v63  }
0x228: {  	s25 =	simm.s32 $0x3000  }
0x229: {  	[tilespmem:s25], [sflag:$0x5] =	stream.indirect_vreg.gather [hbm4b:s6+s4], $0x80, v3, vm0, $0xb8;
	[tilespmem:$0x16800] =	vst v63  }
0x22a: {  	v3 =	vld [tilespmem:s21+$0x14B0];
	_ =	sdelay $0x4  }
0x22b: {  	v62 =	vshll.u32 v3, $0x1  }
0x22c: {  	v3 =	vand.u32 $0x7, v3;
	v4 =	vand.u32 $0xFFFFFFF0, v62  }
0x22d: {  	v3 =	vor.u32 v3, v4  }
0x22e: {  	v4 =	vperm.xlane v3, v0;
	_ =	sdelay $0x1  }
0x22f: {  	v3 =	vperm.xlane v3, v2;
	v4 =	vadd.s32 v1, v4;
	_ =	sdelay $0x1  }
0x230: {  	v3 =	vadd.s32 v1, v3;
	_ =	sdelay $0x1  }
0x231: {  	s26 =	simm.s32 $0x3800  }
0x232: {  	[tilespmem:s26], [sflag:$0x5] =	stream.indirect_vreg.gather [hbm4b:s6+s4], $0x80, v4, vm0, $0xb8;
	[tilespmem:$0x16800] =	vst v63  }
0x233: {  	s28 =	simm.s32 $0x4000  }
0x234: {  	[tilespmem:s28], [sflag:$0x5] =	stream.indirect_vreg.gather [hbm4b:s6+s4], $0x80, v3, vm0, $0xb8;
	[tilespmem:$0x16800] =	vst v63  }
0x235: {  	v3 =	vld.msk [tilespmem:s21+$0x14C0], $0xff;
	_ =	sdelay $0x4  }
0x236: {  	v63 =	vshll.u32 v3, $0x1  }
0x237: {  	v3 =	vand.u32 $0x7, v3;
	v4 =	vand.u32 $0xFFFFFFF0, v63  }
0x238: {  	v3 =	vor.u32 v3, v4  }
0x239: {  	v3 =	vperm.xlane v3, v0;
	_ =	sdelay $0x1  }
0x23a: {  	v3 =	vadd.s32 v1, v3;
	_ =	sdelay $0x3  }
0x23b: {  	s29 =	simm.s32 $0x4800  }
0x23c: {  	[tilespmem:s29], [sflag:$0x5] =	stream.indirect_vreg.gather [hbm4b:s6+s4], $0x80, v3, vm0, $0xb8;
	[tilespmem:$0x16800] =	vst v63  }
.LBB2_13:
0x23d: {  	_ =	swait.ge [sflag:s8], $0x2800  }
0x23e: {  	[sflag:s8] =	ssyncset.done $0x0  }
0x23f: {  	[sflag:s8] =	ssyncadd.s32 $0xFFFFD800  }
0x240: {  	s23 =	simm.s32 $0x0;
	_ =	swait.ge [sflag:s9], $0x2800  }
0x241: {  	s24 =	sand.u32 $0x3800, s23;
	s23 =	sand.u32 $0x380, s23;
	[sflag:s9] =	ssyncset.done $0x0  }
0x242: {  	s24 =	sor.u32 s23, s24;
	[sflag:s9] =	ssyncadd.s32 $0xFFFFD800  }
0x243: {  	v3 =	vld [tilespmem:s24+$0x7800];
	_ =	sdelay $0x3  }
0x244: {  	s23 =	sadd.s32 $0x5000, s24  }
0x245: {  	[tilespmem:s23+$0xC800] =	vst.add.f32.msk $0xffff, v3  }
0x246: {  	v3 =	vld [tilespmem:s24+$0x7810];
	_ =	sdelay $0x4  }
0x247: {  	[tilespmem:s23+$0xC810] =	vst.add.f32.msk $0xffff, v3  }
0x248: {  	v3 =	vld [tilespmem:s24+$0x7820];
	_ =	sdelay $0x4  }
0x249: {  	[tilespmem:s23+$0xC820] =	vst.add.f32.msk $0xffff, v3  }
0x24a: {  	v3 =	vld [tilespmem:s24+$0x7830];
	_ =	sdelay $0x4  }
0x24b: {  	[tilespmem:s23+$0xC830] =	vst.add.f32.msk $0xffff, v3  }
0x24c: {  	v3 =	vld [tilespmem:s24+$0x7840];
	_ =	sdelay $0x4  }
0x24d: {  	[tilespmem:s23+$0xC840] =	vst.add.f32.msk $0xffff, v3  }
0x24e: {  	v3 =	vld [tilespmem:s24+$0x7850];
	_ =	sdelay $0x4  }
0x24f: {  	[tilespmem:s23+$0xC850] =	vst.add.f32.msk $0xffff, v3  }
0x250: {  	v3 =	vld [tilespmem:s24+$0x7860];
	_ =	sdelay $0x4  }
0x251: {  	[tilespmem:s23+$0xC860] =	vst.add.f32.msk $0xffff, v3  }
0x252: {  	v3 =	vld [tilespmem:s24+$0x7870];
	_ =	sdelay $0x4  }
0x253: {  	[tilespmem:s23+$0xC870] =	vst.add.f32.msk $0xffff, v3  }
0x254: {  	v3 =	vld [tilespmem:s24+$0x7C00];
	_ =	sdelay $0x3  }
0x255: {  	s26 =	sadd.s32 $0x5400, s24  }
0x256: {  	[tilespmem:s26+$0xC800] =	vst.add.f32.msk $0xffff, v3  }
0x257: {  	v3 =	vld [tilespmem:s24+$0x7C10];
	_ =	sdelay $0x4  }
0x258: {  	[tilespmem:s26+$0xC810] =	vst.add.f32.msk $0xffff, v3  }
0x259: {  	v3 =	vld [tilespmem:s24+$0x7C20];
	_ =	sdelay $0x4  }
0x25a: {  	[tilespmem:s26+$0xC820] =	vst.add.f32.msk $0xffff, v3  }
0x25b: {  	v3 =	vld [tilespmem:s24+$0x7C30];
	_ =	sdelay $0x4  }
0x25c: {  	[tilespmem:s26+$0xC830] =	vst.add.f32.msk $0xffff, v3  }
0x25d: {  	v3 =	vld [tilespmem:s24+$0x7C40];
	_ =	sdelay $0x4  }
0x25e: {  	[tilespmem:s26+$0xC840] =	vst.add.f32.msk $0xffff, v3  }
0x25f: {  	v3 =	vld [tilespmem:s24+$0x7C50];
	_ =	sdelay $0x4  }
0x260: {  	[tilespmem:s26+$0xC850] =	vst.add.f32.msk $0xffff, v3  }
0x261: {  	v3 =	vld [tilespmem:s24+$0x7C60];
	_ =	sdelay $0x4  }
0x262: {  	[tilespmem:s26+$0xC860] =	vst.add.f32.msk $0xffff, v3  }
0x263: {  	v3 =	vld [tilespmem:s24+$0x7C70];
	_ =	sdelay $0x2  }
0x264: {  	s25 =	simm.s32 $0x100;
	s23 =	simm.s32 $0x80  }
0x265: {  	s25 =	sand.u32 $0x3800, s25;
	s28 =	sand.u32 $0x380, s23;
	s24 =	simm.s32 $0x200  }
.LBB2_14:
0x266: {  	p0 =	sne.s32 s24, $0x2700;
	s25 =	sor.u32 s28, s25;
	[tilespmem:s26+$0xC870] =	vst.add.f32.msk $0xffff, v3  }
0x267: {  	v3 =	vld [tilespmem:s25+$0x7800];
	_ =	sdelay $0x3  }
0x268: {  	s26 =	sadd.s32 $0x5000, s25  }
0x269: {  	[tilespmem:s26+$0xC800] =	vst.add.f32.msk $0xffff, v3  }
0x26a: {  	v3 =	vld [tilespmem:s25+$0x7810];
	_ =	sdelay $0x4  }
0x26b: {  	[tilespmem:s26+$0xC810] =	vst.add.f32.msk $0xffff, v3  }
0x26c: {  	v3 =	vld [tilespmem:s25+$0x7820];
	_ =	sdelay $0x4  }
0x26d: {  	[tilespmem:s26+$0xC820] =	vst.add.f32.msk $0xffff, v3  }
0x26e: {  	v3 =	vld [tilespmem:s25+$0x7830];
	_ =	sdelay $0x4  }
0x26f: {  	[tilespmem:s26+$0xC830] =	vst.add.f32.msk $0xffff, v3  }
0x270: {  	v3 =	vld [tilespmem:s25+$0x7840];
	_ =	sdelay $0x4  }
0x271: {  	[tilespmem:s26+$0xC840] =	vst.add.f32.msk $0xffff, v3  }
0x272: {  	v3 =	vld [tilespmem:s25+$0x7850];
	_ =	sdelay $0x4  }
0x273: {  	[tilespmem:s26+$0xC850] =	vst.add.f32.msk $0xffff, v3  }
0x274: {  	v3 =	vld [tilespmem:s25+$0x7860];
	_ =	sdelay $0x4  }
0x275: {  	[tilespmem:s26+$0xC860] =	vst.add.f32.msk $0xffff, v3  }
0x276: {  	v3 =	vld [tilespmem:s25+$0x7870];
	_ =	sdelay $0x4  }
0x277: {  	[tilespmem:s26+$0xC870] =	vst.add.f32.msk $0xffff, v3  }
0x278: {  	v3 =	vld [tilespmem:s25+$0x7C00];
	_ =	sdelay $0x3  }
0x279: {  	s26 =	sadd.s32 $0x5400, s25  }
0x27a: {  	[tilespmem:s26+$0xC800] =	vst.add.f32.msk $0xffff, v3  }
0x27b: {  	v3 =	vld [tilespmem:s25+$0x7C10];
	_ =	sdelay $0x4  }
0x27c: {  	[tilespmem:s26+$0xC810] =	vst.add.f32.msk $0xffff, v3  }
0x27d: {  	v3 =	vld [tilespmem:s25+$0x7C20];
	_ =	sdelay $0x4  }
0x27e: {  	[tilespmem:s26+$0xC820] =	vst.add.f32.msk $0xffff, v3  }
0x27f: {  	v3 =	vld [tilespmem:s25+$0x7C30];
	_ =	sdelay $0x4  }
0x280: {  	[tilespmem:s26+$0xC830] =	vst.add.f32.msk $0xffff, v3  }
0x281: {  	v3 =	vld [tilespmem:s25+$0x7C40];
	_ =	sdelay $0x4  }
0x282: {  	[tilespmem:s26+$0xC840] =	vst.add.f32.msk $0xffff, v3  }
0x283: {  	v3 =	vld [tilespmem:s25+$0x7C50];
	_ =	sdelay $0x4  }
0x284: {  	[tilespmem:s26+$0xC850] =	vst.add.f32.msk $0xffff, v3  }
0x285: {  	v3 =	vld [tilespmem:s25+$0x7C60];
	_ =	sdelay $0x4  }
0x286: {  	[tilespmem:s26+$0xC860] =	vst.add.f32.msk $0xffff, v3  }
.Ltmp10:
0x287: {  	v3 =	vld [tilespmem:s25+$0x7C70];
	(pc) =	sbr.rel @p0 .LBB2_14-.Ltmp10, $3  }
0x288: {  	_ =	sdelay $0x1  }
0x289: {  	s23 =	sadd.s32 $0x80, s23  }
0x28a: {  	s28 =	sand.u32 $0x380, s23;
	s25 =	sand.u32 $0x3800, s24;
	s24 =	sadd.s32 $0x100, s24  }
0x28b: {  	s23 =	sor.u32 s28, s25;
	[tilespmem:s26+$0xC870] =	vst.add.f32.msk $0xffff, v3  }
0x28c: {  	v3 =	vld [tilespmem:s23+$0x7800];
	_ =	sdelay $0x3  }
0x28d: {  	s24 =	sadd.s32 $0x5000, s23  }
0x28e: {  	[tilespmem:s24+$0xC800] =	vst.add.f32.msk $0xffff, v3  }
0x28f: {  	v3 =	vld [tilespmem:s23+$0x7810];
	_ =	sdelay $0x4  }
0x290: {  	[tilespmem:s24+$0xC810] =	vst.add.f32.msk $0xffff, v3  }
0x291: {  	v3 =	vld [tilespmem:s23+$0x7820];
	_ =	sdelay $0x4  }
0x292: {  	[tilespmem:s24+$0xC820] =	vst.add.f32.msk $0xffff, v3  }
0x293: {  	v3 =	vld [tilespmem:s23+$0x7830];
	_ =	sdelay $0x4  }
0x294: {  	[tilespmem:s24+$0xC830] =	vst.add.f32.msk $0xffff, v3  }
0x295: {  	v3 =	vld [tilespmem:s23+$0x7840];
	_ =	sdelay $0x4  }
0x296: {  	[tilespmem:s24+$0xC840] =	vst.add.f32.msk $0xffff, v3  }
0x297: {  	v3 =	vld [tilespmem:s23+$0x7850];
	_ =	sdelay $0x4  }
0x298: {  	[tilespmem:s24+$0xC850] =	vst.add.f32.msk $0xffff, v3  }
0x299: {  	v3 =	vld [tilespmem:s23+$0x7860];
	_ =	sdelay $0x4  }
0x29a: {  	[tilespmem:s24+$0xC860] =	vst.add.f32.msk $0xffff, v3  }
0x29b: {  	v3 =	vld [tilespmem:s23+$0x7870];
	_ =	sdelay $0x4  }
0x29c: {  	[tilespmem:s24+$0xC870] =	vst.add.f32.msk $0xffff, v3  }
0x29d: {  	v3 =	vld [tilespmem:s23+$0x7C00];
	_ =	sdelay $0x3  }
0x29e: {  	s29 =	sadd.s32 $0x5400, s23  }
0x29f: {  	[tilespmem:s29+$0xC800] =	vst.add.f32.msk $0xffff, v3  }
0x2a0: {  	v3 =	vld [tilespmem:s23+$0x7C10];
	_ =	sdelay $0x4  }
0x2a1: {  	[tilespmem:s29+$0xC810] =	vst.add.f32.msk $0xffff, v3  }
0x2a2: {  	v3 =	vld [tilespmem:s23+$0x7C20];
	_ =	sdelay $0x4  }
0x2a3: {  	[tilespmem:s29+$0xC820] =	vst.add.f32.msk $0xffff, v3  }
0x2a4: {  	v3 =	vld [tilespmem:s23+$0x7C30];
	_ =	sdelay $0x4  }
0x2a5: {  	[tilespmem:s29+$0xC830] =	vst.add.f32.msk $0xffff, v3  }
0x2a6: {  	v3 =	vld [tilespmem:s23+$0x7C40];
	_ =	sdelay $0x4  }
0x2a7: {  	[tilespmem:s29+$0xC840] =	vst.add.f32.msk $0xffff, v3  }
0x2a8: {  	v3 =	vld [tilespmem:s23+$0x7C50];
	_ =	sdelay $0x4  }
0x2a9: {  	[tilespmem:s29+$0xC850] =	vst.add.f32.msk $0xffff, v3  }
0x2aa: {  	v3 =	vld [tilespmem:s23+$0x7C60];
	_ =	sdelay $0x4  }
0x2ab: {  	[tilespmem:s29+$0xC860] =	vst.add.f32.msk $0xffff, v3  }
0x2ac: {  	v3 =	vld [tilespmem:s23+$0x7C70]  }
0x2ad: {  	s17 =	smul.u32 $0x28, s17;
	_ =	sdelay $0x1  }
0x2ae: {  	s17 =	sadd.s32 s3, s17  }
0x2af: {  	s17 =	sshll.u32 s17, $0x5  }
0x2b0: {  	s17 =	sadd.s32 s2, s17;
	[tilespmem:s29+$0xC870] =	vst.add.f32.msk $0xffff, v3  }
0x2b1: {  	[hbm4b:s17+s4] =	stream.linear.scatter [tilespmem:s11], [sflag:$0xB], $0x2800, $0x38;
	[tilespmem:$0x16800] =	vst v63  }
.LBB2_16:
0x2b2: {  	s16 =	sor.u32 $0x3, s16  }
0x2b3: {  	p0 =	sgt.u32 s16, $0x7C  }
.Ltmp11:
0x2b4: {  	_ = 	snop;
	(pc) =	sbr.rel @p0 .LBB2_22-.Ltmp11, $1  }
0x2b5: {  	_ =	sdelay $0x3  }
0x2b6: {  	p0 =	sgt.u32 s15, $0x1D  }
.Ltmp12:
0x2b7: {  	_ = 	snop;
	(pc) =	sbr.rel @p0 .LBB2_19-.Ltmp12, $4  }
0x2b8: {  	_ = 	snop  }
0x2b9: {  	_ =	swait.ge [sflag:s10], $0x2800  }
0x2ba: {  	[sflag:s10] =	ssyncset.done $0x0  }
0x2bb: {  	[sflag:s10] =	ssyncadd.s32 $0xFFFFD800  }
0x2bc: {  	v3 =	vld [tilespmem:s21+$0xC8];
	_ =	sdelay $0x4  }
0x2bd: {  	v4 =	vshll.u32 v3, $0x1  }
0x2be: {  	v3 =	vand.u32 $0x7, v3;
	v4 =	vand.u32 $0xFFFFFFF0, v4  }
0x2bf: {  	v3 =	vor.u32 v3, v4  }
0x2c0: {  	v4 =	vperm.xlane v3, v0;
	_ =	sdelay $0x1  }
0x2c1: {  	v3 =	vperm.xlane v3, v2;
	v4 =	vadd.s32 v1, v4;
	_ =	sdelay $0x1  }
0x2c2: {  	v3 =	vadd.s32 v1, v3;
	_ =	sdelay $0x2  }
0x2c3: {  	[tilespmem:s22], [sflag:$0x2] =	stream.indirect_vreg.gather [hbm4b:s5+s4], $0x80, v4, vm0, $0xb8;
	[tilespmem:$0x16800] =	vst v63  }
0x2c4: {  	s17 =	simm.s32 $0xF800  }
0x2c5: {  	[tilespmem:s17], [sflag:$0x2] =	stream.indirect_vreg.gather [hbm4b:s5+s4], $0x80, v3, vm0, $0xb8;
	[tilespmem:$0x16800] =	vst v63  }
0x2c6: {  	v3 =	vld [tilespmem:s21+$0xD8];
	_ =	sdelay $0x4  }
0x2c7: {  	v59 =	vshll.u32 v3, $0x1  }
0x2c8: {  	v3 =	vand.u32 $0x7, v3;
	v4 =	vand.u32 $0xFFFFFFF0, v59  }
0x2c9: {  	v3 =	vor.u32 v3, v4  }
0x2ca: {  	v4 =	vperm.xlane v3, v0;
	_ =	sdelay $0x1  }
0x2cb: {  	v3 =	vperm.xlane v3, v2;
	v4 =	vadd.s32 v1, v4;
	_ =	sdelay $0x1  }
0x2cc: {  	v3 =	vadd.s32 v1, v3;
	_ =	sdelay $0x1  }
0x2cd: {  	s28 =	simm.s32 $0x10000  }
0x2ce: {  	[tilespmem:s28], [sflag:$0x2] =	stream.indirect_vreg.gather [hbm4b:s5+s4], $0x80, v4, vm0, $0xb8;
	[tilespmem:$0x16800] =	vst v63  }
0x2cf: {  	s29 =	simm.s32 $0x10800  }
0x2d0: {  	[tilespmem:s29], [sflag:$0x2] =	stream.indirect_vreg.gather [hbm4b:s5+s4], $0x80, v3, vm0, $0xb8;
	[tilespmem:$0x16800] =	vst v63  }
0x2d1: {  	v3 =	vld.msk [tilespmem:s21+$0xE8], $0xff;
	_ =	sdelay $0x4  }
0x2d2: {  	v60 =	vshll.u32 v3, $0x1  }
0x2d3: {  	v3 =	vand.u32 $0x7, v3;
	v4 =	vand.u32 $0xFFFFFFF0, v60  }
0x2d4: {  	v3 =	vor.u32 v3, v4  }
0x2d5: {  	v3 =	vperm.xlane v3, v0;
	_ =	sdelay $0x1  }
0x2d6: {  	v3 =	vadd.s32 v1, v3;
	_ =	sdelay $0x3  }
0x2d7: {  	s23 =	simm.s32 $0x11000  }
0x2d8: {  	[tilespmem:s23], [sflag:$0x2] =	stream.indirect_vreg.gather [hbm4b:s5+s4], $0x80, v3, vm0, $0xb8;
	[tilespmem:$0x16800] =	vst v63  }
0x2d9: {  	v3 =	vld [tilespmem:s21+$0x14C8];
	_ =	sdelay $0x4  }
0x2da: {  	v61 =	vshll.u32 v3, $0x1  }
0x2db: {  	v3 =	vand.u32 $0x7, v3;
	v4 =	vand.u32 $0xFFFFFFF0, v61  }
0x2dc: {  	v3 =	vor.u32 v3, v4  }
0x2dd: {  	v4 =	vperm.xlane v3, v0;
	_ =	sdelay $0x1  }
0x2de: {  	v3 =	vperm.xlane v3, v2;
	v4 =	vadd.s32 v1, v4;
	_ =	sdelay $0x1  }
0x2df: {  	v3 =	vadd.s32 v1, v3;
	_ =	sdelay $0x1  }
0x2e0: {  	s24 =	simm.s32 $0x5000  }
0x2e1: {  	[tilespmem:s24], [sflag:$0x6] =	stream.indirect_vreg.gather [hbm4b:s6+s4], $0x80, v4, vm0, $0xb8;
	[tilespmem:$0x16800] =	vst v63  }
0x2e2: {  	s25 =	simm.s32 $0x5800  }
0x2e3: {  	[tilespmem:s25], [sflag:$0x6] =	stream.indirect_vreg.gather [hbm4b:s6+s4], $0x80, v3, vm0, $0xb8;
	[tilespmem:$0x16800] =	vst v63  }
0x2e4: {  	v3 =	vld [tilespmem:s21+$0x14D8];
	_ =	sdelay $0x4  }
0x2e5: {  	v62 =	vshll.u32 v3, $0x1  }
0x2e6: {  	v3 =	vand.u32 $0x7, v3;
	v4 =	vand.u32 $0xFFFFFFF0, v62  }
0x2e7: {  	v3 =	vor.u32 v3, v4  }
0x2e8: {  	v4 =	vperm.xlane v3, v0;
	_ =	sdelay $0x1  }
0x2e9: {  	v3 =	vperm.xlane v3, v2;
	v4 =	vadd.s32 v1, v4;
	_ =	sdelay $0x1  }
0x2ea: {  	v3 =	vadd.s32 v1, v3;
	_ =	sdelay $0x1  }
0x2eb: {  	s26 =	simm.s32 $0x6000  }
0x2ec: {  	[tilespmem:s26], [sflag:$0x6] =	stream.indirect_vreg.gather [hbm4b:s6+s4], $0x80, v4, vm0, $0xb8;
	[tilespmem:$0x16800] =	vst v63  }
0x2ed: {  	s28 =	simm.s32 $0x6800  }
0x2ee: {  	[tilespmem:s28], [sflag:$0x6] =	stream.indirect_vreg.gather [hbm4b:s6+s4], $0x80, v3, vm0, $0xb8;
	[tilespmem:$0x16800] =	vst v63  }
0x2ef: {  	v3 =	vld.msk [tilespmem:s21+$0x14E8], $0xff;
	_ =	sdelay $0x4  }
0x2f0: {  	v63 =	vshll.u32 v3, $0x1  }
0x2f1: {  	v3 =	vand.u32 $0x7, v3;
	v4 =	vand.u32 $0xFFFFFFF0, v63  }
0x2f2: {  	v3 =	vor.u32 v3, v4  }
0x2f3: {  	v3 =	vperm.xlane v3, v0;
	_ =	sdelay $0x1  }
0x2f4: {  	v3 =	vadd.s32 v1, v3;
	_ =	sdelay $0x3  }
0x2f5: {  	s29 =	simm.s32 $0x7000  }
0x2f6: {  	[tilespmem:s29], [sflag:$0x6] =	stream.indirect_vreg.gather [hbm4b:s6+s4], $0x80, v3, vm0, $0xb8;
	[tilespmem:$0x16800] =	vst v63  }
.LBB2_19:
0x2f7: {  	_ =	swait.ge [sflag:s13], $0x2800  }
0x2f8: {  	[sflag:s13] =	ssyncset.done $0x0  }
0x2f9: {  	[sflag:s13] =	ssyncadd.s32 $0xFFFFD800  }
0x2fa: {  	s17 =	simm.s32 $0x0;
	_ =	swait.ge [sflag:s14], $0x2800  }
0x2fb: {  	s21 =	sand.u32 $0x3800, s17;
	s17 =	sand.u32 $0x380, s17;
	[sflag:s14] =	ssyncset.done $0x0  }
0x2fc: {  	s21 =	sor.u32 s17, s21;
	[sflag:s14] =	ssyncadd.s32 $0xFFFFD800  }
0x2fd: {  	v3 =	vld [tilespmem:s21+$0xA000];
	_ =	sdelay $0x3  }
0x2fe: {  	s17 =	sadd.s32 $0x7800, s21  }
0x2ff: {  	[tilespmem:s17+$0xC800] =	vst.add.f32.msk $0xffff, v3  }
0x300: {  	v3 =	vld [tilespmem:s21+$0xA010];
	_ =	sdelay $0x4  }
0x301: {  	[tilespmem:s17+$0xC810] =	vst.add.f32.msk $0xffff, v3  }
0x302: {  	v3 =	vld [tilespmem:s21+$0xA020];
	_ =	sdelay $0x4  }
0x303: {  	[tilespmem:s17+$0xC820] =	vst.add.f32.msk $0xffff, v3  }
0x304: {  	v3 =	vld [tilespmem:s21+$0xA030];
	_ =	sdelay $0x4  }
0x305: {  	[tilespmem:s17+$0xC830] =	vst.add.f32.msk $0xffff, v3  }
0x306: {  	v3 =	vld [tilespmem:s21+$0xA040];
	_ =	sdelay $0x4  }
0x307: {  	[tilespmem:s17+$0xC840] =	vst.add.f32.msk $0xffff, v3  }
0x308: {  	v3 =	vld [tilespmem:s21+$0xA050];
	_ =	sdelay $0x4  }
0x309: {  	[tilespmem:s17+$0xC850] =	vst.add.f32.msk $0xffff, v3  }
0x30a: {  	v3 =	vld [tilespmem:s21+$0xA060];
	_ =	sdelay $0x4  }
0x30b: {  	[tilespmem:s17+$0xC860] =	vst.add.f32.msk $0xffff, v3  }
0x30c: {  	v3 =	vld [tilespmem:s21+$0xA070];
	_ =	sdelay $0x4  }
0x30d: {  	[tilespmem:s17+$0xC870] =	vst.add.f32.msk $0xffff, v3  }
0x30e: {  	v3 =	vld [tilespmem:s21+$0xA400];
	_ =	sdelay $0x3  }
0x30f: {  	s24 =	sadd.s32 $0x7C00, s21  }
0x310: {  	[tilespmem:s24+$0xC800] =	vst.add.f32.msk $0xffff, v3  }
0x311: {  	v3 =	vld [tilespmem:s21+$0xA410];
	_ =	sdelay $0x4  }
0x312: {  	[tilespmem:s24+$0xC810] =	vst.add.f32.msk $0xffff, v3  }
0x313: {  	v3 =	vld [tilespmem:s21+$0xA420];
	_ =	sdelay $0x4  }
0x314: {  	[tilespmem:s24+$0xC820] =	vst.add.f32.msk $0xffff, v3  }
0x315: {  	v3 =	vld [tilespmem:s21+$0xA430];
	_ =	sdelay $0x4  }
0x316: {  	[tilespmem:s24+$0xC830] =	vst.add.f32.msk $0xffff, v3  }
0x317: {  	v3 =	vld [tilespmem:s21+$0xA440];
	_ =	sdelay $0x4  }
0x318: {  	[tilespmem:s24+$0xC840] =	vst.add.f32.msk $0xffff, v3  }
0x319: {  	v3 =	vld [tilespmem:s21+$0xA450];
	_ =	sdelay $0x4  }
0x31a: {  	[tilespmem:s24+$0xC850] =	vst.add.f32.msk $0xffff, v3  }
0x31b: {  	v3 =	vld [tilespmem:s21+$0xA460];
	_ =	sdelay $0x4  }
0x31c: {  	[tilespmem:s24+$0xC860] =	vst.add.f32.msk $0xffff, v3  }
0x31d: {  	v3 =	vld [tilespmem:s21+$0xA470];
	_ =	sdelay $0x2  }
0x31e: {  	s23 =	simm.s32 $0x100;
	s17 =	simm.s32 $0x80  }
0x31f: {  	s23 =	sand.u32 $0x3800, s23;
	s25 =	sand.u32 $0x380, s17;
	s21 =	simm.s32 $0x200  }
.LBB2_20:
0x320: {  	p0 =	sne.s32 s21, $0x2700;
	s23 =	sor.u32 s25, s23;
	[tilespmem:s24+$0xC870] =	vst.add.f32.msk $0xffff, v3  }
0x321: {  	v3 =	vld [tilespmem:s23+$0xA000];
	_ =	sdelay $0x3  }
0x322: {  	s24 =	sadd.s32 $0x7800, s23  }
0x323: {  	[tilespmem:s24+$0xC800] =	vst.add.f32.msk $0xffff, v3  }
0x324: {  	v3 =	vld [tilespmem:s23+$0xA010];
	_ =	sdelay $0x4  }
0x325: {  	[tilespmem:s24+$0xC810] =	vst.add.f32.msk $0xffff, v3  }
0x326: {  	v3 =	vld [tilespmem:s23+$0xA020];
	_ =	sdelay $0x4  }
0x327: {  	[tilespmem:s24+$0xC820] =	vst.add.f32.msk $0xffff, v3  }
0x328: {  	v3 =	vld [tilespmem:s23+$0xA030];
	_ =	sdelay $0x4  }
0x329: {  	[tilespmem:s24+$0xC830] =	vst.add.f32.msk $0xffff, v3  }
0x32a: {  	v3 =	vld [tilespmem:s23+$0xA040];
	_ =	sdelay $0x4  }
0x32b: {  	[tilespmem:s24+$0xC840] =	vst.add.f32.msk $0xffff, v3  }
0x32c: {  	v3 =	vld [tilespmem:s23+$0xA050];
	_ =	sdelay $0x4  }
0x32d: {  	[tilespmem:s24+$0xC850] =	vst.add.f32.msk $0xffff, v3  }
0x32e: {  	v3 =	vld [tilespmem:s23+$0xA060];
	_ =	sdelay $0x4  }
0x32f: {  	[tilespmem:s24+$0xC860] =	vst.add.f32.msk $0xffff, v3  }
0x330: {  	v3 =	vld [tilespmem:s23+$0xA070];
	_ =	sdelay $0x4  }
0x331: {  	[tilespmem:s24+$0xC870] =	vst.add.f32.msk $0xffff, v3  }
0x332: {  	v3 =	vld [tilespmem:s23+$0xA400];
	_ =	sdelay $0x3  }
0x333: {  	s24 =	sadd.s32 $0x7C00, s23  }
0x334: {  	[tilespmem:s24+$0xC800] =	vst.add.f32.msk $0xffff, v3  }
0x335: {  	v3 =	vld [tilespmem:s23+$0xA410];
	_ =	sdelay $0x4  }
0x336: {  	[tilespmem:s24+$0xC810] =	vst.add.f32.msk $0xffff, v3  }
0x337: {  	v3 =	vld [tilespmem:s23+$0xA420];
	_ =	sdelay $0x4  }
0x338: {  	[tilespmem:s24+$0xC820] =	vst.add.f32.msk $0xffff, v3  }
0x339: {  	v3 =	vld [tilespmem:s23+$0xA430];
	_ =	sdelay $0x4  }
0x33a: {  	[tilespmem:s24+$0xC830] =	vst.add.f32.msk $0xffff, v3  }
0x33b: {  	v3 =	vld [tilespmem:s23+$0xA440];
	_ =	sdelay $0x4  }
0x33c: {  	[tilespmem:s24+$0xC840] =	vst.add.f32.msk $0xffff, v3  }
0x33d: {  	v3 =	vld [tilespmem:s23+$0xA450];
	_ =	sdelay $0x4  }
0x33e: {  	[tilespmem:s24+$0xC850] =	vst.add.f32.msk $0xffff, v3  }
0x33f: {  	v3 =	vld [tilespmem:s23+$0xA460];
	_ =	sdelay $0x4  }
0x340: {  	[tilespmem:s24+$0xC860] =	vst.add.f32.msk $0xffff, v3  }
.Ltmp13:
0x341: {  	v3 =	vld [tilespmem:s23+$0xA470];
	(pc) =	sbr.rel @p0 .LBB2_20-.Ltmp13, $3  }
0x342: {  	_ =	sdelay $0x1  }
0x343: {  	s17 =	sadd.s32 $0x80, s17  }
0x344: {  	s25 =	sand.u32 $0x380, s17;
	s23 =	sand.u32 $0x3800, s21;
	s21 =	sadd.s32 $0x100, s21  }
0x345: {  	s17 =	sor.u32 s25, s23;
	[tilespmem:s24+$0xC870] =	vst.add.f32.msk $0xffff, v3  }
0x346: {  	v3 =	vld [tilespmem:s17+$0xA000];
	_ =	sdelay $0x3  }
0x347: {  	s21 =	sadd.s32 $0x7800, s17  }
0x348: {  	[tilespmem:s21+$0xC800] =	vst.add.f32.msk $0xffff, v3  }
0x349: {  	v3 =	vld [tilespmem:s17+$0xA010];
	_ =	sdelay $0x4  }
0x34a: {  	[tilespmem:s21+$0xC810] =	vst.add.f32.msk $0xffff, v3  }
0x34b: {  	v3 =	vld [tilespmem:s17+$0xA020];
	_ =	sdelay $0x4  }
0x34c: {  	[tilespmem:s21+$0xC820] =	vst.add.f32.msk $0xffff, v3  }
0x34d: {  	v3 =	vld [tilespmem:s17+$0xA030];
	_ =	sdelay $0x4  }
0x34e: {  	[tilespmem:s21+$0xC830] =	vst.add.f32.msk $0xffff, v3  }
0x34f: {  	v3 =	vld [tilespmem:s17+$0xA040];
	_ =	sdelay $0x4  }
0x350: {  	[tilespmem:s21+$0xC840] =	vst.add.f32.msk $0xffff, v3  }
0x351: {  	v3 =	vld [tilespmem:s17+$0xA050];
	_ =	sdelay $0x4  }
0x352: {  	[tilespmem:s21+$0xC850] =	vst.add.f32.msk $0xffff, v3  }
0x353: {  	v3 =	vld [tilespmem:s17+$0xA060];
	_ =	sdelay $0x4  }
0x354: {  	[tilespmem:s21+$0xC860] =	vst.add.f32.msk $0xffff, v3  }
0x355: {  	v3 =	vld [tilespmem:s17+$0xA070];
	_ =	sdelay $0x4  }
0x356: {  	[tilespmem:s21+$0xC870] =	vst.add.f32.msk $0xffff, v3  }
0x357: {  	v3 =	vld [tilespmem:s17+$0xA400];
	_ =	sdelay $0x3  }
0x358: {  	s29 =	sadd.s32 $0x7C00, s17  }
0x359: {  	[tilespmem:s29+$0xC800] =	vst.add.f32.msk $0xffff, v3  }
0x35a: {  	v3 =	vld [tilespmem:s17+$0xA410];
	_ =	sdelay $0x4  }
0x35b: {  	[tilespmem:s29+$0xC810] =	vst.add.f32.msk $0xffff, v3  }
0x35c: {  	v3 =	vld [tilespmem:s17+$0xA420];
	_ =	sdelay $0x4  }
0x35d: {  	[tilespmem:s29+$0xC820] =	vst.add.f32.msk $0xffff, v3  }
0x35e: {  	v3 =	vld [tilespmem:s17+$0xA430];
	_ =	sdelay $0x4  }
0x35f: {  	[tilespmem:s29+$0xC830] =	vst.add.f32.msk $0xffff, v3  }
0x360: {  	v3 =	vld [tilespmem:s17+$0xA440];
	_ =	sdelay $0x4  }
0x361: {  	[tilespmem:s29+$0xC840] =	vst.add.f32.msk $0xffff, v3  }
0x362: {  	v3 =	vld [tilespmem:s17+$0xA450];
	_ =	sdelay $0x4  }
0x363: {  	[tilespmem:s29+$0xC850] =	vst.add.f32.msk $0xffff, v3  }
0x364: {  	v3 =	vld [tilespmem:s17+$0xA460];
	_ =	sdelay $0x4  }
0x365: {  	[tilespmem:s29+$0xC860] =	vst.add.f32.msk $0xffff, v3  }
0x366: {  	v3 =	vld [tilespmem:s17+$0xA470]  }
0x367: {  	s16 =	smul.u32 $0x28, s16  }
.Ltmp14:
0x368: {  	_ = 	snop;
	(pc) =	sbr.rel .LBB2_22-.Ltmp14, $4  }
0x369: {  	s16 =	sadd.s32 s3, s16  }
0x36a: {  	s16 =	sshll.u32 s16, $0x5  }
0x36b: {  	s16 =	sadd.s32 s2, s16;
	[tilespmem:s29+$0xC870] =	vst.add.f32.msk $0xffff, v3  }
0x36c: {  	[hbm4b:s16+s4] =	stream.linear.scatter [tilespmem:s20], [sflag:$0xC], $0x2800, $0x38;
	[tilespmem:$0x16800] =	vst v63  }
.LBB2_24:
0x36d: {  	_ =	sfence.sel $0x180000  }
0x36e: {  	[bflag:$0x0] =	sbarrier.arrive $0xFFFF  }
0x36f: {  	_ =	strace $0x9000004A  }
0x370: {  	s0 =	stileid.u32;
	[bflag:$0x2] =	sbarrier.arrive $0xFFFF  }
0x371: {  	p0 =	sne.s32 s0, $0x0;
	s0 =	rddreg [dreg:$0x3]  }
0x372: {  	s0 =	sadd.s32 @!p0 $0x100000, s0  }
0x373: {  	[sflag:s0] =	ssyncadd.tile.s32 @!p0 $0x1;
	_ =	shalt  }
.Lfunc_end2:
_tile_overlayer_lowered:
.L_overlay_start_2:
0x374: {  	(tag) =	ssettag $0x2  }
0x375: {  	s0 =	rddreg [dreg:$0x0];
	s2 =	stileid.u32  }
0x376: {  	s1 =	rddreg [dreg:$0x1];
	p0 =	sne.s32 s2, $0x0  }
0x377: {  	s3 =	rddreg [dreg:$0x2];
	[bflag:$0x3] =	sbarrier.arrive $0xFFFF;
	s2 =	simm.s32 @!p0 $0x1C0D  }
0x378: {  	[timem:s3], [sflag:s2] =	dma.local @!p0 [hbm:s0], s1  }
0x379: {  	s0 =	simm.s32 @!p0 $0xD  }
0x37a: {  	_ =	swait.ge @!p0 [sflag:s0], s1  }
0x37b: {  	s1 =	ssub.s32 @!p0 $0x0, s1;
	[sflag:s0] =	ssyncset.done @!p0 $0x0  }
0x37c: {  	[sflag:s0] =	ssyncadd.s32 @!p0 s1  }
0x37d: {  	[bflag:$0x3] =	sbarrier.arrive $0xFFFF  }
0x37e: {  	_ =	shalt  }

</sc_bundles>
